<compile_context>
chip_gen: v7x
topology: tpu7x:2x2x1
jax: 0.10.2.dev20260603
libtpu: 0.0.44.dev20260713+nightly
codegen_flags: <defaults>
</compile_context>

<pallas_src>
import functools

import jax
import jax.numpy as jnp
import numpy as np
from jax import lax
from jax.experimental import pallas as pl
from jax.experimental.pallas import tpu as pltpu
from jax.experimental.pallas import tpu_sc as plsc

N = 50000
E = 800000
EA = 16
WN = 160
DW = 32

LANES = 128
E_PAD = 802816
N_ROWS = E_PAD // LANES
ROWS_PER_W = N_ROWS // 32

G_ROWS = 14
G_GROUPS = ROWS_PER_W // G_ROWS
S_ROWS = 4
S_GROUPS = ROWS_PER_W // S_ROWS

NP = 50176
TILE_SLICE = NP // 16

TC_B = 4096
QB = TC_B // 4
TC_GRID = E_PAD // TC_B

_P128 = np.zeros((128, 128), np.float32)
for _blk in range(4):
    for _j in range(20):
        _cin = _j if _j < 8 else 8 + ((_j - 8) % 3) * 4 + (_j - 8) // 3
        _P128[_blk * 32 + _cin, _blk * 32 + _j] = 1.0

_INV_SQRT3 = float(1.0 / np.sqrt(3.0))
_INV_SQRT12 = float(1.0 / np.sqrt(12.0))
_INV_SQRT2 = float(1.0 / np.sqrt(2.0))


def _sc_gather(node_p, src_rows):
    mesh = plsc.VectorSubcoreMesh(core_axis_name="c", subcore_axis_name="s")

    @functools.partial(
        pl.kernel,
        out_type=jax.ShapeDtypeStruct((E_PAD, DW), jnp.float32),
        mesh=mesh,
        scratch_types=[
            pltpu.VMEM((G_ROWS, LANES), jnp.int32),
            pltpu.VMEM((G_ROWS * LANES, DW), jnp.float32),
            pltpu.SemaphoreType.DMA,
        ],
        compiler_params=pltpu.CompilerParams(use_tc_tiling_on_sc=False),
    )
    def gather_k(node_hbm, src_hbm, out_hbm, idx_v, gbuf, sem):
        cid = lax.axis_index("c")
        sid = lax.axis_index("s")
        wid = cid * 16 + sid
        row0 = wid * ROWS_PER_W

        def body(g, carry):
            r = row0 + g * G_ROWS
            pltpu.sync_copy(src_hbm.at[pl.ds(r, G_ROWS)], idx_v)
            copies = []
            for j in range(G_ROWS):
                copies.append(
                    pltpu.async_copy(
                        node_hbm.at[idx_v.at[j]],
                        gbuf.at[pl.ds(j * LANES, LANES)],
                        sem,
                    )
                )
            for c in copies:
                c.wait()
            pltpu.sync_copy(gbuf, out_hbm.at[pl.ds(r * LANES, G_ROWS * LANES)])
            return carry

        lax.fori_loop(0, G_GROUPS, body, 0)

    return gather_k(node_p, src_rows)


def _sc_scatter(msg, dst_rows, zeros_hbm):
    mesh = plsc.VectorSubcoreMesh(core_axis_name="c", subcore_axis_name="s")

    @functools.partial(
        pl.kernel,
        out_type=jax.ShapeDtypeStruct((2, NP, DW), jnp.float32),
        mesh=mesh,
        scratch_types=[
            pltpu.VMEM((S_ROWS, LANES), jnp.int32),
            pltpu.VMEM((S_ROWS * LANES, DW), jnp.float32),
            pltpu.VMEM_SHARED((NP, DW), jnp.float32),
            pltpu.SemaphoreType.DMA,
        ],
        compiler_params=pltpu.CompilerParams(use_tc_tiling_on_sc=False),
    )
    def scatter_k(msg_hbm, dst_hbm, zero_hbm, out_hbm, idx_v, mbuf, acc, sem):
        cid = lax.axis_index("c")
        sid = lax.axis_index("s")
        wid = cid * 16 + sid
        row0 = wid * ROWS_PER_W

        sl = pl.ds(sid * TILE_SLICE, TILE_SLICE)
        pltpu.sync_copy(zero_hbm.at[sl], acc.at[sl])
        plsc.subcore_barrier()

        def body(g, carry):
            r = row0 + g * S_ROWS
            pltpu.sync_copy(dst_hbm.at[pl.ds(r, S_ROWS)], idx_v)
            pltpu.async_copy(
                msg_hbm.at[pl.ds(r * LANES, S_ROWS * LANES)], mbuf, sem
            ).wait()
            for j in range(S_ROWS):
                pltpu.sync_copy(
                    mbuf.at[pl.ds(j * LANES, LANES)],
                    acc.at[idx_v.at[j]],
                    add=True,
                )
            return carry

        lax.fori_loop(0, S_GROUPS, body, 0)
        plsc.subcore_barrier()
        pltpu.sync_copy(acc.at[sl], out_hbm.at[cid, sl])

    return scatter_k(msg, dst_rows, zeros_hbm)


def _tc_body(ea_ref, sh_ref, g_ref, w1t_ref, b1_ref, w2t_ref, b2_ref, out_ref):
    ea = ea_ref[...]
    h = jnp.dot(w1t_ref[...], ea, preferred_element_type=jnp.float32) + b1_ref[...]
    h = h * jax.nn.sigmoid(h)
    w = jnp.dot(w2t_ref[...], h, preferred_element_type=jnp.float32) + b2_ref[...]
    shf = sh_ref[...]
    gt = g_ref[...].T

    pieces = []
    for r in range(4):
        base = r * DW
        lo = r * QB
        wr = w[:, lo: lo + QB]
        sh = shf[:, lo: lo + QB]
        x0 = gt[base: base + 8]
        x1m = [gt[base + 8 + 4 * m: base + 12 + 4 * m] for m in range(3)]
        s0 = sh[0:1]
        s1 = [sh[1 + m: 2 + m] for m in range(3)]

        x0s0 = x0 * s0
        out0 = wr[0:8] * x0s0[0:1]
        for u in range(1, 8):
            out0 = out0 + wr[8 * u: 8 * u + 8] * x0s0[u: u + 1]
        dot = (x1m[0] * s1[0] + x1m[1] * s1[1] + x1m[2] * s1[2]) * _INV_SQRT3
        for u in range(4):
            out0 = out0 + wr[112 + 8 * u: 120 + 8 * u] * dot[u: u + 1]
        out0 = out0 * _INV_SQRT12

        t2 = wr[64:68] * x0[0:1]
        for u in range(1, 8):
            t2 = t2 + wr[64 + 4 * u: 68 + 4 * u] * x0[u: u + 1]

        o1 = []
        for m in range(3):
            mp1, mp2 = (m + 1) % 3, (m + 2) % 3
            cross = (x1m[mp1] * s1[mp2] - x1m[mp2] * s1[mp1]) * _INV_SQRT2
            t3 = wr[96:100] * x1m[m][0:1]
            t5 = wr[144:148] * cross[0:1]
            for u in range(1, 4):
                t3 = t3 + wr[96 + 4 * u: 100 + 4 * u] * x1m[m][u: u + 1]
                t5 = t5 + wr[144 + 4 * u: 148 + 4 * u] * cross[u: u + 1]
            o1.append((t2 * s1[m] + t3 * s0 + t5) * 0.25)

        zpad = out0[0:4] * 0.0
        pieces.extend([out0] + o1 + [zpad, zpad, zpad])

    out_ref[...] = jnp.concatenate(pieces, axis=0).T


def _tc_compute(ea_t, sh_t, g2, W1t, b1c, W2t, b2c):
    return pl.pallas_call(
        _tc_body,
        grid=(TC_GRID,),
        in_specs=[
            pl.BlockSpec((EA, TC_B), lambda i: (0, i)),
            pl.BlockSpec((4, TC_B), lambda i: (0, i)),
            pl.BlockSpec((QB, LANES), lambda i: (i, 0)),
            pl.BlockSpec((EA, EA), lambda i: (0, 0)),
            pl.BlockSpec((EA, 1), lambda i: (0, 0)),
            pl.BlockSpec((WN, EA), lambda i: (0, 0)),
            pl.BlockSpec((WN, 1), lambda i: (0, 0)),
        ],
        out_specs=pl.BlockSpec((QB, LANES), lambda i: (i, 0)),
        out_shape=jax.ShapeDtypeStruct((E_PAD // 4, LANES), jnp.float32),
    )(ea_t, sh_t, g2, W1t, b1c, W2t, b2c)


def _tc_add(partials_packed, p128):
    def body(a_ref, p_ref, o_ref):
        o_ref[...] = jnp.dot(
            a_ref[0] + a_ref[1], p_ref[...], preferred_element_type=jnp.float32
        )

    rows = NP // 4
    blk = rows // 8
    return pl.pallas_call(
        body,
        grid=(8,),
        in_specs=[
            pl.BlockSpec((2, blk, LANES), lambda i: (0, i, 0)),
            pl.BlockSpec((LANES, LANES), lambda i: (0, 0)),
        ],
        out_specs=pl.BlockSpec((blk, LANES), lambda i: (i, 0)),
        out_shape=jax.ShapeDtypeStruct((rows, LANES), jnp.float32),
    )(partials_packed, p128)


def kernel(node_attr, edge_index, edge_attr, edge_sh, W1, b1, W2, b2):
    node_t = node_attr.T
    node_p = jnp.concatenate(
        [node_t[0:8]]
        + [node_t[8 + u * 3 + m: 9 + u * 3 + m] for m in range(3) for u in range(4)]
        + [jnp.zeros((DW - 20, N), jnp.float32)],
        axis=0,
    ).T
    pad = E_PAD - E
    spread_src = (jnp.arange(pad, dtype=jnp.int32) * 61) % N
    spread_dst = N + (jnp.arange(pad, dtype=jnp.int32) % (NP - N))
    src_st = jnp.concatenate([edge_index[0], spread_src])         .reshape(TC_GRID, 4, QB).transpose(0, 2, 1).reshape(N_ROWS, LANES)
    dst_st = jnp.concatenate([edge_index[1], spread_dst])         .reshape(TC_GRID, 4, QB).transpose(0, 2, 1).reshape(N_ROWS, LANES)

    ea_t = jnp.pad(edge_attr.T, ((0, 0), (0, pad)))
    sh_t = jnp.pad(edge_sh.T, ((0, 0), (0, pad)))

    gathered = _sc_gather(node_p, src_st)
    g2 = gathered.reshape(E_PAD // 4, LANES)
    msg2 = _tc_compute(
        ea_t, sh_t, g2, W1.T, b1.reshape(EA, 1), W2.T, b2.reshape(WN, 1)
    )
    msg = msg2.reshape(E_PAD, DW)
    partials = _sc_scatter(msg, dst_st, jnp.zeros((NP, DW), jnp.float32))
    outp = _tc_add(partials.reshape(2, NP // 4, LANES), jnp.asarray(_P128))
    return outp.reshape(NP, DW)[:N, :20]

# --- scband reference (transcript-rebuilt; emitter-appended) ---
"""Pipeline reference for scband-conv-80401787781783 (READ-ONLY COPY).

The authoritative reference and input builder live on the scoring server;
editing this copy changes nothing except your own understanding.
"""

import jax, jax.numpy as jnp
import numpy as np

N = 50000
E = 800000
M0 = 8   # multiplicity of 0e irreps
M1 = 4   # multiplicity of 1o irreps
EA = 16  # edge_attr_dim
WN = M0*M0 + M0*M1 + M1*M1 + M1*M0 + M1*M1  # 160 tensor-product weights


def setup_inputs(seed: int = 0) -> dict:
    key = jax.random.key(seed)
    ks = jax.random.split(key, 8)
    node_attr = jax.random.normal(ks[0], (N, M0 + 3 * M1), dtype=jnp.float32)
    edge_index = jax.random.randint(ks[1], (2, E), 0, N, dtype=jnp.int32)
    edge_attr = jax.random.normal(ks[2], (E, EA), dtype=jnp.float32)
    edge_sh = jax.random.normal(ks[3], (E, 4), dtype=jnp.float32)
    # radial MLP params: Linear(EA->EA) -> SiLU -> Linear(EA->WN)
    W1 = jax.random.normal(ks[4], (EA, EA), dtype=jnp.float32) / np.sqrt(EA)
    b1 = jnp.zeros((EA,), dtype=jnp.float32)
    W2 = jax.random.normal(ks[5], (EA, WN), dtype=jnp.float32) / np.sqrt(EA)
    b2 = jnp.zeros((WN,), dtype=jnp.float32)
    return {"node_attr": node_attr, "edge_index": edge_index, "edge_attr": edge_attr,
            "edge_sh": edge_sh, "W1": W1, "b1": b1, "W2": W2, "b2": b2}


def _tensor_product(x, sh, w):
    # FullyConnectedTensorProduct(8x0e+4x1o, 1x0e+1x1o -> 8x0e+4x1o), per-edge weights
    x0 = x[:, :M0]                       # [E, 8]
    x1 = x[:, M0:].reshape(-1, M1, 3)    # [E, 4, 3]
    s0 = sh[:, 0]                        # [E]
    s1 = sh[:, 1:4]                      # [E, 3]
    w1 = w[:, 0:64].reshape(-1, M0, M0)      # 0e x 0e -> 0e
    w2 = w[:, 64:96].reshape(-1, M0, M1)     # 0e x 1o -> 1o
    w3 = w[:, 96:112].reshape(-1, M1, M1)    # 1o x 0e -> 1o
    w4 = w[:, 112:144].reshape(-1, M1, M0)   # 1o x 1o -> 0e
    w5 = w[:, 144:160].reshape(-1, M1, M1)   # 1o x 1o -> 1o
    # scalar output (fan-in = 8 + 4 = 12)
    out0 = jnp.einsum('euw,eu->ew', w1, x0 * s0[:, None])
    dot = jnp.einsum('eum,em->eu', x1, s1) / np.sqrt(3.0)
    out0 = out0 + jnp.einsum('euw,eu->ew', w4, dot)
    out0 = out0 / np.sqrt(12.0)
    # vector output (fan-in = 8 + 4 + 4 = 16)
    o1 = jnp.einsum('euw,eu,em->ewm', w2, x0, s1)
    o1 = o1 + jnp.einsum('euw,eum->ewm', w3, x1) * s0[:, None, None]
    cross = jnp.cross(x1, s1[:, None, :]) / np.sqrt(2.0)
    o1 = o1 + jnp.einsum('euw,eum->ewm', w5, cross)
    o1 = o1 / np.sqrt(16.0)
    return jnp.concatenate([out0, o1.reshape(o1.shape[0], M1 * 3)], axis=1)


def reference(node_attr, edge_index, edge_attr, edge_sh, W1, b1, W2, b2):
    # radial NN produces per-edge tensor-product weights
    h = jax.nn.silu(edge_attr @ W1 + b1)
    w = h @ W2 + b2                       # [E, 160]
    src = edge_index[0]
    dst = edge_index[1]
    msg = _tensor_product(node_attr[src], edge_sh, w)  # [E, 20]
    out = jax.ops.segment_sum(msg, dst, num_segments=node_attr.shape[0])  # [N, 20]
    return out

if __name__ == "__main__":
    import jax
    _d = setup_inputs()
    print(jax.jit(kernel)(*tuple(_d.values())))

</pallas_src>

<mosaic_0001>
#map = affine_map<(d0, d1) -> (0, 0)>
module attributes {stable_mosaic.version = 14 : i64} {
  func.func @gather_k(%arg0: i32, %arg1: i32, %arg2: memref<50000x32xf32, #tpu.memory_space<hbm>>, %arg3: memref<6272x128xi32, #tpu.memory_space<hbm>>, %arg4: memref<802816x32xf32, #tpu.memory_space<hbm>>, %arg5: memref<14x128xi32, #tpu.memory_space<vmem>>, %arg6: memref<1792x32xf32, #tpu.memory_space<vmem>>, %arg7: memref<!tpu.dma_semaphore, #tpu.memory_space<semaphore_mem>>) attributes {dimension_semantics = [#tpu.dimension_semantics<core_parallel>, #tpu.dimension_semantics<subcore_parallel>], iteration_bounds = array<i64: 2, 16>, scalar_prefetch = 0 : i64, scratch_operands = 3 : i64, tpu.core_type = #tpu.core_type<sc_vector_subcore>, window_params = [{transform_indices = #map}, {transform_indices = #map}, {transform_indices = #map}]} {
    %mul3A = arith.constant 16 : i32
    %mul3A_0 = arith.muli %arg0, %mul3A : i32
    %add3A = arith.addi %mul3A_0, %arg1 : i32
    %mul3A_1 = arith.constant 196 : i32
    %mul3A_2 = arith.muli %add3A, %mul3A_1 : i32
    %scan3A = arith.constant 0 : i32
    %scan3A_3 = arith.constant 0 : i32
    %scan3A_4 = arith.constant 14 : i32
    %scan3A_5 = arith.addi %scan3A_3, %scan3A_4 : i32
    %scan3A_6 = arith.constant 1 : i32
    scf.for %scan3A_8 = %scan3A_3 to %scan3A_5 step %scan3A_6  : i32 {
      %mul3A_9 = arith.constant 14 : i32
      %mul3A_10 = arith.muli %scan3A_8, %mul3A_9 : i32
      %add3A_11 = arith.addi %mul3A_2, %mul3A_10 : i32
      "tpu.region"() ({
        %run_scoped3A = tpu.sem_alloc : memref<!tpu.dma_semaphore, #tpu.memory_space<semaphore_mem>>
        %dma_start3A_292 = arith.constant 0 : i32
        %dma_start3A_293 = tpu.memref_slice %arg3[%add3A_11, %dma_start3A_292] : memref<6272x128xi32, #tpu.memory_space<hbm>> -> memref<14x128xi32, #tpu.memory_space<hbm>>
        %dma_start3A_294 = arith.constant 0 : i32
        %dma_start3A_295 = tpu.memref_slice %arg3[%add3A_11, %dma_start3A_294] : memref<6272x128xi32, #tpu.memory_space<hbm>> -> memref<14x128xi32, #tpu.memory_space<hbm>>
        tpu.enqueue_dma source(%dma_start3A_295 : memref<14x128xi32, #tpu.memory_space<hbm>>) target(%arg5 : memref<14x128xi32, #tpu.memory_space<vmem>>) target_semaphore(%run_scoped3A : memref<!tpu.dma_semaphore, #tpu.memory_space<semaphore_mem>>)
        %dma_wait3A_296 = arith.constant 0 : i32
        %dma_wait3A_297 = tpu.memref_slice %arg3[%add3A_11, %dma_wait3A_296] : memref<6272x128xi32, #tpu.memory_space<hbm>> -> memref<14x128xi32, #tpu.memory_space<hbm>>
        %dma_wait3A_298 = arith.constant 0 : i32
        %dma_wait3A_299 = tpu.memref_slice %arg3[%add3A_11, %dma_wait3A_298] : memref<6272x128xi32, #tpu.memory_space<hbm>> -> memref<14x128xi32, #tpu.memory_space<hbm>>
        tpu.wait_dma2 semaphore(%run_scoped3A : memref<!tpu.dma_semaphore, #tpu.memory_space<semaphore_mem>>) src(%dma_wait3A_299 : memref<14x128xi32, #tpu.memory_space<hbm>>) dst(%arg5 : memref<14x128xi32, #tpu.memory_space<vmem>>)
        tpu.yield
      }) : () -> ()
      %dma_start3A = arith.constant 0 : i32
      %dma_start3A_12 = arith.constant 0 : i32
      %dma_start3A_13 = arith.constant 0 : i32
      %dma_start3A_14 = tpu.memref_slice %arg6[%dma_start3A_12, %dma_start3A_13] : memref<1792x32xf32, #tpu.memory_space<vmem>> -> memref<128x32xf32, #tpu.memory_space<vmem>>
      %dma_start3A_15 = arith.constant 0 : i32
      %dma_start3A_16 = tpu.memref_slice %arg5[%dma_start3A, %dma_start3A_15] : memref<14x128xi32, #tpu.memory_space<vmem>> -> memref<1x128xi32, #tpu.memory_space<vmem>>
      %dma_start3A_17 = tpu.memref_squeeze %dma_start3A_16 : memref<1x128xi32, #tpu.memory_space<vmem>> -> memref<128xi32, #tpu.memory_space<vmem>>
      %dma_start3A_18 = arith.constant 0 : i32
      %dma_start3A_19 = arith.constant 0 : i32
      %dma_start3A_20 = tpu.memref_slice %arg2[%dma_start3A_18, %dma_start3A_19] : memref<50000x32xf32, #tpu.memory_space<hbm>> -> memref<50000x32xf32, #tpu.memory_space<hbm>>
      tpu.enqueue_indirect_dma source(%dma_start3A_20 : memref<50000x32xf32, #tpu.memory_space<hbm>>) target(%dma_start3A_14 : memref<128x32xf32, #tpu.memory_space<vmem>>) offsets(%dma_start3A_17 : memref<128xi32, #tpu.memory_space<vmem>>) semaphore(%arg7 : memref<!tpu.dma_semaphore, #tpu.memory_space<semaphore_mem>>)
      %dma_start3A_21 = arith.constant 1 : i32
      %dma_start3A_22 = arith.constant 128 : i32
      %dma_start3A_23 = arith.constant 0 : i32
      %dma_start3A_24 = tpu.memref_slice %arg6[%dma_start3A_22, %dma_start3A_23] : memref<1792x32xf32, #tpu.memory_space<vmem>> -> memref<128x32xf32, #tpu.memory_space<vmem>>
      %dma_start3A_25 = arith.constant 0 : i32
      %dma_start3A_26 = tpu.memref_slice %arg5[%dma_start3A_21, %dma_start3A_25] : memref<14x128xi32, #tpu.memory_space<vmem>> -> memref<1x128xi32, #tpu.memory_space<vmem>>
      %dma_start3A_27 = tpu.memref_squeeze %dma_start3A_26 : memref<1x128xi32, #tpu.memory_space<vmem>> -> memref<128xi32, #tpu.memory_space<vmem>>
      %dma_start3A_28 = arith.constant 0 : i32
      %dma_start3A_29 = arith.constant 0 : i32
      %dma_start3A_30 = tpu.memref_slice %arg2[%dma_start3A_28, %dma_start3A_29] : memref<50000x32xf32, #tpu.memory_space<hbm>> -> memref<50000x32xf32, #tpu.memory_space<hbm>>
      tpu.enqueue_indirect_dma source(%dma_start3A_30 : memref<50000x32xf32, #tpu.memory_space<hbm>>) target(%dma_start3A_24 : memref<128x32xf32, #tpu.memory_space<vmem>>) offsets(%dma_start3A_27 : memref<128xi32, #tpu.memory_space<vmem>>) semaphore(%arg7 : memref<!tpu.dma_semaphore, #tpu.memory_space<semaphore_mem>>)
      %dma_start3A_31 = arith.constant 2 : i32
      %dma_start3A_32 = arith.constant 256 : i32
      %dma_start3A_33 = arith.constant 0 : i32
      %dma_start3A_34 = tpu.memref_slice %arg6[%dma_start3A_32, %dma_start3A_33] : memref<1792x32xf32, #tpu.memory_space<vmem>> -> memref<128x32xf32, #tpu.memory_space<vmem>>
      %dma_start3A_35 = arith.constant 0 : i32
      %dma_start3A_36 = tpu.memref_slice %arg5[%dma_start3A_31, %dma_start3A_35] : memref<14x128xi32, #tpu.memory_space<vmem>> -> memref<1x128xi32, #tpu.memory_space<vmem>>
      %dma_start3A_37 = tpu.memref_squeeze %dma_start3A_36 : memref<1x128xi32, #tpu.memory_space<vmem>> -> memref<128xi32, #tpu.memory_space<vmem>>
      %dma_start3A_38 = arith.constant 0 : i32
      %dma_start3A_39 = arith.constant 0 : i32
      %dma_start3A_40 = tpu.memref_slice %arg2[%dma_start3A_38, %dma_start3A_39] : memref<50000x32xf32, #tpu.memory_space<hbm>> -> memref<50000x32xf32, #tpu.memory_space<hbm>>
      tpu.enqueue_indirect_dma source(%dma_start3A_40 : memref<50000x32xf32, #tpu.memory_space<hbm>>) target(%dma_start3A_34 : memref<128x32xf32, #tpu.memory_space<vmem>>) offsets(%dma_start3A_37 : memref<128xi32, #tpu.memory_space<vmem>>) semaphore(%arg7 : memref<!tpu.dma_semaphore, #tpu.memory_space<semaphore_mem>>)
      %dma_start3A_41 = arith.constant 3 : i32
      %dma_start3A_42 = arith.constant 384 : i32
      %dma_start3A_43 = arith.constant 0 : i32
      %dma_start3A_44 = tpu.memref_slice %arg6[%dma_start3A_42, %dma_start3A_43] : memref<1792x32xf32, #tpu.memory_space<vmem>> -> memref<128x32xf32, #tpu.memory_space<vmem>>
      %dma_start3A_45 = arith.constant 0 : i32
      %dma_start3A_46 = tpu.memref_slice %arg5[%dma_start3A_41, %dma_start3A_45] : memref<14x128xi32, #tpu.memory_space<vmem>> -> memref<1x128xi32, #tpu.memory_space<vmem>>
      %dma_start3A_47 = tpu.memref_squeeze %dma_start3A_46 : memref<1x128xi32, #tpu.memory_space<vmem>> -> memref<128xi32, #tpu.memory_space<vmem>>
      %dma_start3A_48 = arith.constant 0 : i32
      %dma_start3A_49 = arith.constant 0 : i32
      %dma_start3A_50 = tpu.memref_slice %arg2[%dma_start3A_48, %dma_start3A_49] : memref<50000x32xf32, #tpu.memory_space<hbm>> -> memref<50000x32xf32, #tpu.memory_space<hbm>>
      tpu.enqueue_indirect_dma source(%dma_start3A_50 : memref<50000x32xf32, #tpu.memory_space<hbm>>) target(%dma_start3A_44 : memref<128x32xf32, #tpu.memory_space<vmem>>) offsets(%dma_start3A_47 : memref<128xi32, #tpu.memory_space<vmem>>) semaphore(%arg7 : memref<!tpu.dma_semaphore, #tpu.memory_space<semaphore_mem>>)
      %dma_start3A_51 = arith.constant 4 : i32
      %dma_start3A_52 = arith.constant 512 : i32
      %dma_start3A_53 = arith.constant 0 : i32
      %dma_start3A_54 = tpu.memref_slice %arg6[%dma_start3A_52, %dma_start3A_53] : memref<1792x32xf32, #tpu.memory_space<vmem>> -> memref<128x32xf32, #tpu.memory_space<vmem>>
      %dma_start3A_55 = arith.constant 0 : i32
      %dma_start3A_56 = tpu.memref_slice %arg5[%dma_start3A_51, %dma_start3A_55] : memref<14x128xi32, #tpu.memory_space<vmem>> -> memref<1x128xi32, #tpu.memory_space<vmem>>
      %dma_start3A_57 = tpu.memref_squeeze %dma_start3A_56 : memref<1x128xi32, #tpu.memory_space<vmem>> -> memref<128xi32, #tpu.memory_space<vmem>>
      %dma_start3A_58 = arith.constant 0 : i32
      %dma_start3A_59 = arith.constant 0 : i32
      %dma_start3A_60 = tpu.memref_slice %arg2[%dma_start3A_58, %dma_start3A_59] : memref<50000x32xf32, #tpu.memory_space<hbm>> -> memref<50000x32xf32, #tpu.memory_space<hbm>>
      tpu.enqueue_indirect_dma source(%dma_start3A_60 : memref<50000x32xf32, #tpu.memory_space<hbm>>) target(%dma_start3A_54 : memref<128x32xf32, #tpu.memory_space<vmem>>) offsets(%dma_start3A_57 : memref<128xi32, #tpu.memory_space<vmem>>) semaphore(%arg7 : memref<!tpu.dma_semaphore, #tpu.memory_space<semaphore_mem>>)
      %dma_start3A_61 = arith.constant 5 : i32
      %dma_start3A_62 = arith.constant 640 : i32
      %dma_start3A_63 = arith.constant 0 : i32
      %dma_start3A_64 = tpu.memref_slice %arg6[%dma_start3A_62, %dma_start3A_63] : memref<1792x32xf32, #tpu.memory_space<vmem>> -> memref<128x32xf32, #tpu.memory_space<vmem>>
      %dma_start3A_65 = arith.constant 0 : i32
      %dma_start3A_66 = tpu.memref_slice %arg5[%dma_start3A_61, %dma_start3A_65] : memref<14x128xi32, #tpu.memory_space<vmem>> -> memref<1x128xi32, #tpu.memory_space<vmem>>
      %dma_start3A_67 = tpu.memref_squeeze %dma_start3A_66 : memref<1x128xi32, #tpu.memory_space<vmem>> -> memref<128xi32, #tpu.memory_space<vmem>>
      %dma_start3A_68 = arith.constant 0 : i32
      %dma_start3A_69 = arith.constant 0 : i32
      %dma_start3A_70 = tpu.memref_slice %arg2[%dma_start3A_68, %dma_start3A_69] : memref<50000x32xf32, #tpu.memory_space<hbm>> -> memref<50000x32xf32, #tpu.memory_space<hbm>>
      tpu.enqueue_indirect_dma source(%dma_start3A_70 : memref<50000x32xf32, #tpu.memory_space<hbm>>) target(%dma_start3A_64 : memref<128x32xf32, #tpu.memory_space<vmem>>) offsets(%dma_start3A_67 : memref<128xi32, #tpu.memory_space<vmem>>) semaphore(%arg7 : memref<!tpu.dma_semaphore, #tpu.memory_space<semaphore_mem>>)
      %dma_start3A_71 = arith.constant 6 : i32
      %dma_start3A_72 = arith.constant 768 : i32
      %dma_start3A_73 = arith.constant 0 : i32
      %dma_start3A_74 = tpu.memref_slice %arg6[%dma_start3A_72, %dma_start3A_73] : memref<1792x32xf32, #tpu.memory_space<vmem>> -> memref<128x32xf32, #tpu.memory_space<vmem>>
      %dma_start3A_75 = arith.constant 0 : i32
      %dma_start3A_76 = tpu.memref_slice %arg5[%dma_start3A_71, %dma_start3A_75] : memref<14x128xi32, #tpu.memory_space<vmem>> -> memref<1x128xi32, #tpu.memory_space<vmem>>
      %dma_start3A_77 = tpu.memref_squeeze %dma_start3A_76 : memref<1x128xi32, #tpu.memory_space<vmem>> -> memref<128xi32, #tpu.memory_space<vmem>>
      %dma_start3A_78 = arith.constant 0 : i32
      %dma_start3A_79 = arith.constant 0 : i32
      %dma_start3A_80 = tpu.memref_slice %arg2[%dma_start3A_78, %dma_start3A_79] : memref<50000x32xf32, #tpu.memory_space<hbm>> -> memref<50000x32xf32, #tpu.memory_space<hbm>>
      tpu.enqueue_indirect_dma source(%dma_start3A_80 : memref<50000x32xf32, #tpu.memory_space<hbm>>) target(%dma_start3A_74 : memref<128x32xf32, #tpu.memory_space<vmem>>) offsets(%dma_start3A_77 : memref<128xi32, #tpu.memory_space<vmem>>) semaphore(%arg7 : memref<!tpu.dma_semaphore, #tpu.memory_space<semaphore_mem>>)
      %dma_start3A_81 = arith.constant 7 : i32
      %dma_start3A_82 = arith.constant 896 : i32
      %dma_start3A_83 = arith.constant 0 : i32
      %dma_start3A_84 = tpu.memref_slice %arg6[%dma_start3A_82, %dma_start3A_83] : memref<1792x32xf32, #tpu.memory_space<vmem>> -> memref<128x32xf32, #tpu.memory_space<vmem>>
      %dma_start3A_85 = arith.constant 0 : i32
      %dma_start3A_86 = tpu.memref_slice %arg5[%dma_start3A_81, %dma_start3A_85] : memref<14x128xi32, #tpu.memory_space<vmem>> -> memref<1x128xi32, #tpu.memory_space<vmem>>
      %dma_start3A_87 = tpu.memref_squeeze %dma_start3A_86 : memref<1x128xi32, #tpu.memory_space<vmem>> -> memref<128xi32, #tpu.memory_space<vmem>>
      %dma_start3A_88 = arith.constant 0 : i32
      %dma_start3A_89 = arith.constant 0 : i32
      %dma_start3A_90 = tpu.memref_slice %arg2[%dma_start3A_88, %dma_start3A_89] : memref<50000x32xf32, #tpu.memory_space<hbm>> -> memref<50000x32xf32, #tpu.memory_space<hbm>>
      tpu.enqueue_indirect_dma source(%dma_start3A_90 : memref<50000x32xf32, #tpu.memory_space<hbm>>) target(%dma_start3A_84 : memref<128x32xf32, #tpu.memory_space<vmem>>) offsets(%dma_start3A_87 : memref<128xi32, #tpu.memory_space<vmem>>) semaphore(%arg7 : memref<!tpu.dma_semaphore, #tpu.memory_space<semaphore_mem>>)
      %dma_start3A_91 = arith.constant 8 : i32
      %dma_start3A_92 = arith.constant 1024 : i32
      %dma_start3A_93 = arith.constant 0 : i32
      %dma_start3A_94 = tpu.memref_slice %arg6[%dma_start3A_92, %dma_start3A_93] : memref<1792x32xf32, #tpu.memory_space<vmem>> -> memref<128x32xf32, #tpu.memory_space<vmem>>
      %dma_start3A_95 = arith.constant 0 : i32
      %dma_start3A_96 = tpu.memref_slice %arg5[%dma_start3A_91, %dma_start3A_95] : memref<14x128xi32, #tpu.memory_space<vmem>> -> memref<1x128xi32, #tpu.memory_space<vmem>>
      %dma_start3A_97 = tpu.memref_squeeze %dma_start3A_96 : memref<1x128xi32, #tpu.memory_space<vmem>> -> memref<128xi32, #tpu.memory_space<vmem>>
      %dma_start3A_98 = arith.constant 0 : i32
      %dma_start3A_99 = arith.constant 0 : i32
      %dma_start3A_100 = tpu.memref_slice %arg2[%dma_start3A_98, %dma_start3A_99] : memref<50000x32xf32, #tpu.memory_space<hbm>> -> memref<50000x32xf32, #tpu.memory_space<hbm>>
      tpu.enqueue_indirect_dma source(%dma_start3A_100 : memref<50000x32xf32, #tpu.memory_space<hbm>>) target(%dma_start3A_94 : memref<128x32xf32, #tpu.memory_space<vmem>>) offsets(%dma_start3A_97 : memref<128xi32, #tpu.memory_space<vmem>>) semaphore(%arg7 : memref<!tpu.dma_semaphore, #tpu.memory_space<semaphore_mem>>)
      %dma_start3A_101 = arith.constant 9 : i32
      %dma_start3A_102 = arith.constant 1152 : i32
      %dma_start3A_103 = arith.constant 0 : i32
      %dma_start3A_104 = tpu.memref_slice %arg6[%dma_start3A_102, %dma_start3A_103] : memref<1792x32xf32, #tpu.memory_space<vmem>> -> memref<128x32xf32, #tpu.memory_space<vmem>>
      %dma_start3A_105 = arith.constant 0 : i32
      %dma_start3A_106 = tpu.memref_slice %arg5[%dma_start3A_101, %dma_start3A_105] : memref<14x128xi32, #tpu.memory_space<vmem>> -> memref<1x128xi32, #tpu.memory_space<vmem>>
      %dma_start3A_107 = tpu.memref_squeeze %dma_start3A_106 : memref<1x128xi32, #tpu.memory_space<vmem>> -> memref<128xi32, #tpu.memory_space<vmem>>
      %dma_start3A_108 = arith.constant 0 : i32
      %dma_start3A_109 = arith.constant 0 : i32
      %dma_start3A_110 = tpu.memref_slice %arg2[%dma_start3A_108, %dma_start3A_109] : memref<50000x32xf32, #tpu.memory_space<hbm>> -> memref<50000x32xf32, #tpu.memory_space<hbm>>
      tpu.enqueue_indirect_dma source(%dma_start3A_110 : memref<50000x32xf32, #tpu.memory_space<hbm>>) target(%dma_start3A_104 : memref<128x32xf32, #tpu.memory_space<vmem>>) offsets(%dma_start3A_107 : memref<128xi32, #tpu.memory_space<vmem>>) semaphore(%arg7 : memref<!tpu.dma_semaphore, #tpu.memory_space<semaphore_mem>>)
      %dma_start3A_111 = arith.constant 10 : i32
      %dma_start3A_112 = arith.constant 1280 : i32
      %dma_start3A_113 = arith.constant 0 : i32
      %dma_start3A_114 = tpu.memref_slice %arg6[%dma_start3A_112, %dma_start3A_113] : memref<1792x32xf32, #tpu.memory_space<vmem>> -> memref<128x32xf32, #tpu.memory_space<vmem>>
      %dma_start3A_115 = arith.constant 0 : i32
      %dma_start3A_116 = tpu.memref_slice %arg5[%dma_start3A_111, %dma_start3A_115] : memref<14x128xi32, #tpu.memory_space<vmem>> -> memref<1x128xi32, #tpu.memory_space<vmem>>
      %dma_start3A_117 = tpu.memref_squeeze %dma_start3A_116 : memref<1x128xi32, #tpu.memory_space<vmem>> -> memref<128xi32, #tpu.memory_space<vmem>>
      %dma_start3A_118 = arith.constant 0 : i32
      %dma_start3A_119 = arith.constant 0 : i32
      %dma_start3A_120 = tpu.memref_slice %arg2[%dma_start3A_118, %dma_start3A_119] : memref<50000x32xf32, #tpu.memory_space<hbm>> -> memref<50000x32xf32, #tpu.memory_space<hbm>>
      tpu.enqueue_indirect_dma source(%dma_start3A_120 : memref<50000x32xf32, #tpu.memory_space<hbm>>) target(%dma_start3A_114 : memref<128x32xf32, #tpu.memory_space<vmem>>) offsets(%dma_start3A_117 : memref<128xi32, #tpu.memory_space<vmem>>) semaphore(%arg7 : memref<!tpu.dma_semaphore, #tpu.memory_space<semaphore_mem>>)
      %dma_start3A_121 = arith.constant 11 : i32
      %dma_start3A_122 = arith.constant 1408 : i32
      %dma_start3A_123 = arith.constant 0 : i32
      %dma_start3A_124 = tpu.memref_slice %arg6[%dma_start3A_122, %dma_start3A_123] : memref<1792x32xf32, #tpu.memory_space<vmem>> -> memref<128x32xf32, #tpu.memory_space<vmem>>
      %dma_start3A_125 = arith.constant 0 : i32
      %dma_start3A_126 = tpu.memref_slice %arg5[%dma_start3A_121, %dma_start3A_125] : memref<14x128xi32, #tpu.memory_space<vmem>> -> memref<1x128xi32, #tpu.memory_space<vmem>>
      %dma_start3A_127 = tpu.memref_squeeze %dma_start3A_126 : memref<1x128xi32, #tpu.memory_space<vmem>> -> memref<128xi32, #tpu.memory_space<vmem>>
      %dma_start3A_128 = arith.constant 0 : i32
      %dma_start3A_129 = arith.constant 0 : i32
      %dma_start3A_130 = tpu.memref_slice %arg2[%dma_start3A_128, %dma_start3A_129] : memref<50000x32xf32, #tpu.memory_space<hbm>> -> memref<50000x32xf32, #tpu.memory_space<hbm>>
      tpu.enqueue_indirect_dma source(%dma_start3A_130 : memref<50000x32xf32, #tpu.memory_space<hbm>>) target(%dma_start3A_124 : memref<128x32xf32, #tpu.memory_space<vmem>>) offsets(%dma_start3A_127 : memref<128xi32, #tpu.memory_space<vmem>>) semaphore(%arg7 : memref<!tpu.dma_semaphore, #tpu.memory_space<semaphore_mem>>)
      %dma_start3A_131 = arith.constant 12 : i32
      %dma_start3A_132 = arith.constant 1536 : i32
      %dma_start3A_133 = arith.constant 0 : i32
      %dma_start3A_134 = tpu.memref_slice %arg6[%dma_start3A_132, %dma_start3A_133] : memref<1792x32xf32, #tpu.memory_space<vmem>> -> memref<128x32xf32, #tpu.memory_space<vmem>>
      %dma_start3A_135 = arith.constant 0 : i32
      %dma_start3A_136 = tpu.memref_slice %arg5[%dma_start3A_131, %dma_start3A_135] : memref<14x128xi32, #tpu.memory_space<vmem>> -> memref<1x128xi32, #tpu.memory_space<vmem>>
      %dma_start3A_137 = tpu.memref_squeeze %dma_start3A_136 : memref<1x128xi32, #tpu.memory_space<vmem>> -> memref<128xi32, #tpu.memory_space<vmem>>
      %dma_start3A_138 = arith.constant 0 : i32
      %dma_start3A_139 = arith.constant 0 : i32
      %dma_start3A_140 = tpu.memref_slice %arg2[%dma_start3A_138, %dma_start3A_139] : memref<50000x32xf32, #tpu.memory_space<hbm>> -> memref<50000x32xf32, #tpu.memory_space<hbm>>
      tpu.enqueue_indirect_dma source(%dma_start3A_140 : memref<50000x32xf32, #tpu.memory_space<hbm>>) target(%dma_start3A_134 : memref<128x32xf32, #tpu.memory_space<vmem>>) offsets(%dma_start3A_137 : memref<128xi32, #tpu.memory_space<vmem>>) semaphore(%arg7 : memref<!tpu.dma_semaphore, #tpu.memory_space<semaphore_mem>>)
      %dma_start3A_141 = arith.constant 13 : i32
      %dma_start3A_142 = arith.constant 1664 : i32
      %dma_start3A_143 = arith.constant 0 : i32
      %dma_start3A_144 = tpu.memref_slice %arg6[%dma_start3A_142, %dma_start3A_143] : memref<1792x32xf32, #tpu.memory_space<vmem>> -> memref<128x32xf32, #tpu.memory_space<vmem>>
      %dma_start3A_145 = arith.constant 0 : i32
      %dma_start3A_146 = tpu.memref_slice %arg5[%dma_start3A_141, %dma_start3A_145] : memref<14x128xi32, #tpu.memory_space<vmem>> -> memref<1x128xi32, #tpu.memory_space<vmem>>
      %dma_start3A_147 = tpu.memref_squeeze %dma_start3A_146 : memref<1x128xi32, #tpu.memory_space<vmem>> -> memref<128xi32, #tpu.memory_space<vmem>>
      %dma_start3A_148 = arith.constant 0 : i32
      %dma_start3A_149 = arith.constant 0 : i32
      %dma_start3A_150 = tpu.memref_slice %arg2[%dma_start3A_148, %dma_start3A_149] : memref<50000x32xf32, #tpu.memory_space<hbm>> -> memref<50000x32xf32, #tpu.memory_space<hbm>>
      tpu.enqueue_indirect_dma source(%dma_start3A_150 : memref<50000x32xf32, #tpu.memory_space<hbm>>) target(%dma_start3A_144 : memref<128x32xf32, #tpu.memory_space<vmem>>) offsets(%dma_start3A_147 : memref<128xi32, #tpu.memory_space<vmem>>) semaphore(%arg7 : memref<!tpu.dma_semaphore, #tpu.memory_space<semaphore_mem>>)
      %dma_wait3A = arith.constant 0 : i32
      %dma_wait3A_151 = arith.constant 0 : i32
      %dma_wait3A_152 = arith.constant 0 : i32
      %dma_wait3A_153 = tpu.memref_slice %arg6[%dma_wait3A_151, %dma_wait3A_152] : memref<1792x32xf32, #tpu.memory_space<vmem>> -> memref<128x32xf32, #tpu.memory_space<vmem>>
      %dma_wait3A_154 = arith.constant 0 : i32
      %dma_wait3A_155 = tpu.memref_slice %arg5[%dma_wait3A, %dma_wait3A_154] : memref<14x128xi32, #tpu.memory_space<vmem>> -> memref<1x128xi32, #tpu.memory_space<vmem>>
      %dma_wait3A_156 = tpu.memref_squeeze %dma_wait3A_155 : memref<1x128xi32, #tpu.memory_space<vmem>> -> memref<128xi32, #tpu.memory_space<vmem>>
      %dma_wait3A_157 = arith.constant 0 : i32
      %dma_wait3A_158 = arith.constant 0 : i32
      %dma_wait3A_159 = tpu.memref_slice %arg2[%dma_wait3A_157, %dma_wait3A_158] : memref<50000x32xf32, #tpu.memory_space<hbm>> -> memref<50000x32xf32, #tpu.memory_space<hbm>>
      tpu.wait_indirect_dma semaphore(%arg7 : memref<!tpu.dma_semaphore, #tpu.memory_space<semaphore_mem>>) src(%dma_wait3A_159 : memref<50000x32xf32, #tpu.memory_space<hbm>>) dst(%dma_wait3A_153 : memref<128x32xf32, #tpu.memory_space<vmem>>)
      %dma_wait3A_160 = arith.constant 1 : i32
      %dma_wait3A_161 = arith.constant 128 : i32
      %dma_wait3A_162 = arith.constant 0 : i32
      %dma_wait3A_163 = tpu.memref_slice %arg6[%dma_wait3A_161, %dma_wait3A_162] : memref<1792x32xf32, #tpu.memory_space<vmem>> -> memref<128x32xf32, #tpu.memory_space<vmem>>
      %dma_wait3A_164 = arith.constant 0 : i32
      %dma_wait3A_165 = tpu.memref_slice %arg5[%dma_wait3A_160, %dma_wait3A_164] : memref<14x128xi32, #tpu.memory_space<vmem>> -> memref<1x128xi32, #tpu.memory_space<vmem>>
      %dma_wait3A_166 = tpu.memref_squeeze %dma_wait3A_165 : memref<1x128xi32, #tpu.memory_space<vmem>> -> memref<128xi32, #tpu.memory_space<vmem>>
      %dma_wait3A_167 = arith.constant 0 : i32
      %dma_wait3A_168 = arith.constant 0 : i32
      %dma_wait3A_169 = tpu.memref_slice %arg2[%dma_wait3A_167, %dma_wait3A_168] : memref<50000x32xf32, #tpu.memory_space<hbm>> -> memref<50000x32xf32, #tpu.memory_space<hbm>>
      tpu.wait_indirect_dma semaphore(%arg7 : memref<!tpu.dma_semaphore, #tpu.memory_space<semaphore_mem>>) src(%dma_wait3A_169 : memref<50000x32xf32, #tpu.memory_space<hbm>>) dst(%dma_wait3A_163 : memref<128x32xf32, #tpu.memory_space<vmem>>)
      %dma_wait3A_170 = arith.constant 2 : i32
      %dma_wait3A_171 = arith.constant 256 : i32
      %dma_wait3A_172 = arith.constant 0 : i32
      %dma_wait3A_173 = tpu.memref_slice %arg6[%dma_wait3A_171, %dma_wait3A_172] : memref<1792x32xf32, #tpu.memory_space<vmem>> -> memref<128x32xf32, #tpu.memory_space<vmem>>
      %dma_wait3A_174 = arith.constant 0 : i32
      %dma_wait3A_175 = tpu.memref_slice %arg5[%dma_wait3A_170, %dma_wait3A_174] : memref<14x128xi32, #tpu.memory_space<vmem>> -> memref<1x128xi32, #tpu.memory_space<vmem>>
      %dma_wait3A_176 = tpu.memref_squeeze %dma_wait3A_175 : memref<1x128xi32, #tpu.memory_space<vmem>> -> memref<128xi32, #tpu.memory_space<vmem>>
      %dma_wait3A_177 = arith.constant 0 : i32
      %dma_wait3A_178 = arith.constant 0 : i32
      %dma_wait3A_179 = tpu.memref_slice %arg2[%dma_wait3A_177, %dma_wait3A_178] : memref<50000x32xf32, #tpu.memory_space<hbm>> -> memref<50000x32xf32, #tpu.memory_space<hbm>>
      tpu.wait_indirect_dma semaphore(%arg7 : memref<!tpu.dma_semaphore, #tpu.memory_space<semaphore_mem>>) src(%dma_wait3A_179 : memref<50000x32xf32, #tpu.memory_space<hbm>>) dst(%dma_wait3A_173 : memref<128x32xf32, #tpu.memory_space<vmem>>)
      %dma_wait3A_180 = arith.constant 3 : i32
      %dma_wait3A_181 = arith.constant 384 : i32
      %dma_wait3A_182 = arith.constant 0 : i32
      %dma_wait3A_183 = tpu.memref_slice %arg6[%dma_wait3A_181, %dma_wait3A_182] : memref<1792x32xf32, #tpu.memory_space<vmem>> -> memref<128x32xf32, #tpu.memory_space<vmem>>
      %dma_wait3A_184 = arith.constant 0 : i32
      %dma_wait3A_185 = tpu.memref_slice %arg5[%dma_wait3A_180, %dma_wait3A_184] : memref<14x128xi32, #tpu.memory_space<vmem>> -> memref<1x128xi32, #tpu.memory_space<vmem>>
      %dma_wait3A_186 = tpu.memref_squeeze %dma_wait3A_185 : memref<1x128xi32, #tpu.memory_space<vmem>> -> memref<128xi32, #tpu.memory_space<vmem>>
      %dma_wait3A_187 = arith.constant 0 : i32
      %dma_wait3A_188 = arith.constant 0 : i32
      %dma_wait3A_189 = tpu.memref_slice %arg2[%dma_wait3A_187, %dma_wait3A_188] : memref<50000x32xf32, #tpu.memory_space<hbm>> -> memref<50000x32xf32, #tpu.memory_space<hbm>>
      tpu.wait_indirect_dma semaphore(%arg7 : memref<!tpu.dma_semaphore, #tpu.memory_space<semaphore_mem>>) src(%dma_wait3A_189 : memref<50000x32xf32, #tpu.memory_space<hbm>>) dst(%dma_wait3A_183 : memref<128x32xf32, #tpu.memory_space<vmem>>)
      %dma_wait3A_190 = arith.constant 4 : i32
      %dma_wait3A_191 = arith.constant 512 : i32
      %dma_wait3A_192 = arith.constant 0 : i32
      %dma_wait3A_193 = tpu.memref_slice %arg6[%dma_wait3A_191, %dma_wait3A_192] : memref<1792x32xf32, #tpu.memory_space<vmem>> -> memref<128x32xf32, #tpu.memory_space<vmem>>
      %dma_wait3A_194 = arith.constant 0 : i32
      %dma_wait3A_195 = tpu.memref_slice %arg5[%dma_wait3A_190, %dma_wait3A_194] : memref<14x128xi32, #tpu.memory_space<vmem>> -> memref<1x128xi32, #tpu.memory_space<vmem>>
      %dma_wait3A_196 = tpu.memref_squeeze %dma_wait3A_195 : memref<1x128xi32, #tpu.memory_space<vmem>> -> memref<128xi32, #tpu.memory_space<vmem>>
      %dma_wait3A_197 = arith.constant 0 : i32
      %dma_wait3A_198 = arith.constant 0 : i32
      %dma_wait3A_199 = tpu.memref_slice %arg2[%dma_wait3A_197, %dma_wait3A_198] : memref<50000x32xf32, #tpu.memory_space<hbm>> -> memref<50000x32xf32, #tpu.memory_space<hbm>>
      tpu.wait_indirect_dma semaphore(%arg7 : memref<!tpu.dma_semaphore, #tpu.memory_space<semaphore_mem>>) src(%dma_wait3A_199 : memref<50000x32xf32, #tpu.memory_space<hbm>>) dst(%dma_wait3A_193 : memref<128x32xf32, #tpu.memory_space<vmem>>)
      %dma_wait3A_200 = arith.constant 5 : i32
      %dma_wait3A_201 = arith.constant 640 : i32
      %dma_wait3A_202 = arith.constant 0 : i32
      %dma_wait3A_203 = tpu.memref_slice %arg6[%dma_wait3A_201, %dma_wait3A_202] : memref<1792x32xf32, #tpu.memory_space<vmem>> -> memref<128x32xf32, #tpu.memory_space<vmem>>
      %dma_wait3A_204 = arith.constant 0 : i32
      %dma_wait3A_205 = tpu.memref_slice %arg5[%dma_wait3A_200, %dma_wait3A_204] : memref<14x128xi32, #tpu.memory_space<vmem>> -> memref<1x128xi32, #tpu.memory_space<vmem>>
      %dma_wait3A_206 = tpu.memref_squeeze %dma_wait3A_205 : memref<1x128xi32, #tpu.memory_space<vmem>> -> memref<128xi32, #tpu.memory_space<vmem>>
      %dma_wait3A_207 = arith.constant 0 : i32
      %dma_wait3A_208 = arith.constant 0 : i32
      %dma_wait3A_209 = tpu.memref_slice %arg2[%dma_wait3A_207, %dma_wait3A_208] : memref<50000x32xf32, #tpu.memory_space<hbm>> -> memref<50000x32xf32, #tpu.memory_space<hbm>>
      tpu.wait_indirect_dma semaphore(%arg7 : memref<!tpu.dma_semaphore, #tpu.memory_space<semaphore_mem>>) src(%dma_wait3A_209 : memref<50000x32xf32, #tpu.memory_space<hbm>>) dst(%dma_wait3A_203 : memref<128x32xf32, #tpu.memory_space<vmem>>)
      %dma_wait3A_210 = arith.constant 6 : i32
      %dma_wait3A_211 = arith.constant 768 : i32
      %dma_wait3A_212 = arith.constant 0 : i32
      %dma_wait3A_213 = tpu.memref_slice %arg6[%dma_wait3A_211, %dma_wait3A_212] : memref<1792x32xf32, #tpu.memory_space<vmem>> -> memref<128x32xf32, #tpu.memory_space<vmem>>
      %dma_wait3A_214 = arith.constant 0 : i32
      %dma_wait3A_215 = tpu.memref_slice %arg5[%dma_wait3A_210, %dma_wait3A_214] : memref<14x128xi32, #tpu.memory_space<vmem>> -> memref<1x128xi32, #tpu.memory_space<vmem>>
      %dma_wait3A_216 = tpu.memref_squeeze %dma_wait3A_215 : memref<1x128xi32, #tpu.memory_space<vmem>> -> memref<128xi32, #tpu.memory_space<vmem>>
      %dma_wait3A_217 = arith.constant 0 : i32
      %dma_wait3A_218 = arith.constant 0 : i32
      %dma_wait3A_219 = tpu.memref_slice %arg2[%dma_wait3A_217, %dma_wait3A_218] : memref<50000x32xf32, #tpu.memory_space<hbm>> -> memref<50000x32xf32, #tpu.memory_space<hbm>>
      tpu.wait_indirect_dma semaphore(%arg7 : memref<!tpu.dma_semaphore, #tpu.memory_space<semaphore_mem>>) src(%dma_wait3A_219 : memref<50000x32xf32, #tpu.memory_space<hbm>>) dst(%dma_wait3A_213 : memref<128x32xf32, #tpu.memory_space<vmem>>)
      %dma_wait3A_220 = arith.constant 7 : i32
      %dma_wait3A_221 = arith.constant 896 : i32
      %dma_wait3A_222 = arith.constant 0 : i32
      %dma_wait3A_223 = tpu.memref_slice %arg6[%dma_wait3A_221, %dma_wait3A_222] : memref<1792x32xf32, #tpu.memory_space<vmem>> -> memref<128x32xf32, #tpu.memory_space<vmem>>
      %dma_wait3A_224 = arith.constant 0 : i32
      %dma_wait3A_225 = tpu.memref_slice %arg5[%dma_wait3A_220, %dma_wait3A_224] : memref<14x128xi32, #tpu.memory_space<vmem>> -> memref<1x128xi32, #tpu.memory_space<vmem>>
      %dma_wait3A_226 = tpu.memref_squeeze %dma_wait3A_225 : memref<1x128xi32, #tpu.memory_space<vmem>> -> memref<128xi32, #tpu.memory_space<vmem>>
      %dma_wait3A_227 = arith.constant 0 : i32
      %dma_wait3A_228 = arith.constant 0 : i32
      %dma_wait3A_229 = tpu.memref_slice %arg2[%dma_wait3A_227, %dma_wait3A_228] : memref<50000x32xf32, #tpu.memory_space<hbm>> -> memref<50000x32xf32, #tpu.memory_space<hbm>>
      tpu.wait_indirect_dma semaphore(%arg7 : memref<!tpu.dma_semaphore, #tpu.memory_space<semaphore_mem>>) src(%dma_wait3A_229 : memref<50000x32xf32, #tpu.memory_space<hbm>>) dst(%dma_wait3A_223 : memref<128x32xf32, #tpu.memory_space<vmem>>)
      %dma_wait3A_230 = arith.constant 8 : i32
      %dma_wait3A_231 = arith.constant 1024 : i32
      %dma_wait3A_232 = arith.constant 0 : i32
      %dma_wait3A_233 = tpu.memref_slice %arg6[%dma_wait3A_231, %dma_wait3A_232] : memref<1792x32xf32, #tpu.memory_space<vmem>> -> memref<128x32xf32, #tpu.memory_space<vmem>>
      %dma_wait3A_234 = arith.constant 0 : i32
      %dma_wait3A_235 = tpu.memref_slice %arg5[%dma_wait3A_230, %dma_wait3A_234] : memref<14x128xi32, #tpu.memory_space<vmem>> -> memref<1x128xi32, #tpu.memory_space<vmem>>
      %dma_wait3A_236 = tpu.memref_squeeze %dma_wait3A_235 : memref<1x128xi32, #tpu.memory_space<vmem>> -> memref<128xi32, #tpu.memory_space<vmem>>
      %dma_wait3A_237 = arith.constant 0 : i32
      %dma_wait3A_238 = arith.constant 0 : i32
      %dma_wait3A_239 = tpu.memref_slice %arg2[%dma_wait3A_237, %dma_wait3A_238] : memref<50000x32xf32, #tpu.memory_space<hbm>> -> memref<50000x32xf32, #tpu.memory_space<hbm>>
      tpu.wait_indirect_dma semaphore(%arg7 : memref<!tpu.dma_semaphore, #tpu.memory_space<semaphore_mem>>) src(%dma_wait3A_239 : memref<50000x32xf32, #tpu.memory_space<hbm>>) dst(%dma_wait3A_233 : memref<128x32xf32, #tpu.memory_space<vmem>>)
      %dma_wait3A_240 = arith.constant 9 : i32
      %dma_wait3A_241 = arith.constant 1152 : i32
      %dma_wait3A_242 = arith.constant 0 : i32
      %dma_wait3A_243 = tpu.memref_slice %arg6[%dma_wait3A_241, %dma_wait3A_242] : memref<1792x32xf32, #tpu.memory_space<vmem>> -> memref<128x32xf32, #tpu.memory_space<vmem>>
      %dma_wait3A_244 = arith.constant 0 : i32
      %dma_wait3A_245 = tpu.memref_slice %arg5[%dma_wait3A_240, %dma_wait3A_244] : memref<14x128xi32, #tpu.memory_space<vmem>> -> memref<1x128xi32, #tpu.memory_space<vmem>>
      %dma_wait3A_246 = tpu.memref_squeeze %dma_wait3A_245 : memref<1x128xi32, #tpu.memory_space<vmem>> -> memref<128xi32, #tpu.memory_space<vmem>>
      %dma_wait3A_247 = arith.constant 0 : i32
      %dma_wait3A_248 = arith.constant 0 : i32
      %dma_wait3A_249 = tpu.memref_slice %arg2[%dma_wait3A_247, %dma_wait3A_248] : memref<50000x32xf32, #tpu.memory_space<hbm>> -> memref<50000x32xf32, #tpu.memory_space<hbm>>
      tpu.wait_indirect_dma semaphore(%arg7 : memref<!tpu.dma_semaphore, #tpu.memory_space<semaphore_mem>>) src(%dma_wait3A_249 : memref<50000x32xf32, #tpu.memory_space<hbm>>) dst(%dma_wait3A_243 : memref<128x32xf32, #tpu.memory_space<vmem>>)
      %dma_wait3A_250 = arith.constant 10 : i32
      %dma_wait3A_251 = arith.constant 1280 : i32
      %dma_wait3A_252 = arith.constant 0 : i32
      %dma_wait3A_253 = tpu.memref_slice %arg6[%dma_wait3A_251, %dma_wait3A_252] : memref<1792x32xf32, #tpu.memory_space<vmem>> -> memref<128x32xf32, #tpu.memory_space<vmem>>
      %dma_wait3A_254 = arith.constant 0 : i32
      %dma_wait3A_255 = tpu.memref_slice %arg5[%dma_wait3A_250, %dma_wait3A_254] : memref<14x128xi32, #tpu.memory_space<vmem>> -> memref<1x128xi32, #tpu.memory_space<vmem>>
      %dma_wait3A_256 = tpu.memref_squeeze %dma_wait3A_255 : memref<1x128xi32, #tpu.memory_space<vmem>> -> memref<128xi32, #tpu.memory_space<vmem>>
      %dma_wait3A_257 = arith.constant 0 : i32
      %dma_wait3A_258 = arith.constant 0 : i32
      %dma_wait3A_259 = tpu.memref_slice %arg2[%dma_wait3A_257, %dma_wait3A_258] : memref<50000x32xf32, #tpu.memory_space<hbm>> -> memref<50000x32xf32, #tpu.memory_space<hbm>>
      tpu.wait_indirect_dma semaphore(%arg7 : memref<!tpu.dma_semaphore, #tpu.memory_space<semaphore_mem>>) src(%dma_wait3A_259 : memref<50000x32xf32, #tpu.memory_space<hbm>>) dst(%dma_wait3A_253 : memref<128x32xf32, #tpu.memory_space<vmem>>)
      %dma_wait3A_260 = arith.constant 11 : i32
      %dma_wait3A_261 = arith.constant 1408 : i32
      %dma_wait3A_262 = arith.constant 0 : i32
      %dma_wait3A_263 = tpu.memref_slice %arg6[%dma_wait3A_261, %dma_wait3A_262] : memref<1792x32xf32, #tpu.memory_space<vmem>> -> memref<128x32xf32, #tpu.memory_space<vmem>>
      %dma_wait3A_264 = arith.constant 0 : i32
      %dma_wait3A_265 = tpu.memref_slice %arg5[%dma_wait3A_260, %dma_wait3A_264] : memref<14x128xi32, #tpu.memory_space<vmem>> -> memref<1x128xi32, #tpu.memory_space<vmem>>
      %dma_wait3A_266 = tpu.memref_squeeze %dma_wait3A_265 : memref<1x128xi32, #tpu.memory_space<vmem>> -> memref<128xi32, #tpu.memory_space<vmem>>
      %dma_wait3A_267 = arith.constant 0 : i32
      %dma_wait3A_268 = arith.constant 0 : i32
      %dma_wait3A_269 = tpu.memref_slice %arg2[%dma_wait3A_267, %dma_wait3A_268] : memref<50000x32xf32, #tpu.memory_space<hbm>> -> memref<50000x32xf32, #tpu.memory_space<hbm>>
      tpu.wait_indirect_dma semaphore(%arg7 : memref<!tpu.dma_semaphore, #tpu.memory_space<semaphore_mem>>) src(%dma_wait3A_269 : memref<50000x32xf32, #tpu.memory_space<hbm>>) dst(%dma_wait3A_263 : memref<128x32xf32, #tpu.memory_space<vmem>>)
      %dma_wait3A_270 = arith.constant 12 : i32
      %dma_wait3A_271 = arith.constant 1536 : i32
      %dma_wait3A_272 = arith.constant 0 : i32
      %dma_wait3A_273 = tpu.memref_slice %arg6[%dma_wait3A_271, %dma_wait3A_272] : memref<1792x32xf32, #tpu.memory_space<vmem>> -> memref<128x32xf32, #tpu.memory_space<vmem>>
      %dma_wait3A_274 = arith.constant 0 : i32
      %dma_wait3A_275 = tpu.memref_slice %arg5[%dma_wait3A_270, %dma_wait3A_274] : memref<14x128xi32, #tpu.memory_space<vmem>> -> memref<1x128xi32, #tpu.memory_space<vmem>>
      %dma_wait3A_276 = tpu.memref_squeeze %dma_wait3A_275 : memref<1x128xi32, #tpu.memory_space<vmem>> -> memref<128xi32, #tpu.memory_space<vmem>>
      %dma_wait3A_277 = arith.constant 0 : i32
      %dma_wait3A_278 = arith.constant 0 : i32
      %dma_wait3A_279 = tpu.memref_slice %arg2[%dma_wait3A_277, %dma_wait3A_278] : memref<50000x32xf32, #tpu.memory_space<hbm>> -> memref<50000x32xf32, #tpu.memory_space<hbm>>
      tpu.wait_indirect_dma semaphore(%arg7 : memref<!tpu.dma_semaphore, #tpu.memory_space<semaphore_mem>>) src(%dma_wait3A_279 : memref<50000x32xf32, #tpu.memory_space<hbm>>) dst(%dma_wait3A_273 : memref<128x32xf32, #tpu.memory_space<vmem>>)
      %dma_wait3A_280 = arith.constant 13 : i32
      %dma_wait3A_281 = arith.constant 1664 : i32
      %dma_wait3A_282 = arith.constant 0 : i32
      %dma_wait3A_283 = tpu.memref_slice %arg6[%dma_wait3A_281, %dma_wait3A_282] : memref<1792x32xf32, #tpu.memory_space<vmem>> -> memref<128x32xf32, #tpu.memory_space<vmem>>
      %dma_wait3A_284 = arith.constant 0 : i32
      %dma_wait3A_285 = tpu.memref_slice %arg5[%dma_wait3A_280, %dma_wait3A_284] : memref<14x128xi32, #tpu.memory_space<vmem>> -> memref<1x128xi32, #tpu.memory_space<vmem>>
      %dma_wait3A_286 = tpu.memref_squeeze %dma_wait3A_285 : memref<1x128xi32, #tpu.memory_space<vmem>> -> memref<128xi32, #tpu.memory_space<vmem>>
      %dma_wait3A_287 = arith.constant 0 : i32
      %dma_wait3A_288 = arith.constant 0 : i32
      %dma_wait3A_289 = tpu.memref_slice %arg2[%dma_wait3A_287, %dma_wait3A_288] : memref<50000x32xf32, #tpu.memory_space<hbm>> -> memref<50000x32xf32, #tpu.memory_space<hbm>>
      tpu.wait_indirect_dma semaphore(%arg7 : memref<!tpu.dma_semaphore, #tpu.memory_space<semaphore_mem>>) src(%dma_wait3A_289 : memref<50000x32xf32, #tpu.memory_space<hbm>>) dst(%dma_wait3A_283 : memref<128x32xf32, #tpu.memory_space<vmem>>)
      %mul3A_290 = arith.constant 128 : i32
      %mul3A_291 = arith.muli %add3A_11, %mul3A_290 : i32
      "tpu.region"() ({
        %run_scoped3A = tpu.sem_alloc : memref<!tpu.dma_semaphore, #tpu.memory_space<semaphore_mem>>
        %dma_start3A_292 = arith.constant 0 : i32
        %dma_start3A_293 = tpu.memref_slice %arg4[%mul3A_291, %dma_start3A_292] : memref<802816x32xf32, #tpu.memory_space<hbm>> -> memref<1792x32xf32, #tpu.memory_space<hbm>>
        %dma_start3A_294 = arith.constant 0 : i32
        %dma_start3A_295 = tpu.memref_slice %arg4[%mul3A_291, %dma_start3A_294] : memref<802816x32xf32, #tpu.memory_space<hbm>> -> memref<1792x32xf32, #tpu.memory_space<hbm>>
        tpu.enqueue_dma source(%arg6 : memref<1792x32xf32, #tpu.memory_space<vmem>>) target(%dma_start3A_295 : memref<1792x32xf32, #tpu.memory_space<hbm>>) target_semaphore(%run_scoped3A : memref<!tpu.dma_semaphore, #tpu.memory_space<semaphore_mem>>)
        %dma_wait3A_296 = arith.constant 0 : i32
        %dma_wait3A_297 = tpu.memref_slice %arg4[%mul3A_291, %dma_wait3A_296] : memref<802816x32xf32, #tpu.memory_space<hbm>> -> memref<1792x32xf32, #tpu.memory_space<hbm>>
        %dma_wait3A_298 = arith.constant 0 : i32
        %dma_wait3A_299 = tpu.memref_slice %arg4[%mul3A_291, %dma_wait3A_298] : memref<802816x32xf32, #tpu.memory_space<hbm>> -> memref<1792x32xf32, #tpu.memory_space<hbm>>
        tpu.wait_dma2 semaphore(%run_scoped3A : memref<!tpu.dma_semaphore, #tpu.memory_space<semaphore_mem>>) src(%arg6 : memref<1792x32xf32, #tpu.memory_space<vmem>>) dst(%dma_wait3A_299 : memref<1792x32xf32, #tpu.memory_space<hbm>>)
        tpu.yield
      }) : () -> ()
    }
    %scan3A_7 = arith.constant 14 : i32
    return
  }
}

#map = affine_map<(d0, d1) -> (0, 0)>
#map1 = affine_map<(d0, d1) -> (0, 0, 0)>
module attributes {stable_mosaic.version = 14 : i64} {
  func.func @scatter_k(%arg0: i32, %arg1: i32, %arg2: memref<802816x32xf32, #tpu.memory_space<hbm>>, %arg3: memref<6272x128xi32, #tpu.memory_space<hbm>>, %arg4: memref<50176x32xf32, #tpu.memory_space<hbm>>, %arg5: memref<2x50176x32xf32, #tpu.memory_space<hbm>>, %arg6: memref<4x128xi32, #tpu.memory_space<vmem>>, %arg7: memref<512x32xf32, #tpu.memory_space<vmem>>, %arg8: memref<50176x32xf32, #tpu.memory_space<vmem_shared>>, %arg9: memref<!tpu.dma_semaphore, #tpu.memory_space<semaphore_mem>>) attributes {dimension_semantics = [#tpu.dimension_semantics<core_parallel>, #tpu.dimension_semantics<subcore_parallel>], iteration_bounds = array<i64: 2, 16>, scalar_prefetch = 0 : i64, scratch_operands = 4 : i64, tpu.core_type = #tpu.core_type<sc_vector_subcore>, window_params = [{transform_indices = #map}, {transform_indices = #map}, {transform_indices = #map}, {transform_indices = #map1}]} {
    %mul3A = arith.constant 16 : i32
    %mul3A_0 = arith.muli %arg0, %mul3A : i32
    %add3A = arith.addi %mul3A_0, %arg1 : i32
    %mul3A_1 = arith.constant 196 : i32
    %mul3A_2 = arith.muli %add3A, %mul3A_1 : i32
    %mul3A_3 = arith.constant 3136 : i32
    %mul3A_4 = arith.muli %arg1, %mul3A_3 : i32
    "tpu.region"() ({
      %run_scoped3A = tpu.sem_alloc : memref<!tpu.dma_semaphore, #tpu.memory_space<semaphore_mem>>
      %dma_start3A = arith.constant 0 : i32
      %dma_start3A_11 = tpu.memref_slice %arg8[%mul3A_4, %dma_start3A] : memref<50176x32xf32, #tpu.memory_space<vmem_shared>> -> memref<3136x32xf32, #tpu.memory_space<vmem_shared>>
      %dma_start3A_12 = arith.constant 0 : i32
      %dma_start3A_13 = tpu.memref_slice %arg4[%mul3A_4, %dma_start3A_12] : memref<50176x32xf32, #tpu.memory_space<hbm>> -> memref<3136x32xf32, #tpu.memory_space<hbm>>
      tpu.enqueue_dma source(%dma_start3A_13 : memref<3136x32xf32, #tpu.memory_space<hbm>>) target(%dma_start3A_11 : memref<3136x32xf32, #tpu.memory_space<vmem_shared>>) target_semaphore(%run_scoped3A : memref<!tpu.dma_semaphore, #tpu.memory_space<semaphore_mem>>)
      %dma_wait3A = arith.constant 0 : i32
      %dma_wait3A_14 = tpu.memref_slice %arg8[%mul3A_4, %dma_wait3A] : memref<50176x32xf32, #tpu.memory_space<vmem_shared>> -> memref<3136x32xf32, #tpu.memory_space<vmem_shared>>
      %dma_wait3A_15 = arith.constant 0 : i32
      %dma_wait3A_16 = tpu.memref_slice %arg4[%mul3A_4, %dma_wait3A_15] : memref<50176x32xf32, #tpu.memory_space<hbm>> -> memref<3136x32xf32, #tpu.memory_space<hbm>>
      tpu.wait_dma2 semaphore(%run_scoped3A : memref<!tpu.dma_semaphore, #tpu.memory_space<semaphore_mem>>) src(%dma_wait3A_16 : memref<3136x32xf32, #tpu.memory_space<hbm>>) dst(%dma_wait3A_14 : memref<3136x32xf32, #tpu.memory_space<vmem_shared>>)
      tpu.yield
    }) : () -> ()
    %barrier3A = arith.constant 0 : index
    tpu.barrier barrier_id(%barrier3A)
    %scan3A = arith.constant 0 : i32
    %scan3A_5 = arith.constant 0 : i32
    %scan3A_6 = arith.constant 49 : i32
    %scan3A_7 = arith.addi %scan3A_5, %scan3A_6 : i32
    %scan3A_8 = arith.constant 1 : i32
    scf.for %scan3A_11 = %scan3A_5 to %scan3A_7 step %scan3A_8  : i32 {
      %mul3A_12 = arith.constant 4 : i32
      %mul3A_13 = arith.muli %scan3A_11, %mul3A_12 : i32
      %add3A_14 = arith.addi %mul3A_2, %mul3A_13 : i32
      "tpu.region"() ({
        %run_scoped3A_26 = tpu.sem_alloc : memref<!tpu.dma_semaphore, #tpu.memory_space<semaphore_mem>>
        %dma_start3A_27 = arith.constant 0 : i32
        %dma_start3A_28 = tpu.memref_slice %arg3[%add3A_14, %dma_start3A_27] : memref<6272x128xi32, #tpu.memory_space<hbm>> -> memref<4x128xi32, #tpu.memory_space<hbm>>
        %dma_start3A_29 = arith.constant 0 : i32
        %dma_start3A_30 = tpu.memref_slice %arg3[%add3A_14, %dma_start3A_29] : memref<6272x128xi32, #tpu.memory_space<hbm>> -> memref<4x128xi32, #tpu.memory_space<hbm>>
        tpu.enqueue_dma source(%dma_start3A_30 : memref<4x128xi32, #tpu.memory_space<hbm>>) target(%arg6 : memref<4x128xi32, #tpu.memory_space<vmem>>) target_semaphore(%run_scoped3A_26 : memref<!tpu.dma_semaphore, #tpu.memory_space<semaphore_mem>>)
        %dma_wait3A_31 = arith.constant 0 : i32
        %dma_wait3A_32 = tpu.memref_slice %arg3[%add3A_14, %dma_wait3A_31] : memref<6272x128xi32, #tpu.memory_space<hbm>> -> memref<4x128xi32, #tpu.memory_space<hbm>>
        %dma_wait3A_33 = arith.constant 0 : i32
        %dma_wait3A_34 = tpu.memref_slice %arg3[%add3A_14, %dma_wait3A_33] : memref<6272x128xi32, #tpu.memory_space<hbm>> -> memref<4x128xi32, #tpu.memory_space<hbm>>
        tpu.wait_dma2 semaphore(%run_scoped3A_26 : memref<!tpu.dma_semaphore, #tpu.memory_space<semaphore_mem>>) src(%dma_wait3A_34 : memref<4x128xi32, #tpu.memory_space<hbm>>) dst(%arg6 : memref<4x128xi32, #tpu.memory_space<vmem>>)
        tpu.yield
      }) : () -> ()
      %mul3A_15 = arith.constant 128 : i32
      %mul3A_16 = arith.muli %add3A_14, %mul3A_15 : i32
      %dma_start3A = arith.constant 0 : i32
      %dma_start3A_17 = tpu.memref_slice %arg2[%mul3A_16, %dma_start3A] : memref<802816x32xf32, #tpu.memory_space<hbm>> -> memref<512x32xf32, #tpu.memory_space<hbm>>
      %dma_start3A_18 = arith.constant 0 : i32
      %dma_start3A_19 = tpu.memref_slice %arg2[%mul3A_16, %dma_start3A_18] : memref<802816x32xf32, #tpu.memory_space<hbm>> -> memref<512x32xf32, #tpu.memory_space<hbm>>
      tpu.enqueue_dma source(%dma_start3A_19 : memref<512x32xf32, #tpu.memory_space<hbm>>) target(%arg7 : memref<512x32xf32, #tpu.memory_space<vmem>>) target_semaphore(%arg9 : memref<!tpu.dma_semaphore, #tpu.memory_space<semaphore_mem>>)
      %dma_wait3A = arith.constant 0 : i32
      %dma_wait3A_20 = tpu.memref_slice %arg2[%mul3A_16, %dma_wait3A] : memref<802816x32xf32, #tpu.memory_space<hbm>> -> memref<512x32xf32, #tpu.memory_space<hbm>>
      %dma_wait3A_21 = arith.constant 0 : i32
      %dma_wait3A_22 = tpu.memref_slice %arg2[%mul3A_16, %dma_wait3A_21] : memref<802816x32xf32, #tpu.memory_space<hbm>> -> memref<512x32xf32, #tpu.memory_space<hbm>>
      tpu.wait_dma2 semaphore(%arg9 : memref<!tpu.dma_semaphore, #tpu.memory_space<semaphore_mem>>) src(%dma_wait3A_22 : memref<512x32xf32, #tpu.memory_space<hbm>>) dst(%arg7 : memref<512x32xf32, #tpu.memory_space<vmem>>)
      %run_scoped3A = arith.constant 0 : i32
      "tpu.region"() ({
        %run_scoped3A_26 = tpu.sem_alloc : memref<!tpu.dma_semaphore, #tpu.memory_space<semaphore_mem>>
        %dma_start3A_27 = arith.constant 0 : i32
        %dma_start3A_28 = arith.constant 0 : i32
        %dma_start3A_29 = tpu.memref_slice %arg7[%dma_start3A_27, %dma_start3A_28] : memref<512x32xf32, #tpu.memory_space<vmem>> -> memref<128x32xf32, #tpu.memory_space<vmem>>
        %dma_start3A_30 = arith.constant 0 : i32
        %dma_start3A_31 = tpu.memref_slice %arg6[%run_scoped3A, %dma_start3A_30] : memref<4x128xi32, #tpu.memory_space<vmem>> -> memref<1x128xi32, #tpu.memory_space<vmem>>
        %dma_start3A_32 = tpu.memref_squeeze %dma_start3A_31 : memref<1x128xi32, #tpu.memory_space<vmem>> -> memref<128xi32, #tpu.memory_space<vmem>>
        %dma_start3A_33 = arith.constant 0 : i32
        %dma_start3A_34 = arith.constant 0 : i32
        %dma_start3A_35 = tpu.memref_slice %arg8[%dma_start3A_33, %dma_start3A_34] : memref<50176x32xf32, #tpu.memory_space<vmem_shared>> -> memref<50176x32xf32, #tpu.memory_space<vmem_shared>>
        tpu.enqueue_indirect_dma source(%dma_start3A_29 : memref<128x32xf32, #tpu.memory_space<vmem>>) target(%dma_start3A_35 : memref<50176x32xf32, #tpu.memory_space<vmem_shared>>) offsets(%dma_start3A_32 : memref<128xi32, #tpu.memory_space<vmem>>) semaphore(%run_scoped3A_26 : memref<!tpu.dma_semaphore, #tpu.memory_space<semaphore_mem>>) {add = true}
        %dma_wait3A_36 = arith.constant 0 : i32
        %dma_wait3A_37 = arith.constant 0 : i32
        %dma_wait3A_38 = tpu.memref_slice %arg7[%dma_wait3A_36, %dma_wait3A_37] : memref<512x32xf32, #tpu.memory_space<vmem>> -> memref<128x32xf32, #tpu.memory_space<vmem>>
        %dma_wait3A_39 = arith.constant 0 : i32
        %dma_wait3A_40 = tpu.memref_slice %arg6[%run_scoped3A, %dma_wait3A_39] : memref<4x128xi32, #tpu.memory_space<vmem>> -> memref<1x128xi32, #tpu.memory_space<vmem>>
        %dma_wait3A_41 = tpu.memref_squeeze %dma_wait3A_40 : memref<1x128xi32, #tpu.memory_space<vmem>> -> memref<128xi32, #tpu.memory_space<vmem>>
        %dma_wait3A_42 = arith.constant 0 : i32
        %dma_wait3A_43 = arith.constant 0 : i32
        %dma_wait3A_44 = tpu.memref_slice %arg8[%dma_wait3A_42, %dma_wait3A_43] : memref<50176x32xf32, #tpu.memory_space<vmem_shared>> -> memref<50176x32xf32, #tpu.memory_space<vmem_shared>>
        tpu.wait_indirect_dma semaphore(%run_scoped3A_26 : memref<!tpu.dma_semaphore, #tpu.memory_space<semaphore_mem>>) src(%dma_wait3A_38 : memref<128x32xf32, #tpu.memory_space<vmem>>) dst(%dma_wait3A_44 : memref<50176x32xf32, #tpu.memory_space<vmem_shared>>)
        tpu.yield
      }) : () -> ()
      %run_scoped3A_23 = arith.constant 1 : i32
      "tpu.region"() ({
        %run_scoped3A_26 = tpu.sem_alloc : memref<!tpu.dma_semaphore, #tpu.memory_space<semaphore_mem>>
        %dma_start3A_27 = arith.constant 128 : i32
        %dma_start3A_28 = arith.constant 0 : i32
        %dma_start3A_29 = tpu.memref_slice %arg7[%dma_start3A_27, %dma_start3A_28] : memref<512x32xf32, #tpu.memory_space<vmem>> -> memref<128x32xf32, #tpu.memory_space<vmem>>
        %dma_start3A_30 = arith.constant 0 : i32
        %dma_start3A_31 = tpu.memref_slice %arg6[%run_scoped3A_23, %dma_start3A_30] : memref<4x128xi32, #tpu.memory_space<vmem>> -> memref<1x128xi32, #tpu.memory_space<vmem>>
        %dma_start3A_32 = tpu.memref_squeeze %dma_start3A_31 : memref<1x128xi32, #tpu.memory_space<vmem>> -> memref<128xi32, #tpu.memory_space<vmem>>
        %dma_start3A_33 = arith.constant 0 : i32
        %dma_start3A_34 = arith.constant 0 : i32
        %dma_start3A_35 = tpu.memref_slice %arg8[%dma_start3A_33, %dma_start3A_34] : memref<50176x32xf32, #tpu.memory_space<vmem_shared>> -> memref<50176x32xf32, #tpu.memory_space<vmem_shared>>
        tpu.enqueue_indirect_dma source(%dma_start3A_29 : memref<128x32xf32, #tpu.memory_space<vmem>>) target(%dma_start3A_35 : memref<50176x32xf32, #tpu.memory_space<vmem_shared>>) offsets(%dma_start3A_32 : memref<128xi32, #tpu.memory_space<vmem>>) semaphore(%run_scoped3A_26 : memref<!tpu.dma_semaphore, #tpu.memory_space<semaphore_mem>>) {add = true}
        %dma_wait3A_36 = arith.constant 128 : i32
        %dma_wait3A_37 = arith.constant 0 : i32
        %dma_wait3A_38 = tpu.memref_slice %arg7[%dma_wait3A_36, %dma_wait3A_37] : memref<512x32xf32, #tpu.memory_space<vmem>> -> memref<128x32xf32, #tpu.memory_space<vmem>>
        %dma_wait3A_39 = arith.constant 0 : i32
        %dma_wait3A_40 = tpu.memref_slice %arg6[%run_scoped3A_23, %dma_wait3A_39] : memref<4x128xi32, #tpu.memory_space<vmem>> -> memref<1x128xi32, #tpu.memory_space<vmem>>
        %dma_wait3A_41 = tpu.memref_squeeze %dma_wait3A_40 : memref<1x128xi32, #tpu.memory_space<vmem>> -> memref<128xi32, #tpu.memory_space<vmem>>
        %dma_wait3A_42 = arith.constant 0 : i32
        %dma_wait3A_43 = arith.constant 0 : i32
        %dma_wait3A_44 = tpu.memref_slice %arg8[%dma_wait3A_42, %dma_wait3A_43] : memref<50176x32xf32, #tpu.memory_space<vmem_shared>> -> memref<50176x32xf32, #tpu.memory_space<vmem_shared>>
        tpu.wait_indirect_dma semaphore(%run_scoped3A_26 : memref<!tpu.dma_semaphore, #tpu.memory_space<semaphore_mem>>) src(%dma_wait3A_38 : memref<128x32xf32, #tpu.memory_space<vmem>>) dst(%dma_wait3A_44 : memref<50176x32xf32, #tpu.memory_space<vmem_shared>>)
        tpu.yield
      }) : () -> ()
      %run_scoped3A_24 = arith.constant 2 : i32
      "tpu.region"() ({
        %run_scoped3A_26 = tpu.sem_alloc : memref<!tpu.dma_semaphore, #tpu.memory_space<semaphore_mem>>
        %dma_start3A_27 = arith.constant 256 : i32
        %dma_start3A_28 = arith.constant 0 : i32
        %dma_start3A_29 = tpu.memref_slice %arg7[%dma_start3A_27, %dma_start3A_28] : memref<512x32xf32, #tpu.memory_space<vmem>> -> memref<128x32xf32, #tpu.memory_space<vmem>>
        %dma_start3A_30 = arith.constant 0 : i32
        %dma_start3A_31 = tpu.memref_slice %arg6[%run_scoped3A_24, %dma_start3A_30] : memref<4x128xi32, #tpu.memory_space<vmem>> -> memref<1x128xi32, #tpu.memory_space<vmem>>
        %dma_start3A_32 = tpu.memref_squeeze %dma_start3A_31 : memref<1x128xi32, #tpu.memory_space<vmem>> -> memref<128xi32, #tpu.memory_space<vmem>>
        %dma_start3A_33 = arith.constant 0 : i32
        %dma_start3A_34 = arith.constant 0 : i32
        %dma_start3A_35 = tpu.memref_slice %arg8[%dma_start3A_33, %dma_start3A_34] : memref<50176x32xf32, #tpu.memory_space<vmem_shared>> -> memref<50176x32xf32, #tpu.memory_space<vmem_shared>>
        tpu.enqueue_indirect_dma source(%dma_start3A_29 : memref<128x32xf32, #tpu.memory_space<vmem>>) target(%dma_start3A_35 : memref<50176x32xf32, #tpu.memory_space<vmem_shared>>) offsets(%dma_start3A_32 : memref<128xi32, #tpu.memory_space<vmem>>) semaphore(%run_scoped3A_26 : memref<!tpu.dma_semaphore, #tpu.memory_space<semaphore_mem>>) {add = true}
        %dma_wait3A_36 = arith.constant 256 : i32
        %dma_wait3A_37 = arith.constant 0 : i32
        %dma_wait3A_38 = tpu.memref_slice %arg7[%dma_wait3A_36, %dma_wait3A_37] : memref<512x32xf32, #tpu.memory_space<vmem>> -> memref<128x32xf32, #tpu.memory_space<vmem>>
        %dma_wait3A_39 = arith.constant 0 : i32
        %dma_wait3A_40 = tpu.memref_slice %arg6[%run_scoped3A_24, %dma_wait3A_39] : memref<4x128xi32, #tpu.memory_space<vmem>> -> memref<1x128xi32, #tpu.memory_space<vmem>>
        %dma_wait3A_41 = tpu.memref_squeeze %dma_wait3A_40 : memref<1x128xi32, #tpu.memory_space<vmem>> -> memref<128xi32, #tpu.memory_space<vmem>>
        %dma_wait3A_42 = arith.constant 0 : i32
        %dma_wait3A_43 = arith.constant 0 : i32
        %dma_wait3A_44 = tpu.memref_slice %arg8[%dma_wait3A_42, %dma_wait3A_43] : memref<50176x32xf32, #tpu.memory_space<vmem_shared>> -> memref<50176x32xf32, #tpu.memory_space<vmem_shared>>
        tpu.wait_indirect_dma semaphore(%run_scoped3A_26 : memref<!tpu.dma_semaphore, #tpu.memory_space<semaphore_mem>>) src(%dma_wait3A_38 : memref<128x32xf32, #tpu.memory_space<vmem>>) dst(%dma_wait3A_44 : memref<50176x32xf32, #tpu.memory_space<vmem_shared>>)
        tpu.yield
      }) : () -> ()
      %run_scoped3A_25 = arith.constant 3 : i32
      "tpu.region"() ({
        %run_scoped3A_26 = tpu.sem_alloc : memref<!tpu.dma_semaphore, #tpu.memory_space<semaphore_mem>>
        %dma_start3A_27 = arith.constant 384 : i32
        %dma_start3A_28 = arith.constant 0 : i32
        %dma_start3A_29 = tpu.memref_slice %arg7[%dma_start3A_27, %dma_start3A_28] : memref<512x32xf32, #tpu.memory_space<vmem>> -> memref<128x32xf32, #tpu.memory_space<vmem>>
        %dma_start3A_30 = arith.constant 0 : i32
        %dma_start3A_31 = tpu.memref_slice %arg6[%run_scoped3A_25, %dma_start3A_30] : memref<4x128xi32, #tpu.memory_space<vmem>> -> memref<1x128xi32, #tpu.memory_space<vmem>>
        %dma_start3A_32 = tpu.memref_squeeze %dma_start3A_31 : memref<1x128xi32, #tpu.memory_space<vmem>> -> memref<128xi32, #tpu.memory_space<vmem>>
        %dma_start3A_33 = arith.constant 0 : i32
        %dma_start3A_34 = arith.constant 0 : i32
        %dma_start3A_35 = tpu.memref_slice %arg8[%dma_start3A_33, %dma_start3A_34] : memref<50176x32xf32, #tpu.memory_space<vmem_shared>> -> memref<50176x32xf32, #tpu.memory_space<vmem_shared>>
        tpu.enqueue_indirect_dma source(%dma_start3A_29 : memref<128x32xf32, #tpu.memory_space<vmem>>) target(%dma_start3A_35 : memref<50176x32xf32, #tpu.memory_space<vmem_shared>>) offsets(%dma_start3A_32 : memref<128xi32, #tpu.memory_space<vmem>>) semaphore(%run_scoped3A_26 : memref<!tpu.dma_semaphore, #tpu.memory_space<semaphore_mem>>) {add = true}
        %dma_wait3A_36 = arith.constant 384 : i32
        %dma_wait3A_37 = arith.constant 0 : i32
        %dma_wait3A_38 = tpu.memref_slice %arg7[%dma_wait3A_36, %dma_wait3A_37] : memref<512x32xf32, #tpu.memory_space<vmem>> -> memref<128x32xf32, #tpu.memory_space<vmem>>
        %dma_wait3A_39 = arith.constant 0 : i32
        %dma_wait3A_40 = tpu.memref_slice %arg6[%run_scoped3A_25, %dma_wait3A_39] : memref<4x128xi32, #tpu.memory_space<vmem>> -> memref<1x128xi32, #tpu.memory_space<vmem>>
        %dma_wait3A_41 = tpu.memref_squeeze %dma_wait3A_40 : memref<1x128xi32, #tpu.memory_space<vmem>> -> memref<128xi32, #tpu.memory_space<vmem>>
        %dma_wait3A_42 = arith.constant 0 : i32
        %dma_wait3A_43 = arith.constant 0 : i32
        %dma_wait3A_44 = tpu.memref_slice %arg8[%dma_wait3A_42, %dma_wait3A_43] : memref<50176x32xf32, #tpu.memory_space<vmem_shared>> -> memref<50176x32xf32, #tpu.memory_space<vmem_shared>>
        tpu.wait_indirect_dma semaphore(%run_scoped3A_26 : memref<!tpu.dma_semaphore, #tpu.memory_space<semaphore_mem>>) src(%dma_wait3A_38 : memref<128x32xf32, #tpu.memory_space<vmem>>) dst(%dma_wait3A_44 : memref<50176x32xf32, #tpu.memory_space<vmem_shared>>)
        tpu.yield
      }) : () -> ()
    }
    %scan3A_9 = arith.constant 49 : i32
    %barrier3A_10 = arith.constant 0 : index
    tpu.barrier barrier_id(%barrier3A_10)
    "tpu.region"() ({
      %run_scoped3A = tpu.sem_alloc : memref<!tpu.dma_semaphore, #tpu.memory_space<semaphore_mem>>
      %dma_start3A = arith.constant 0 : i32
      %dma_start3A_11 = tpu.memref_slice %arg5[%arg0, %mul3A_4, %dma_start3A] : memref<2x50176x32xf32, #tpu.memory_space<hbm>> -> memref<1x3136x32xf32, #tpu.memory_space<hbm>>
      %dma_start3A_12 = tpu.memref_squeeze %dma_start3A_11 : memref<1x3136x32xf32, #tpu.memory_space<hbm>> -> memref<3136x32xf32, #tpu.memory_space<hbm>>
      %dma_start3A_13 = arith.constant 0 : i32
      %dma_start3A_14 = tpu.memref_slice %arg8[%mul3A_4, %dma_start3A_13] : memref<50176x32xf32, #tpu.memory_space<vmem_shared>> -> memref<3136x32xf32, #tpu.memory_space<vmem_shared>>
      tpu.enqueue_dma source(%dma_start3A_14 : memref<3136x32xf32, #tpu.memory_space<vmem_shared>>) target(%dma_start3A_12 : memref<3136x32xf32, #tpu.memory_space<hbm>>) target_semaphore(%run_scoped3A : memref<!tpu.dma_semaphore, #tpu.memory_space<semaphore_mem>>)
      %dma_wait3A = arith.constant 0 : i32
      %dma_wait3A_15 = tpu.memref_slice %arg5[%arg0, %mul3A_4, %dma_wait3A] : memref<2x50176x32xf32, #tpu.memory_space<hbm>> -> memref<1x3136x32xf32, #tpu.memory_space<hbm>>
      %dma_wait3A_16 = tpu.memref_squeeze %dma_wait3A_15 : memref<1x3136x32xf32, #tpu.memory_space<hbm>> -> memref<3136x32xf32, #tpu.memory_space<hbm>>
      %dma_wait3A_17 = arith.constant 0 : i32
      %dma_wait3A_18 = tpu.memref_slice %arg8[%mul3A_4, %dma_wait3A_17] : memref<50176x32xf32, #tpu.memory_space<vmem_shared>> -> memref<3136x32xf32, #tpu.memory_space<vmem_shared>>
      tpu.wait_dma2 semaphore(%run_scoped3A : memref<!tpu.dma_semaphore, #tpu.memory_space<semaphore_mem>>) src(%dma_wait3A_18 : memref<3136x32xf32, #tpu.memory_space<vmem_shared>>) dst(%dma_wait3A_16 : memref<3136x32xf32, #tpu.memory_space<hbm>>)
      tpu.yield
    }) : () -> ()
    return
  }
}

module attributes {stable_mosaic.version = 14 : i64} {
  func.func @_tc_body(%arg0: i32, %arg1: memref<16x4096xf32, #tpu.memory_space<vmem>>, %arg2: memref<4x4096xf32, #tpu.memory_space<vmem>>, %arg3: memref<1024x128xf32, #tpu.memory_space<vmem>>, %arg4: memref<16x16xf32, #tpu.memory_space<vmem>>, %arg5: memref<16x1xf32, #tpu.memory_space<vmem>>, %arg6: memref<160x16xf32, #tpu.memory_space<vmem>>, %arg7: memref<160x1xf32, #tpu.memory_space<vmem>>, %arg8: memref<1024x128xf32, #tpu.memory_space<vmem>>) attributes {dimension_semantics = [#tpu.dimension_semantics<arbitrary>], iteration_bounds = array<i64: 196>, scalar_prefetch = 0 : i64, scratch_operands = 0 : i64, tpu.core_type = #tpu.core_type<tc>, window_params = [{transform_indices = @transform_0, window_bounds = array<i64: 16, 4096>}, {transform_indices = @transform_1, window_bounds = array<i64: 4, 4096>}, {transform_indices = @transform_2, window_bounds = array<i64: 1024, 128>}, {pipeline_mode = #tpu.pipeline_mode<synchronous>, transform_indices = @transform_3, window_bounds = array<i64: 16, 16>}, {pipeline_mode = #tpu.pipeline_mode<synchronous>, transform_indices = @transform_4, window_bounds = array<i64: 16, 1>}, {pipeline_mode = #tpu.pipeline_mode<synchronous>, transform_indices = @transform_5, window_bounds = array<i64: 160, 16>}, {pipeline_mode = #tpu.pipeline_mode<synchronous>, transform_indices = @transform_6, window_bounds = array<i64: 160, 1>}, {transform_indices = @transform_7, window_bounds = array<i64: 1024, 128>}]} {
    %get3A = arith.constant 0 : index
    %get3A_0 = arith.constant 0 : index
    %get3A_1 = vector.load %arg1[%get3A, %get3A_0] : memref<16x4096xf32, #tpu.memory_space<vmem>>, vector<16x4096xf32>
    %get3A_2 = arith.constant 0 : index
    %get3A_3 = arith.constant 0 : index
    %get3A_4 = vector.load %arg4[%get3A_2, %get3A_3] : memref<16x16xf32, #tpu.memory_space<vmem>>, vector<16x16xf32>
    %dot_general3A = arith.constant dense<0.000000e+00> : vector<16x4096xf32>
    %dot_general3A_5 = tpu.matmul %get3A_4, %get3A_1, %dot_general3A {dimension_numbers = #tpu.dot_dimension_numbers<[1], [0], [0], [1], [0, 0, 1, 1], [], []>, transpose_lhs_hint = false} : vector<16x16xf32>, vector<16x4096xf32>, vector<16x4096xf32> -> vector<16x4096xf32>
    %get3A_6 = arith.constant 0 : index
    %get3A_7 = arith.constant 0 : index
    %get3A_8 = vector.load %arg5[%get3A_6, %get3A_7] : memref<16x1xf32, #tpu.memory_space<vmem>>, vector<16x1xf32>
    %add3A = vector.broadcast %get3A_8 : vector<16x1xf32> to vector<16x4096xf32>
    %add3A_9 = arith.addf %dot_general3A_5, %add3A : vector<16x4096xf32>
    %logistic3A = arith.negf %add3A_9 : vector<16x4096xf32>
    %logistic3A_10 = math.exp %logistic3A : vector<16x4096xf32>
    %logistic3A_11 = arith.constant 1.000000e+00 : f32
    %logistic3A_12 = vector.broadcast %logistic3A_11 : f32 to vector<16x4096xf32>
    %logistic3A_13 = arith.addf %logistic3A_12, %logistic3A_10 : vector<16x4096xf32>
    %logistic3A_14 = arith.divf %logistic3A_12, %logistic3A_13 : vector<16x4096xf32>
    %mul3A = arith.mulf %add3A_9, %logistic3A_14 : vector<16x4096xf32>
    %get3A_15 = arith.constant 0 : index
    %get3A_16 = arith.constant 0 : index
    %get3A_17 = vector.load %arg6[%get3A_15, %get3A_16] : memref<160x16xf32, #tpu.memory_space<vmem>>, vector<160x16xf32>
    %dot_general3A_18 = arith.constant dense<0.000000e+00> : vector<160x4096xf32>
    %dot_general3A_19 = tpu.matmul %get3A_17, %mul3A, %dot_general3A_18 {dimension_numbers = #tpu.dot_dimension_numbers<[1], [0], [0], [1], [0, 0, 1, 1], [], []>, transpose_lhs_hint = false} : vector<160x16xf32>, vector<16x4096xf32>, vector<160x4096xf32> -> vector<160x4096xf32>
    %get3A_20 = arith.constant 0 : index
    %get3A_21 = arith.constant 0 : index
    %get3A_22 = vector.load %arg7[%get3A_20, %get3A_21] : memref<160x1xf32, #tpu.memory_space<vmem>>, vector<160x1xf32>
    %add3A_23 = vector.broadcast %get3A_22 : vector<160x1xf32> to vector<160x4096xf32>
    %add3A_24 = arith.addf %dot_general3A_19, %add3A_23 : vector<160x4096xf32>
    %get3A_25 = arith.constant 0 : index
    %get3A_26 = arith.constant 0 : index
    %get3A_27 = vector.load %arg2[%get3A_25, %get3A_26] : memref<4x4096xf32, #tpu.memory_space<vmem>>, vector<4x4096xf32>
    %get3A_28 = arith.constant 0 : index
    %get3A_29 = arith.constant 0 : index
    %get3A_30 = vector.load %arg3[%get3A_28, %get3A_29] : memref<1024x128xf32, #tpu.memory_space<vmem>>, vector<1024x128xf32>
    %transpose3A = tpu.transpose %get3A_30, [1, 0] : vector<1024x128xf32> -> vector<128x1024xf32>
    %slice3A = vector.extract_strided_slice %add3A_24 {offsets = [0, 0], sizes = [160, 1024], strides = [1, 1]} : vector<160x4096xf32> to vector<160x1024xf32>
    %slice3A_31 = vector.extract_strided_slice %get3A_27 {offsets = [0, 0], sizes = [4, 1024], strides = [1, 1]} : vector<4x4096xf32> to vector<4x1024xf32>
    %slice3A_32 = vector.extract_strided_slice %transpose3A {offsets = [0, 0], sizes = [8, 1024], strides = [1, 1]} : vector<128x1024xf32> to vector<8x1024xf32>
    %slice3A_33 = vector.extract_strided_slice %transpose3A {offsets = [8, 0], sizes = [4, 1024], strides = [1, 1]} : vector<128x1024xf32> to vector<4x1024xf32>
    %slice3A_34 = vector.extract_strided_slice %transpose3A {offsets = [12, 0], sizes = [4, 1024], strides = [1, 1]} : vector<128x1024xf32> to vector<4x1024xf32>
    %slice3A_35 = vector.extract_strided_slice %transpose3A {offsets = [16, 0], sizes = [4, 1024], strides = [1, 1]} : vector<128x1024xf32> to vector<4x1024xf32>
    %slice3A_36 = vector.extract_strided_slice %slice3A_31 {offsets = [0, 0], sizes = [1, 1024], strides = [1, 1]} : vector<4x1024xf32> to vector<1x1024xf32>
    %slice3A_37 = vector.extract_strided_slice %slice3A_31 {offsets = [1, 0], sizes = [1, 1024], strides = [1, 1]} : vector<4x1024xf32> to vector<1x1024xf32>
    %slice3A_38 = vector.extract_strided_slice %slice3A_31 {offsets = [2, 0], sizes = [1, 1024], strides = [1, 1]} : vector<4x1024xf32> to vector<1x1024xf32>
    %slice3A_39 = vector.extract_strided_slice %slice3A_31 {offsets = [3, 0], sizes = [1, 1024], strides = [1, 1]} : vector<4x1024xf32> to vector<1x1024xf32>
    %mul3A_40 = vector.broadcast %slice3A_36 : vector<1x1024xf32> to vector<8x1024xf32>
    %mul3A_41 = arith.mulf %slice3A_32, %mul3A_40 : vector<8x1024xf32>
    %slice3A_42 = vector.extract_strided_slice %slice3A {offsets = [0, 0], sizes = [8, 1024], strides = [1, 1]} : vector<160x1024xf32> to vector<8x1024xf32>
    %slice3A_43 = vector.extract_strided_slice %mul3A_41 {offsets = [0, 0], sizes = [1, 1024], strides = [1, 1]} : vector<8x1024xf32> to vector<1x1024xf32>
    %mul3A_44 = vector.broadcast %slice3A_43 : vector<1x1024xf32> to vector<8x1024xf32>
    %mul3A_45 = arith.mulf %slice3A_42, %mul3A_44 : vector<8x1024xf32>
    %slice3A_46 = vector.extract_strided_slice %slice3A {offsets = [8, 0], sizes = [8, 1024], strides = [1, 1]} : vector<160x1024xf32> to vector<8x1024xf32>
    %slice3A_47 = vector.extract_strided_slice %mul3A_41 {offsets = [1, 0], sizes = [1, 1024], strides = [1, 1]} : vector<8x1024xf32> to vector<1x1024xf32>
    %mul3A_48 = vector.broadcast %slice3A_47 : vector<1x1024xf32> to vector<8x1024xf32>
    %mul3A_49 = arith.mulf %slice3A_46, %mul3A_48 : vector<8x1024xf32>
    %add3A_50 = arith.addf %mul3A_45, %mul3A_49 : vector<8x1024xf32>
    %slice3A_51 = vector.extract_strided_slice %slice3A {offsets = [16, 0], sizes = [8, 1024], strides = [1, 1]} : vector<160x1024xf32> to vector<8x1024xf32>
    %slice3A_52 = vector.extract_strided_slice %mul3A_41 {offsets = [2, 0], sizes = [1, 1024], strides = [1, 1]} : vector<8x1024xf32> to vector<1x1024xf32>
    %mul3A_53 = vector.broadcast %slice3A_52 : vector<1x1024xf32> to vector<8x1024xf32>
    %mul3A_54 = arith.mulf %slice3A_51, %mul3A_53 : vector<8x1024xf32>
    %add3A_55 = arith.addf %add3A_50, %mul3A_54 : vector<8x1024xf32>
    %slice3A_56 = vector.extract_strided_slice %slice3A {offsets = [24, 0], sizes = [8, 1024], strides = [1, 1]} : vector<160x1024xf32> to vector<8x1024xf32>
    %slice3A_57 = vector.extract_strided_slice %mul3A_41 {offsets = [3, 0], sizes = [1, 1024], strides = [1, 1]} : vector<8x1024xf32> to vector<1x1024xf32>
    %mul3A_58 = vector.broadcast %slice3A_57 : vector<1x1024xf32> to vector<8x1024xf32>
    %mul3A_59 = arith.mulf %slice3A_56, %mul3A_58 : vector<8x1024xf32>
    %add3A_60 = arith.addf %add3A_55, %mul3A_59 : vector<8x1024xf32>
    %slice3A_61 = vector.extract_strided_slice %slice3A {offsets = [32, 0], sizes = [8, 1024], strides = [1, 1]} : vector<160x1024xf32> to vector<8x1024xf32>
    %slice3A_62 = vector.extract_strided_slice %mul3A_41 {offsets = [4, 0], sizes = [1, 1024], strides = [1, 1]} : vector<8x1024xf32> to vector<1x1024xf32>
    %mul3A_63 = vector.broadcast %slice3A_62 : vector<1x1024xf32> to vector<8x1024xf32>
    %mul3A_64 = arith.mulf %slice3A_61, %mul3A_63 : vector<8x1024xf32>
    %add3A_65 = arith.addf %add3A_60, %mul3A_64 : vector<8x1024xf32>
    %slice3A_66 = vector.extract_strided_slice %slice3A {offsets = [40, 0], sizes = [8, 1024], strides = [1, 1]} : vector<160x1024xf32> to vector<8x1024xf32>
    %slice3A_67 = vector.extract_strided_slice %mul3A_41 {offsets = [5, 0], sizes = [1, 1024], strides = [1, 1]} : vector<8x1024xf32> to vector<1x1024xf32>
    %mul3A_68 = vector.broadcast %slice3A_67 : vector<1x1024xf32> to vector<8x1024xf32>
    %mul3A_69 = arith.mulf %slice3A_66, %mul3A_68 : vector<8x1024xf32>
    %add3A_70 = arith.addf %add3A_65, %mul3A_69 : vector<8x1024xf32>
    %slice3A_71 = vector.extract_strided_slice %slice3A {offsets = [48, 0], sizes = [8, 1024], strides = [1, 1]} : vector<160x1024xf32> to vector<8x1024xf32>
    %slice3A_72 = vector.extract_strided_slice %mul3A_41 {offsets = [6, 0], sizes = [1, 1024], strides = [1, 1]} : vector<8x1024xf32> to vector<1x1024xf32>
    %mul3A_73 = vector.broadcast %slice3A_72 : vector<1x1024xf32> to vector<8x1024xf32>
    %mul3A_74 = arith.mulf %slice3A_71, %mul3A_73 : vector<8x1024xf32>
    %add3A_75 = arith.addf %add3A_70, %mul3A_74 : vector<8x1024xf32>
    %slice3A_76 = vector.extract_strided_slice %slice3A {offsets = [56, 0], sizes = [8, 1024], strides = [1, 1]} : vector<160x1024xf32> to vector<8x1024xf32>
    %slice3A_77 = vector.extract_strided_slice %mul3A_41 {offsets = [7, 0], sizes = [1, 1024], strides = [1, 1]} : vector<8x1024xf32> to vector<1x1024xf32>
    %mul3A_78 = vector.broadcast %slice3A_77 : vector<1x1024xf32> to vector<8x1024xf32>
    %mul3A_79 = arith.mulf %slice3A_76, %mul3A_78 : vector<8x1024xf32>
    %add3A_80 = arith.addf %add3A_75, %mul3A_79 : vector<8x1024xf32>
    %mul3A_81 = vector.broadcast %slice3A_37 : vector<1x1024xf32> to vector<4x1024xf32>
    %mul3A_82 = arith.mulf %slice3A_33, %mul3A_81 : vector<4x1024xf32>
    %mul3A_83 = vector.broadcast %slice3A_38 : vector<1x1024xf32> to vector<4x1024xf32>
    %mul3A_84 = arith.mulf %slice3A_34, %mul3A_83 : vector<4x1024xf32>
    %add3A_85 = arith.addf %mul3A_82, %mul3A_84 : vector<4x1024xf32>
    %mul3A_86 = vector.broadcast %slice3A_39 : vector<1x1024xf32> to vector<4x1024xf32>
    %mul3A_87 = arith.mulf %slice3A_35, %mul3A_86 : vector<4x1024xf32>
    %add3A_88 = arith.addf %add3A_85, %mul3A_87 : vector<4x1024xf32>
    %mul3A_89 = arith.constant 0.577350259 : f32
    %mul3A_90 = vector.broadcast %mul3A_89 : f32 to vector<4x1024xf32>
    %mul3A_91 = arith.mulf %add3A_88, %mul3A_90 : vector<4x1024xf32>
    %slice3A_92 = vector.extract_strided_slice %slice3A {offsets = [112, 0], sizes = [8, 1024], strides = [1, 1]} : vector<160x1024xf32> to vector<8x1024xf32>
    %slice3A_93 = vector.extract_strided_slice %mul3A_91 {offsets = [0, 0], sizes = [1, 1024], strides = [1, 1]} : vector<4x1024xf32> to vector<1x1024xf32>
    %mul3A_94 = vector.broadcast %slice3A_93 : vector<1x1024xf32> to vector<8x1024xf32>
    %mul3A_95 = arith.mulf %slice3A_92, %mul3A_94 : vector<8x1024xf32>
    %add3A_96 = arith.addf %add3A_80, %mul3A_95 : vector<8x1024xf32>
    %slice3A_97 = vector.extract_strided_slice %slice3A {offsets = [120, 0], sizes = [8, 1024], strides = [1, 1]} : vector<160x1024xf32> to vector<8x1024xf32>
    %slice3A_98 = vector.extract_strided_slice %mul3A_91 {offsets = [1, 0], sizes = [1, 1024], strides = [1, 1]} : vector<4x1024xf32> to vector<1x1024xf32>
    %mul3A_99 = vector.broadcast %slice3A_98 : vector<1x1024xf32> to vector<8x1024xf32>
    %mul3A_100 = arith.mulf %slice3A_97, %mul3A_99 : vector<8x1024xf32>
    %add3A_101 = arith.addf %add3A_96, %mul3A_100 : vector<8x1024xf32>
    %slice3A_102 = vector.extract_strided_slice %slice3A {offsets = [128, 0], sizes = [8, 1024], strides = [1, 1]} : vector<160x1024xf32> to vector<8x1024xf32>
    %slice3A_103 = vector.extract_strided_slice %mul3A_91 {offsets = [2, 0], sizes = [1, 1024], strides = [1, 1]} : vector<4x1024xf32> to vector<1x1024xf32>
    %mul3A_104 = vector.broadcast %slice3A_103 : vector<1x1024xf32> to vector<8x1024xf32>
    %mul3A_105 = arith.mulf %slice3A_102, %mul3A_104 : vector<8x1024xf32>
    %add3A_106 = arith.addf %add3A_101, %mul3A_105 : vector<8x1024xf32>
    %slice3A_107 = vector.extract_strided_slice %slice3A {offsets = [136, 0], sizes = [8, 1024], strides = [1, 1]} : vector<160x1024xf32> to vector<8x1024xf32>
    %slice3A_108 = vector.extract_strided_slice %mul3A_91 {offsets = [3, 0], sizes = [1, 1024], strides = [1, 1]} : vector<4x1024xf32> to vector<1x1024xf32>
    %mul3A_109 = vector.broadcast %slice3A_108 : vector<1x1024xf32> to vector<8x1024xf32>
    %mul3A_110 = arith.mulf %slice3A_107, %mul3A_109 : vector<8x1024xf32>
    %add3A_111 = arith.addf %add3A_106, %mul3A_110 : vector<8x1024xf32>
    %mul3A_112 = arith.constant 0.288675129 : f32
    %mul3A_113 = vector.broadcast %mul3A_112 : f32 to vector<8x1024xf32>
    %mul3A_114 = arith.mulf %add3A_111, %mul3A_113 : vector<8x1024xf32>
    %slice3A_115 = vector.extract_strided_slice %slice3A {offsets = [64, 0], sizes = [4, 1024], strides = [1, 1]} : vector<160x1024xf32> to vector<4x1024xf32>
    %slice3A_116 = vector.extract_strided_slice %slice3A_32 {offsets = [0, 0], sizes = [1, 1024], strides = [1, 1]} : vector<8x1024xf32> to vector<1x1024xf32>
    %mul3A_117 = vector.broadcast %slice3A_116 : vector<1x1024xf32> to vector<4x1024xf32>
    %mul3A_118 = arith.mulf %slice3A_115, %mul3A_117 : vector<4x1024xf32>
    %slice3A_119 = vector.extract_strided_slice %slice3A {offsets = [68, 0], sizes = [4, 1024], strides = [1, 1]} : vector<160x1024xf32> to vector<4x1024xf32>
    %slice3A_120 = vector.extract_strided_slice %slice3A_32 {offsets = [1, 0], sizes = [1, 1024], strides = [1, 1]} : vector<8x1024xf32> to vector<1x1024xf32>
    %mul3A_121 = vector.broadcast %slice3A_120 : vector<1x1024xf32> to vector<4x1024xf32>
    %mul3A_122 = arith.mulf %slice3A_119, %mul3A_121 : vector<4x1024xf32>
    %add3A_123 = arith.addf %mul3A_118, %mul3A_122 : vector<4x1024xf32>
    %slice3A_124 = vector.extract_strided_slice %slice3A {offsets = [72, 0], sizes = [4, 1024], strides = [1, 1]} : vector<160x1024xf32> to vector<4x1024xf32>
    %slice3A_125 = vector.extract_strided_slice %slice3A_32 {offsets = [2, 0], sizes = [1, 1024], strides = [1, 1]} : vector<8x1024xf32> to vector<1x1024xf32>
    %mul3A_126 = vector.broadcast %slice3A_125 : vector<1x1024xf32> to vector<4x1024xf32>
    %mul3A_127 = arith.mulf %slice3A_124, %mul3A_126 : vector<4x1024xf32>
    %add3A_128 = arith.addf %add3A_123, %mul3A_127 : vector<4x1024xf32>
    %slice3A_129 = vector.extract_strided_slice %slice3A {offsets = [76, 0], sizes = [4, 1024], strides = [1, 1]} : vector<160x1024xf32> to vector<4x1024xf32>
    %slice3A_130 = vector.extract_strided_slice %slice3A_32 {offsets = [3, 0], sizes = [1, 1024], strides = [1, 1]} : vector<8x1024xf32> to vector<1x1024xf32>
    %mul3A_131 = vector.broadcast %slice3A_130 : vector<1x1024xf32> to vector<4x1024xf32>
    %mul3A_132 = arith.mulf %slice3A_129, %mul3A_131 : vector<4x1024xf32>
    %add3A_133 = arith.addf %add3A_128, %mul3A_132 : vector<4x1024xf32>
    %slice3A_134 = vector.extract_strided_slice %slice3A {offsets = [80, 0], sizes = [4, 1024], strides = [1, 1]} : vector<160x1024xf32> to vector<4x1024xf32>
    %slice3A_135 = vector.extract_strided_slice %slice3A_32 {offsets = [4, 0], sizes = [1, 1024], strides = [1, 1]} : vector<8x1024xf32> to vector<1x1024xf32>
    %mul3A_136 = vector.broadcast %slice3A_135 : vector<1x1024xf32> to vector<4x1024xf32>
    %mul3A_137 = arith.mulf %slice3A_134, %mul3A_136 : vector<4x1024xf32>
    %add3A_138 = arith.addf %add3A_133, %mul3A_137 : vector<4x1024xf32>
    %slice3A_139 = vector.extract_strided_slice %slice3A {offsets = [84, 0], sizes = [4, 1024], strides = [1, 1]} : vector<160x1024xf32> to vector<4x1024xf32>
    %slice3A_140 = vector.extract_strided_slice %slice3A_32 {offsets = [5, 0], sizes = [1, 1024], strides = [1, 1]} : vector<8x1024xf32> to vector<1x1024xf32>
    %mul3A_141 = vector.broadcast %slice3A_140 : vector<1x1024xf32> to vector<4x1024xf32>
    %mul3A_142 = arith.mulf %slice3A_139, %mul3A_141 : vector<4x1024xf32>
    %add3A_143 = arith.addf %add3A_138, %mul3A_142 : vector<4x1024xf32>
    %slice3A_144 = vector.extract_strided_slice %slice3A {offsets = [88, 0], sizes = [4, 1024], strides = [1, 1]} : vector<160x1024xf32> to vector<4x1024xf32>
    %slice3A_145 = vector.extract_strided_slice %slice3A_32 {offsets = [6, 0], sizes = [1, 1024], strides = [1, 1]} : vector<8x1024xf32> to vector<1x1024xf32>
    %mul3A_146 = vector.broadcast %slice3A_145 : vector<1x1024xf32> to vector<4x1024xf32>
    %mul3A_147 = arith.mulf %slice3A_144, %mul3A_146 : vector<4x1024xf32>
    %add3A_148 = arith.addf %add3A_143, %mul3A_147 : vector<4x1024xf32>
    %slice3A_149 = vector.extract_strided_slice %slice3A {offsets = [92, 0], sizes = [4, 1024], strides = [1, 1]} : vector<160x1024xf32> to vector<4x1024xf32>
    %slice3A_150 = vector.extract_strided_slice %slice3A_32 {offsets = [7, 0], sizes = [1, 1024], strides = [1, 1]} : vector<8x1024xf32> to vector<1x1024xf32>
    %mul3A_151 = vector.broadcast %slice3A_150 : vector<1x1024xf32> to vector<4x1024xf32>
    %mul3A_152 = arith.mulf %slice3A_149, %mul3A_151 : vector<4x1024xf32>
    %add3A_153 = arith.addf %add3A_148, %mul3A_152 : vector<4x1024xf32>
    %mul3A_154 = vector.broadcast %slice3A_39 : vector<1x1024xf32> to vector<4x1024xf32>
    %mul3A_155 = arith.mulf %slice3A_34, %mul3A_154 : vector<4x1024xf32>
    %mul3A_156 = vector.broadcast %slice3A_38 : vector<1x1024xf32> to vector<4x1024xf32>
    %mul3A_157 = arith.mulf %slice3A_35, %mul3A_156 : vector<4x1024xf32>
    %sub3A = arith.subf %mul3A_155, %mul3A_157 : vector<4x1024xf32>
    %mul3A_158 = arith.constant 0.707106769 : f32
    %mul3A_159 = vector.broadcast %mul3A_158 : f32 to vector<4x1024xf32>
    %mul3A_160 = arith.mulf %sub3A, %mul3A_159 : vector<4x1024xf32>
    %slice3A_161 = vector.extract_strided_slice %slice3A {offsets = [96, 0], sizes = [4, 1024], strides = [1, 1]} : vector<160x1024xf32> to vector<4x1024xf32>
    %slice3A_162 = vector.extract_strided_slice %slice3A_33 {offsets = [0, 0], sizes = [1, 1024], strides = [1, 1]} : vector<4x1024xf32> to vector<1x1024xf32>
    %mul3A_163 = vector.broadcast %slice3A_162 : vector<1x1024xf32> to vector<4x1024xf32>
    %mul3A_164 = arith.mulf %slice3A_161, %mul3A_163 : vector<4x1024xf32>
    %slice3A_165 = vector.extract_strided_slice %slice3A {offsets = [144, 0], sizes = [4, 1024], strides = [1, 1]} : vector<160x1024xf32> to vector<4x1024xf32>
    %slice3A_166 = vector.extract_strided_slice %mul3A_160 {offsets = [0, 0], sizes = [1, 1024], strides = [1, 1]} : vector<4x1024xf32> to vector<1x1024xf32>
    %mul3A_167 = vector.broadcast %slice3A_166 : vector<1x1024xf32> to vector<4x1024xf32>
    %mul3A_168 = arith.mulf %slice3A_165, %mul3A_167 : vector<4x1024xf32>
    %slice3A_169 = vector.extract_strided_slice %slice3A {offsets = [100, 0], sizes = [4, 1024], strides = [1, 1]} : vector<160x1024xf32> to vector<4x1024xf32>
    %slice3A_170 = vector.extract_strided_slice %slice3A_33 {offsets = [1, 0], sizes = [1, 1024], strides = [1, 1]} : vector<4x1024xf32> to vector<1x1024xf32>
    %mul3A_171 = vector.broadcast %slice3A_170 : vector<1x1024xf32> to vector<4x1024xf32>
    %mul3A_172 = arith.mulf %slice3A_169, %mul3A_171 : vector<4x1024xf32>
    %add3A_173 = arith.addf %mul3A_164, %mul3A_172 : vector<4x1024xf32>
    %slice3A_174 = vector.extract_strided_slice %slice3A {offsets = [148, 0], sizes = [4, 1024], strides = [1, 1]} : vector<160x1024xf32> to vector<4x1024xf32>
    %slice3A_175 = vector.extract_strided_slice %mul3A_160 {offsets = [1, 0], sizes = [1, 1024], strides = [1, 1]} : vector<4x1024xf32> to vector<1x1024xf32>
    %mul3A_176 = vector.broadcast %slice3A_175 : vector<1x1024xf32> to vector<4x1024xf32>
    %mul3A_177 = arith.mulf %slice3A_174, %mul3A_176 : vector<4x1024xf32>
    %add3A_178 = arith.addf %mul3A_168, %mul3A_177 : vector<4x1024xf32>
    %slice3A_179 = vector.extract_strided_slice %slice3A {offsets = [104, 0], sizes = [4, 1024], strides = [1, 1]} : vector<160x1024xf32> to vector<4x1024xf32>
    %slice3A_180 = vector.extract_strided_slice %slice3A_33 {offsets = [2, 0], sizes = [1, 1024], strides = [1, 1]} : vector<4x1024xf32> to vector<1x1024xf32>
    %mul3A_181 = vector.broadcast %slice3A_180 : vector<1x1024xf32> to vector<4x1024xf32>
    %mul3A_182 = arith.mulf %slice3A_179, %mul3A_181 : vector<4x1024xf32>
    %add3A_183 = arith.addf %add3A_173, %mul3A_182 : vector<4x1024xf32>
    %slice3A_184 = vector.extract_strided_slice %slice3A {offsets = [152, 0], sizes = [4, 1024], strides = [1, 1]} : vector<160x1024xf32> to vector<4x1024xf32>
    %slice3A_185 = vector.extract_strided_slice %mul3A_160 {offsets = [2, 0], sizes = [1, 1024], strides = [1, 1]} : vector<4x1024xf32> to vector<1x1024xf32>
    %mul3A_186 = vector.broadcast %slice3A_185 : vector<1x1024xf32> to vector<4x1024xf32>
    %mul3A_187 = arith.mulf %slice3A_184, %mul3A_186 : vector<4x1024xf32>
    %add3A_188 = arith.addf %add3A_178, %mul3A_187 : vector<4x1024xf32>
    %slice3A_189 = vector.extract_strided_slice %slice3A {offsets = [108, 0], sizes = [4, 1024], strides = [1, 1]} : vector<160x1024xf32> to vector<4x1024xf32>
    %slice3A_190 = vector.extract_strided_slice %slice3A_33 {offsets = [3, 0], sizes = [1, 1024], strides = [1, 1]} : vector<4x1024xf32> to vector<1x1024xf32>
    %mul3A_191 = vector.broadcast %slice3A_190 : vector<1x1024xf32> to vector<4x1024xf32>
    %mul3A_192 = arith.mulf %slice3A_189, %mul3A_191 : vector<4x1024xf32>
    %add3A_193 = arith.addf %add3A_183, %mul3A_192 : vector<4x1024xf32>
    %slice3A_194 = vector.extract_strided_slice %slice3A {offsets = [156, 0], sizes = [4, 1024], strides = [1, 1]} : vector<160x1024xf32> to vector<4x1024xf32>
    %slice3A_195 = vector.extract_strided_slice %mul3A_160 {offsets = [3, 0], sizes = [1, 1024], strides = [1, 1]} : vector<4x1024xf32> to vector<1x1024xf32>
    %mul3A_196 = vector.broadcast %slice3A_195 : vector<1x1024xf32> to vector<4x1024xf32>
    %mul3A_197 = arith.mulf %slice3A_194, %mul3A_196 : vector<4x1024xf32>
    %add3A_198 = arith.addf %add3A_188, %mul3A_197 : vector<4x1024xf32>
    %mul3A_199 = vector.broadcast %slice3A_37 : vector<1x1024xf32> to vector<4x1024xf32>
    %mul3A_200 = arith.mulf %add3A_153, %mul3A_199 : vector<4x1024xf32>
    %mul3A_201 = vector.broadcast %slice3A_36 : vector<1x1024xf32> to vector<4x1024xf32>
    %mul3A_202 = arith.mulf %add3A_193, %mul3A_201 : vector<4x1024xf32>
    %add3A_203 = arith.addf %mul3A_200, %mul3A_202 : vector<4x1024xf32>
    %add3A_204 = arith.addf %add3A_203, %add3A_198 : vector<4x1024xf32>
    %mul3A_205 = arith.constant 2.500000e-01 : f32
    %mul3A_206 = vector.broadcast %mul3A_205 : f32 to vector<4x1024xf32>
    %mul3A_207 = arith.mulf %add3A_204, %mul3A_206 : vector<4x1024xf32>
    %mul3A_208 = vector.broadcast %slice3A_37 : vector<1x1024xf32> to vector<4x1024xf32>
    %mul3A_209 = arith.mulf %slice3A_35, %mul3A_208 : vector<4x1024xf32>
    %mul3A_210 = vector.broadcast %slice3A_39 : vector<1x1024xf32> to vector<4x1024xf32>
    %mul3A_211 = arith.mulf %slice3A_33, %mul3A_210 : vector<4x1024xf32>
    %sub3A_212 = arith.subf %mul3A_209, %mul3A_211 : vector<4x1024xf32>
    %mul3A_213 = arith.constant 0.707106769 : f32
    %mul3A_214 = vector.broadcast %mul3A_213 : f32 to vector<4x1024xf32>
    %mul3A_215 = arith.mulf %sub3A_212, %mul3A_214 : vector<4x1024xf32>
    %slice3A_216 = vector.extract_strided_slice %slice3A {offsets = [96, 0], sizes = [4, 1024], strides = [1, 1]} : vector<160x1024xf32> to vector<4x1024xf32>
    %slice3A_217 = vector.extract_strided_slice %slice3A_34 {offsets = [0, 0], sizes = [1, 1024], strides = [1, 1]} : vector<4x1024xf32> to vector<1x1024xf32>
    %mul3A_218 = vector.broadcast %slice3A_217 : vector<1x1024xf32> to vector<4x1024xf32>
    %mul3A_219 = arith.mulf %slice3A_216, %mul3A_218 : vector<4x1024xf32>
    %slice3A_220 = vector.extract_strided_slice %slice3A {offsets = [144, 0], sizes = [4, 1024], strides = [1, 1]} : vector<160x1024xf32> to vector<4x1024xf32>
    %slice3A_221 = vector.extract_strided_slice %mul3A_215 {offsets = [0, 0], sizes = [1, 1024], strides = [1, 1]} : vector<4x1024xf32> to vector<1x1024xf32>
    %mul3A_222 = vector.broadcast %slice3A_221 : vector<1x1024xf32> to vector<4x1024xf32>
    %mul3A_223 = arith.mulf %slice3A_220, %mul3A_222 : vector<4x1024xf32>
    %slice3A_224 = vector.extract_strided_slice %slice3A {offsets = [100, 0], sizes = [4, 1024], strides = [1, 1]} : vector<160x1024xf32> to vector<4x1024xf32>
    %slice3A_225 = vector.extract_strided_slice %slice3A_34 {offsets = [1, 0], sizes = [1, 1024], strides = [1, 1]} : vector<4x1024xf32> to vector<1x1024xf32>
    %mul3A_226 = vector.broadcast %slice3A_225 : vector<1x1024xf32> to vector<4x1024xf32>
    %mul3A_227 = arith.mulf %slice3A_224, %mul3A_226 : vector<4x1024xf32>
    %add3A_228 = arith.addf %mul3A_219, %mul3A_227 : vector<4x1024xf32>
    %slice3A_229 = vector.extract_strided_slice %slice3A {offsets = [148, 0], sizes = [4, 1024], strides = [1, 1]} : vector<160x1024xf32> to vector<4x1024xf32>
    %slice3A_230 = vector.extract_strided_slice %mul3A_215 {offsets = [1, 0], sizes = [1, 1024], strides = [1, 1]} : vector<4x1024xf32> to vector<1x1024xf32>
    %mul3A_231 = vector.broadcast %slice3A_230 : vector<1x1024xf32> to vector<4x1024xf32>
    %mul3A_232 = arith.mulf %slice3A_229, %mul3A_231 : vector<4x1024xf32>
    %add3A_233 = arith.addf %mul3A_223, %mul3A_232 : vector<4x1024xf32>
    %slice3A_234 = vector.extract_strided_slice %slice3A {offsets = [104, 0], sizes = [4, 1024], strides = [1, 1]} : vector<160x1024xf32> to vector<4x1024xf32>
    %slice3A_235 = vector.extract_strided_slice %slice3A_34 {offsets = [2, 0], sizes = [1, 1024], strides = [1, 1]} : vector<4x1024xf32> to vector<1x1024xf32>
    %mul3A_236 = vector.broadcast %slice3A_235 : vector<1x1024xf32> to vector<4x1024xf32>
    %mul3A_237 = arith.mulf %slice3A_234, %mul3A_236 : vector<4x1024xf32>
    %add3A_238 = arith.addf %add3A_228, %mul3A_237 : vector<4x1024xf32>
    %slice3A_239 = vector.extract_strided_slice %slice3A {offsets = [152, 0], sizes = [4, 1024], strides = [1, 1]} : vector<160x1024xf32> to vector<4x1024xf32>
    %slice3A_240 = vector.extract_strided_slice %mul3A_215 {offsets = [2, 0], sizes = [1, 1024], strides = [1, 1]} : vector<4x1024xf32> to vector<1x1024xf32>
    %mul3A_241 = vector.broadcast %slice3A_240 : vector<1x1024xf32> to vector<4x1024xf32>
    %mul3A_242 = arith.mulf %slice3A_239, %mul3A_241 : vector<4x1024xf32>
    %add3A_243 = arith.addf %add3A_233, %mul3A_242 : vector<4x1024xf32>
    %slice3A_244 = vector.extract_strided_slice %slice3A {offsets = [108, 0], sizes = [4, 1024], strides = [1, 1]} : vector<160x1024xf32> to vector<4x1024xf32>
    %slice3A_245 = vector.extract_strided_slice %slice3A_34 {offsets = [3, 0], sizes = [1, 1024], strides = [1, 1]} : vector<4x1024xf32> to vector<1x1024xf32>
    %mul3A_246 = vector.broadcast %slice3A_245 : vector<1x1024xf32> to vector<4x1024xf32>
    %mul3A_247 = arith.mulf %slice3A_244, %mul3A_246 : vector<4x1024xf32>
    %add3A_248 = arith.addf %add3A_238, %mul3A_247 : vector<4x1024xf32>
    %slice3A_249 = vector.extract_strided_slice %slice3A {offsets = [156, 0], sizes = [4, 1024], strides = [1, 1]} : vector<160x1024xf32> to vector<4x1024xf32>
    %slice3A_250 = vector.extract_strided_slice %mul3A_215 {offsets = [3, 0], sizes = [1, 1024], strides = [1, 1]} : vector<4x1024xf32> to vector<1x1024xf32>
    %mul3A_251 = vector.broadcast %slice3A_250 : vector<1x1024xf32> to vector<4x1024xf32>
    %mul3A_252 = arith.mulf %slice3A_249, %mul3A_251 : vector<4x1024xf32>
    %add3A_253 = arith.addf %add3A_243, %mul3A_252 : vector<4x1024xf32>
    %mul3A_254 = vector.broadcast %slice3A_38 : vector<1x1024xf32> to vector<4x1024xf32>
    %mul3A_255 = arith.mulf %add3A_153, %mul3A_254 : vector<4x1024xf32>
    %mul3A_256 = vector.broadcast %slice3A_36 : vector<1x1024xf32> to vector<4x1024xf32>
    %mul3A_257 = arith.mulf %add3A_248, %mul3A_256 : vector<4x1024xf32>
    %add3A_258 = arith.addf %mul3A_255, %mul3A_257 : vector<4x1024xf32>
    %add3A_259 = arith.addf %add3A_258, %add3A_253 : vector<4x1024xf32>
    %mul3A_260 = arith.constant 2.500000e-01 : f32
    %mul3A_261 = vector.broadcast %mul3A_260 : f32 to vector<4x1024xf32>
    %mul3A_262 = arith.mulf %add3A_259, %mul3A_261 : vector<4x1024xf32>
    %mul3A_263 = vector.broadcast %slice3A_38 : vector<1x1024xf32> to vector<4x1024xf32>
    %mul3A_264 = arith.mulf %slice3A_33, %mul3A_263 : vector<4x1024xf32>
    %mul3A_265 = vector.broadcast %slice3A_37 : vector<1x1024xf32> to vector<4x1024xf32>
    %mul3A_266 = arith.mulf %slice3A_34, %mul3A_265 : vector<4x1024xf32>
    %sub3A_267 = arith.subf %mul3A_264, %mul3A_266 : vector<4x1024xf32>
    %mul3A_268 = arith.constant 0.707106769 : f32
    %mul3A_269 = vector.broadcast %mul3A_268 : f32 to vector<4x1024xf32>
    %mul3A_270 = arith.mulf %sub3A_267, %mul3A_269 : vector<4x1024xf32>
    %slice3A_271 = vector.extract_strided_slice %slice3A {offsets = [96, 0], sizes = [4, 1024], strides = [1, 1]} : vector<160x1024xf32> to vector<4x1024xf32>
    %slice3A_272 = vector.extract_strided_slice %slice3A_35 {offsets = [0, 0], sizes = [1, 1024], strides = [1, 1]} : vector<4x1024xf32> to vector<1x1024xf32>
    %mul3A_273 = vector.broadcast %slice3A_272 : vector<1x1024xf32> to vector<4x1024xf32>
    %mul3A_274 = arith.mulf %slice3A_271, %mul3A_273 : vector<4x1024xf32>
    %slice3A_275 = vector.extract_strided_slice %slice3A {offsets = [144, 0], sizes = [4, 1024], strides = [1, 1]} : vector<160x1024xf32> to vector<4x1024xf32>
    %slice3A_276 = vector.extract_strided_slice %mul3A_270 {offsets = [0, 0], sizes = [1, 1024], strides = [1, 1]} : vector<4x1024xf32> to vector<1x1024xf32>
    %mul3A_277 = vector.broadcast %slice3A_276 : vector<1x1024xf32> to vector<4x1024xf32>
    %mul3A_278 = arith.mulf %slice3A_275, %mul3A_277 : vector<4x1024xf32>
    %slice3A_279 = vector.extract_strided_slice %slice3A {offsets = [100, 0], sizes = [4, 1024], strides = [1, 1]} : vector<160x1024xf32> to vector<4x1024xf32>
    %slice3A_280 = vector.extract_strided_slice %slice3A_35 {offsets = [1, 0], sizes = [1, 1024], strides = [1, 1]} : vector<4x1024xf32> to vector<1x1024xf32>
    %mul3A_281 = vector.broadcast %slice3A_280 : vector<1x1024xf32> to vector<4x1024xf32>
    %mul3A_282 = arith.mulf %slice3A_279, %mul3A_281 : vector<4x1024xf32>
    %add3A_283 = arith.addf %mul3A_274, %mul3A_282 : vector<4x1024xf32>
    %slice3A_284 = vector.extract_strided_slice %slice3A {offsets = [148, 0], sizes = [4, 1024], strides = [1, 1]} : vector<160x1024xf32> to vector<4x1024xf32>
    %slice3A_285 = vector.extract_strided_slice %mul3A_270 {offsets = [1, 0], sizes = [1, 1024], strides = [1, 1]} : vector<4x1024xf32> to vector<1x1024xf32>
    %mul3A_286 = vector.broadcast %slice3A_285 : vector<1x1024xf32> to vector<4x1024xf32>
    %mul3A_287 = arith.mulf %slice3A_284, %mul3A_286 : vector<4x1024xf32>
    %add3A_288 = arith.addf %mul3A_278, %mul3A_287 : vector<4x1024xf32>
    %slice3A_289 = vector.extract_strided_slice %slice3A {offsets = [104, 0], sizes = [4, 1024], strides = [1, 1]} : vector<160x1024xf32> to vector<4x1024xf32>
    %slice3A_290 = vector.extract_strided_slice %slice3A_35 {offsets = [2, 0], sizes = [1, 1024], strides = [1, 1]} : vector<4x1024xf32> to vector<1x1024xf32>
    %mul3A_291 = vector.broadcast %slice3A_290 : vector<1x1024xf32> to vector<4x1024xf32>
    %mul3A_292 = arith.mulf %slice3A_289, %mul3A_291 : vector<4x1024xf32>
    %add3A_293 = arith.addf %add3A_283, %mul3A_292 : vector<4x1024xf32>
    %slice3A_294 = vector.extract_strided_slice %slice3A {offsets = [152, 0], sizes = [4, 1024], strides = [1, 1]} : vector<160x1024xf32> to vector<4x1024xf32>
    %slice3A_295 = vector.extract_strided_slice %mul3A_270 {offsets = [2, 0], sizes = [1, 1024], strides = [1, 1]} : vector<4x1024xf32> to vector<1x1024xf32>
    %mul3A_296 = vector.broadcast %slice3A_295 : vector<1x1024xf32> to vector<4x1024xf32>
    %mul3A_297 = arith.mulf %slice3A_294, %mul3A_296 : vector<4x1024xf32>
    %add3A_298 = arith.addf %add3A_288, %mul3A_297 : vector<4x1024xf32>
    %slice3A_299 = vector.extract_strided_slice %slice3A {offsets = [108, 0], sizes = [4, 1024], strides = [1, 1]} : vector<160x1024xf32> to vector<4x1024xf32>
    %slice3A_300 = vector.extract_strided_slice %slice3A_35 {offsets = [3, 0], sizes = [1, 1024], strides = [1, 1]} : vector<4x1024xf32> to vector<1x1024xf32>
    %mul3A_301 = vector.broadcast %slice3A_300 : vector<1x1024xf32> to vector<4x1024xf32>
    %mul3A_302 = arith.mulf %slice3A_299, %mul3A_301 : vector<4x1024xf32>
    %add3A_303 = arith.addf %add3A_293, %mul3A_302 : vector<4x1024xf32>
    %slice3A_304 = vector.extract_strided_slice %slice3A {offsets = [156, 0], sizes = [4, 1024], strides = [1, 1]} : vector<160x1024xf32> to vector<4x1024xf32>
    %slice3A_305 = vector.extract_strided_slice %mul3A_270 {offsets = [3, 0], sizes = [1, 1024], strides = [1, 1]} : vector<4x1024xf32> to vector<1x1024xf32>
    %mul3A_306 = vector.broadcast %slice3A_305 : vector<1x1024xf32> to vector<4x1024xf32>
    %mul3A_307 = arith.mulf %slice3A_304, %mul3A_306 : vector<4x1024xf32>
    %add3A_308 = arith.addf %add3A_298, %mul3A_307 : vector<4x1024xf32>
    %mul3A_309 = vector.broadcast %slice3A_39 : vector<1x1024xf32> to vector<4x1024xf32>
    %mul3A_310 = arith.mulf %add3A_153, %mul3A_309 : vector<4x1024xf32>
    %mul3A_311 = vector.broadcast %slice3A_36 : vector<1x1024xf32> to vector<4x1024xf32>
    %mul3A_312 = arith.mulf %add3A_303, %mul3A_311 : vector<4x1024xf32>
    %add3A_313 = arith.addf %mul3A_310, %mul3A_312 : vector<4x1024xf32>
    %add3A_314 = arith.addf %add3A_313, %add3A_308 : vector<4x1024xf32>
    %mul3A_315 = arith.constant 2.500000e-01 : f32
    %mul3A_316 = vector.broadcast %mul3A_315 : f32 to vector<4x1024xf32>
    %mul3A_317 = arith.mulf %add3A_314, %mul3A_316 : vector<4x1024xf32>
    %slice3A_318 = vector.extract_strided_slice %mul3A_114 {offsets = [0, 0], sizes = [4, 1024], strides = [1, 1]} : vector<8x1024xf32> to vector<4x1024xf32>
    %mul3A_319 = arith.constant 0.000000e+00 : f32
    %mul3A_320 = vector.broadcast %mul3A_319 : f32 to vector<4x1024xf32>
    %mul3A_321 = arith.mulf %slice3A_318, %mul3A_320 : vector<4x1024xf32>
    %slice3A_322 = vector.extract_strided_slice %add3A_24 {offsets = [0, 1024], sizes = [160, 1024], strides = [1, 1]} : vector<160x4096xf32> to vector<160x1024xf32>
    %slice3A_323 = vector.extract_strided_slice %get3A_27 {offsets = [0, 1024], sizes = [4, 1024], strides = [1, 1]} : vector<4x4096xf32> to vector<4x1024xf32>
    %slice3A_324 = vector.extract_strided_slice %transpose3A {offsets = [32, 0], sizes = [8, 1024], strides = [1, 1]} : vector<128x1024xf32> to vector<8x1024xf32>
    %slice3A_325 = vector.extract_strided_slice %transpose3A {offsets = [40, 0], sizes = [4, 1024], strides = [1, 1]} : vector<128x1024xf32> to vector<4x1024xf32>
    %slice3A_326 = vector.extract_strided_slice %transpose3A {offsets = [44, 0], sizes = [4, 1024], strides = [1, 1]} : vector<128x1024xf32> to vector<4x1024xf32>
    %slice3A_327 = vector.extract_strided_slice %transpose3A {offsets = [48, 0], sizes = [4, 1024], strides = [1, 1]} : vector<128x1024xf32> to vector<4x1024xf32>
    %slice3A_328 = vector.extract_strided_slice %slice3A_323 {offsets = [0, 0], sizes = [1, 1024], strides = [1, 1]} : vector<4x1024xf32> to vector<1x1024xf32>
    %slice3A_329 = vector.extract_strided_slice %slice3A_323 {offsets = [1, 0], sizes = [1, 1024], strides = [1, 1]} : vector<4x1024xf32> to vector<1x1024xf32>
    %slice3A_330 = vector.extract_strided_slice %slice3A_323 {offsets = [2, 0], sizes = [1, 1024], strides = [1, 1]} : vector<4x1024xf32> to vector<1x1024xf32>
    %slice3A_331 = vector.extract_strided_slice %slice3A_323 {offsets = [3, 0], sizes = [1, 1024], strides = [1, 1]} : vector<4x1024xf32> to vector<1x1024xf32>
    %mul3A_332 = vector.broadcast %slice3A_328 : vector<1x1024xf32> to vector<8x1024xf32>
    %mul3A_333 = arith.mulf %slice3A_324, %mul3A_332 : vector<8x1024xf32>
    %slice3A_334 = vector.extract_strided_slice %slice3A_322 {offsets = [0, 0], sizes = [8, 1024], strides = [1, 1]} : vector<160x1024xf32> to vector<8x1024xf32>
    %slice3A_335 = vector.extract_strided_slice %mul3A_333 {offsets = [0, 0], sizes = [1, 1024], strides = [1, 1]} : vector<8x1024xf32> to vector<1x1024xf32>
    %mul3A_336 = vector.broadcast %slice3A_335 : vector<1x1024xf32> to vector<8x1024xf32>
    %mul3A_337 = arith.mulf %slice3A_334, %mul3A_336 : vector<8x1024xf32>
    %slice3A_338 = vector.extract_strided_slice %slice3A_322 {offsets = [8, 0], sizes = [8, 1024], strides = [1, 1]} : vector<160x1024xf32> to vector<8x1024xf32>
    %slice3A_339 = vector.extract_strided_slice %mul3A_333 {offsets = [1, 0], sizes = [1, 1024], strides = [1, 1]} : vector<8x1024xf32> to vector<1x1024xf32>
    %mul3A_340 = vector.broadcast %slice3A_339 : vector<1x1024xf32> to vector<8x1024xf32>
    %mul3A_341 = arith.mulf %slice3A_338, %mul3A_340 : vector<8x1024xf32>
    %add3A_342 = arith.addf %mul3A_337, %mul3A_341 : vector<8x1024xf32>
    %slice3A_343 = vector.extract_strided_slice %slice3A_322 {offsets = [16, 0], sizes = [8, 1024], strides = [1, 1]} : vector<160x1024xf32> to vector<8x1024xf32>
    %slice3A_344 = vector.extract_strided_slice %mul3A_333 {offsets = [2, 0], sizes = [1, 1024], strides = [1, 1]} : vector<8x1024xf32> to vector<1x1024xf32>
    %mul3A_345 = vector.broadcast %slice3A_344 : vector<1x1024xf32> to vector<8x1024xf32>
    %mul3A_346 = arith.mulf %slice3A_343, %mul3A_345 : vector<8x1024xf32>
    %add3A_347 = arith.addf %add3A_342, %mul3A_346 : vector<8x1024xf32>
    %slice3A_348 = vector.extract_strided_slice %slice3A_322 {offsets = [24, 0], sizes = [8, 1024], strides = [1, 1]} : vector<160x1024xf32> to vector<8x1024xf32>
    %slice3A_349 = vector.extract_strided_slice %mul3A_333 {offsets = [3, 0], sizes = [1, 1024], strides = [1, 1]} : vector<8x1024xf32> to vector<1x1024xf32>
    %mul3A_350 = vector.broadcast %slice3A_349 : vector<1x1024xf32> to vector<8x1024xf32>
    %mul3A_351 = arith.mulf %slice3A_348, %mul3A_350 : vector<8x1024xf32>
    %add3A_352 = arith.addf %add3A_347, %mul3A_351 : vector<8x1024xf32>
    %slice3A_353 = vector.extract_strided_slice %slice3A_322 {offsets = [32, 0], sizes = [8, 1024], strides = [1, 1]} : vector<160x1024xf32> to vector<8x1024xf32>
    %slice3A_354 = vector.extract_strided_slice %mul3A_333 {offsets = [4, 0], sizes = [1, 1024], strides = [1, 1]} : vector<8x1024xf32> to vector<1x1024xf32>
    %mul3A_355 = vector.broadcast %slice3A_354 : vector<1x1024xf32> to vector<8x1024xf32>
    %mul3A_356 = arith.mulf %slice3A_353, %mul3A_355 : vector<8x1024xf32>
    %add3A_357 = arith.addf %add3A_352, %mul3A_356 : vector<8x1024xf32>
    %slice3A_358 = vector.extract_strided_slice %slice3A_322 {offsets = [40, 0], sizes = [8, 1024], strides = [1, 1]} : vector<160x1024xf32> to vector<8x1024xf32>
    %slice3A_359 = vector.extract_strided_slice %mul3A_333 {offsets = [5, 0], sizes = [1, 1024], strides = [1, 1]} : vector<8x1024xf32> to vector<1x1024xf32>
    %mul3A_360 = vector.broadcast %slice3A_359 : vector<1x1024xf32> to vector<8x1024xf32>
    %mul3A_361 = arith.mulf %slice3A_358, %mul3A_360 : vector<8x1024xf32>
    %add3A_362 = arith.addf %add3A_357, %mul3A_361 : vector<8x1024xf32>
    %slice3A_363 = vector.extract_strided_slice %slice3A_322 {offsets = [48, 0], sizes = [8, 1024], strides = [1, 1]} : vector<160x1024xf32> to vector<8x1024xf32>
    %slice3A_364 = vector.extract_strided_slice %mul3A_333 {offsets = [6, 0], sizes = [1, 1024], strides = [1, 1]} : vector<8x1024xf32> to vector<1x1024xf32>
    %mul3A_365 = vector.broadcast %slice3A_364 : vector<1x1024xf32> to vector<8x1024xf32>
    %mul3A_366 = arith.mulf %slice3A_363, %mul3A_365 : vector<8x1024xf32>
    %add3A_367 = arith.addf %add3A_362, %mul3A_366 : vector<8x1024xf32>
    %slice3A_368 = vector.extract_strided_slice %slice3A_322 {offsets = [56, 0], sizes = [8, 1024], strides = [1, 1]} : vector<160x1024xf32> to vector<8x1024xf32>
    %slice3A_369 = vector.extract_strided_slice %mul3A_333 {offsets = [7, 0], sizes = [1, 1024], strides = [1, 1]} : vector<8x1024xf32> to vector<1x1024xf32>
    %mul3A_370 = vector.broadcast %slice3A_369 : vector<1x1024xf32> to vector<8x1024xf32>
    %mul3A_371 = arith.mulf %slice3A_368, %mul3A_370 : vector<8x1024xf32>
    %add3A_372 = arith.addf %add3A_367, %mul3A_371 : vector<8x1024xf32>
    %mul3A_373 = vector.broadcast %slice3A_329 : vector<1x1024xf32> to vector<4x1024xf32>
    %mul3A_374 = arith.mulf %slice3A_325, %mul3A_373 : vector<4x1024xf32>
    %mul3A_375 = vector.broadcast %slice3A_330 : vector<1x1024xf32> to vector<4x1024xf32>
    %mul3A_376 = arith.mulf %slice3A_326, %mul3A_375 : vector<4x1024xf32>
    %add3A_377 = arith.addf %mul3A_374, %mul3A_376 : vector<4x1024xf32>
    %mul3A_378 = vector.broadcast %slice3A_331 : vector<1x1024xf32> to vector<4x1024xf32>
    %mul3A_379 = arith.mulf %slice3A_327, %mul3A_378 : vector<4x1024xf32>
    %add3A_380 = arith.addf %add3A_377, %mul3A_379 : vector<4x1024xf32>
    %mul3A_381 = arith.constant 0.577350259 : f32
    %mul3A_382 = vector.broadcast %mul3A_381 : f32 to vector<4x1024xf32>
    %mul3A_383 = arith.mulf %add3A_380, %mul3A_382 : vector<4x1024xf32>
    %slice3A_384 = vector.extract_strided_slice %slice3A_322 {offsets = [112, 0], sizes = [8, 1024], strides = [1, 1]} : vector<160x1024xf32> to vector<8x1024xf32>
    %slice3A_385 = vector.extract_strided_slice %mul3A_383 {offsets = [0, 0], sizes = [1, 1024], strides = [1, 1]} : vector<4x1024xf32> to vector<1x1024xf32>
    %mul3A_386 = vector.broadcast %slice3A_385 : vector<1x1024xf32> to vector<8x1024xf32>
    %mul3A_387 = arith.mulf %slice3A_384, %mul3A_386 : vector<8x1024xf32>
    %add3A_388 = arith.addf %add3A_372, %mul3A_387 : vector<8x1024xf32>
    %slice3A_389 = vector.extract_strided_slice %slice3A_322 {offsets = [120, 0], sizes = [8, 1024], strides = [1, 1]} : vector<160x1024xf32> to vector<8x1024xf32>
    %slice3A_390 = vector.extract_strided_slice %mul3A_383 {offsets = [1, 0], sizes = [1, 1024], strides = [1, 1]} : vector<4x1024xf32> to vector<1x1024xf32>
    %mul3A_391 = vector.broadcast %slice3A_390 : vector<1x1024xf32> to vector<8x1024xf32>
    %mul3A_392 = arith.mulf %slice3A_389, %mul3A_391 : vector<8x1024xf32>
    %add3A_393 = arith.addf %add3A_388, %mul3A_392 : vector<8x1024xf32>
    %slice3A_394 = vector.extract_strided_slice %slice3A_322 {offsets = [128, 0], sizes = [8, 1024], strides = [1, 1]} : vector<160x1024xf32> to vector<8x1024xf32>
    %slice3A_395 = vector.extract_strided_slice %mul3A_383 {offsets = [2, 0], sizes = [1, 1024], strides = [1, 1]} : vector<4x1024xf32> to vector<1x1024xf32>
    %mul3A_396 = vector.broadcast %slice3A_395 : vector<1x1024xf32> to vector<8x1024xf32>
    %mul3A_397 = arith.mulf %slice3A_394, %mul3A_396 : vector<8x1024xf32>
    %add3A_398 = arith.addf %add3A_393, %mul3A_397 : vector<8x1024xf32>
    %slice3A_399 = vector.extract_strided_slice %slice3A_322 {offsets = [136, 0], sizes = [8, 1024], strides = [1, 1]} : vector<160x1024xf32> to vector<8x1024xf32>
    %slice3A_400 = vector.extract_strided_slice %mul3A_383 {offsets = [3, 0], sizes = [1, 1024], strides = [1, 1]} : vector<4x1024xf32> to vector<1x1024xf32>
    %mul3A_401 = vector.broadcast %slice3A_400 : vector<1x1024xf32> to vector<8x1024xf32>
    %mul3A_402 = arith.mulf %slice3A_399, %mul3A_401 : vector<8x1024xf32>
    %add3A_403 = arith.addf %add3A_398, %mul3A_402 : vector<8x1024xf32>
    %mul3A_404 = arith.constant 0.288675129 : f32
    %mul3A_405 = vector.broadcast %mul3A_404 : f32 to vector<8x1024xf32>
    %mul3A_406 = arith.mulf %add3A_403, %mul3A_405 : vector<8x1024xf32>
    %slice3A_407 = vector.extract_strided_slice %slice3A_322 {offsets = [64, 0], sizes = [4, 1024], strides = [1, 1]} : vector<160x1024xf32> to vector<4x1024xf32>
    %slice3A_408 = vector.extract_strided_slice %slice3A_324 {offsets = [0, 0], sizes = [1, 1024], strides = [1, 1]} : vector<8x1024xf32> to vector<1x1024xf32>
    %mul3A_409 = vector.broadcast %slice3A_408 : vector<1x1024xf32> to vector<4x1024xf32>
    %mul3A_410 = arith.mulf %slice3A_407, %mul3A_409 : vector<4x1024xf32>
    %slice3A_411 = vector.extract_strided_slice %slice3A_322 {offsets = [68, 0], sizes = [4, 1024], strides = [1, 1]} : vector<160x1024xf32> to vector<4x1024xf32>
    %slice3A_412 = vector.extract_strided_slice %slice3A_324 {offsets = [1, 0], sizes = [1, 1024], strides = [1, 1]} : vector<8x1024xf32> to vector<1x1024xf32>
    %mul3A_413 = vector.broadcast %slice3A_412 : vector<1x1024xf32> to vector<4x1024xf32>
    %mul3A_414 = arith.mulf %slice3A_411, %mul3A_413 : vector<4x1024xf32>
    %add3A_415 = arith.addf %mul3A_410, %mul3A_414 : vector<4x1024xf32>
    %slice3A_416 = vector.extract_strided_slice %slice3A_322 {offsets = [72, 0], sizes = [4, 1024], strides = [1, 1]} : vector<160x1024xf32> to vector<4x1024xf32>
    %slice3A_417 = vector.extract_strided_slice %slice3A_324 {offsets = [2, 0], sizes = [1, 1024], strides = [1, 1]} : vector<8x1024xf32> to vector<1x1024xf32>
    %mul3A_418 = vector.broadcast %slice3A_417 : vector<1x1024xf32> to vector<4x1024xf32>
    %mul3A_419 = arith.mulf %slice3A_416, %mul3A_418 : vector<4x1024xf32>
    %add3A_420 = arith.addf %add3A_415, %mul3A_419 : vector<4x1024xf32>
    %slice3A_421 = vector.extract_strided_slice %slice3A_322 {offsets = [76, 0], sizes = [4, 1024], strides = [1, 1]} : vector<160x1024xf32> to vector<4x1024xf32>
    %slice3A_422 = vector.extract_strided_slice %slice3A_324 {offsets = [3, 0], sizes = [1, 1024], strides = [1, 1]} : vector<8x1024xf32> to vector<1x1024xf32>
    %mul3A_423 = vector.broadcast %slice3A_422 : vector<1x1024xf32> to vector<4x1024xf32>
    %mul3A_424 = arith.mulf %slice3A_421, %mul3A_423 : vector<4x1024xf32>
    %add3A_425 = arith.addf %add3A_420, %mul3A_424 : vector<4x1024xf32>
    %slice3A_426 = vector.extract_strided_slice %slice3A_322 {offsets = [80, 0], sizes = [4, 1024], strides = [1, 1]} : vector<160x1024xf32> to vector<4x1024xf32>
    %slice3A_427 = vector.extract_strided_slice %slice3A_324 {offsets = [4, 0], sizes = [1, 1024], strides = [1, 1]} : vector<8x1024xf32> to vector<1x1024xf32>
    %mul3A_428 = vector.broadcast %slice3A_427 : vector<1x1024xf32> to vector<4x1024xf32>
    %mul3A_429 = arith.mulf %slice3A_426, %mul3A_428 : vector<4x1024xf32>
    %add3A_430 = arith.addf %add3A_425, %mul3A_429 : vector<4x1024xf32>
    %slice3A_431 = vector.extract_strided_slice %slice3A_322 {offsets = [84, 0], sizes = [4, 1024], strides = [1, 1]} : vector<160x1024xf32> to vector<4x1024xf32>
    %slice3A_432 = vector.extract_strided_slice %slice3A_324 {offsets = [5, 0], sizes = [1, 1024], strides = [1, 1]} : vector<8x1024xf32> to vector<1x1024xf32>
    %mul3A_433 = vector.broadcast %slice3A_432 : vector<1x1024xf32> to vector<4x1024xf32>
    %mul3A_434 = arith.mulf %slice3A_431, %mul3A_433 : vector<4x1024xf32>
    %add3A_435 = arith.addf %add3A_430, %mul3A_434 : vector<4x1024xf32>
    %slice3A_436 = vector.extract_strided_slice %slice3A_322 {offsets = [88, 0], sizes = [4, 1024], strides = [1, 1]} : vector<160x1024xf32> to vector<4x1024xf32>
    %slice3A_437 = vector.extract_strided_slice %slice3A_324 {offsets = [6, 0], sizes = [1, 1024], strides = [1, 1]} : vector<8x1024xf32> to vector<1x1024xf32>
    %mul3A_438 = vector.broadcast %slice3A_437 : vector<1x1024xf32> to vector<4x1024xf32>
    %mul3A_439 = arith.mulf %slice3A_436, %mul3A_438 : vector<4x1024xf32>
    %add3A_440 = arith.addf %add3A_435, %mul3A_439 : vector<4x1024xf32>
    %slice3A_441 = vector.extract_strided_slice %slice3A_322 {offsets = [92, 0], sizes = [4, 1024], strides = [1, 1]} : vector<160x1024xf32> to vector<4x1024xf32>
    %slice3A_442 = vector.extract_strided_slice %slice3A_324 {offsets = [7, 0], sizes = [1, 1024], strides = [1, 1]} : vector<8x1024xf32> to vector<1x1024xf32>
    %mul3A_443 = vector.broadcast %slice3A_442 : vector<1x1024xf32> to vector<4x1024xf32>
    %mul3A_444 = arith.mulf %slice3A_441, %mul3A_443 : vector<4x1024xf32>
    %add3A_445 = arith.addf %add3A_440, %mul3A_444 : vector<4x1024xf32>
    %mul3A_446 = vector.broadcast %slice3A_331 : vector<1x1024xf32> to vector<4x1024xf32>
    %mul3A_447 = arith.mulf %slice3A_326, %mul3A_446 : vector<4x1024xf32>
    %mul3A_448 = vector.broadcast %slice3A_330 : vector<1x1024xf32> to vector<4x1024xf32>
    %mul3A_449 = arith.mulf %slice3A_327, %mul3A_448 : vector<4x1024xf32>
    %sub3A_450 = arith.subf %mul3A_447, %mul3A_449 : vector<4x1024xf32>
    %mul3A_451 = arith.constant 0.707106769 : f32
    %mul3A_452 = vector.broadcast %mul3A_451 : f32 to vector<4x1024xf32>
    %mul3A_453 = arith.mulf %sub3A_450, %mul3A_452 : vector<4x1024xf32>
    %slice3A_454 = vector.extract_strided_slice %slice3A_322 {offsets = [96, 0], sizes = [4, 1024], strides = [1, 1]} : vector<160x1024xf32> to vector<4x1024xf32>
    %slice3A_455 = vector.extract_strided_slice %slice3A_325 {offsets = [0, 0], sizes = [1, 1024], strides = [1, 1]} : vector<4x1024xf32> to vector<1x1024xf32>
    %mul3A_456 = vector.broadcast %slice3A_455 : vector<1x1024xf32> to vector<4x1024xf32>
    %mul3A_457 = arith.mulf %slice3A_454, %mul3A_456 : vector<4x1024xf32>
    %slice3A_458 = vector.extract_strided_slice %slice3A_322 {offsets = [144, 0], sizes = [4, 1024], strides = [1, 1]} : vector<160x1024xf32> to vector<4x1024xf32>
    %slice3A_459 = vector.extract_strided_slice %mul3A_453 {offsets = [0, 0], sizes = [1, 1024], strides = [1, 1]} : vector<4x1024xf32> to vector<1x1024xf32>
    %mul3A_460 = vector.broadcast %slice3A_459 : vector<1x1024xf32> to vector<4x1024xf32>
    %mul3A_461 = arith.mulf %slice3A_458, %mul3A_460 : vector<4x1024xf32>
    %slice3A_462 = vector.extract_strided_slice %slice3A_322 {offsets = [100, 0], sizes = [4, 1024], strides = [1, 1]} : vector<160x1024xf32> to vector<4x1024xf32>
    %slice3A_463 = vector.extract_strided_slice %slice3A_325 {offsets = [1, 0], sizes = [1, 1024], strides = [1, 1]} : vector<4x1024xf32> to vector<1x1024xf32>
    %mul3A_464 = vector.broadcast %slice3A_463 : vector<1x1024xf32> to vector<4x1024xf32>
    %mul3A_465 = arith.mulf %slice3A_462, %mul3A_464 : vector<4x1024xf32>
    %add3A_466 = arith.addf %mul3A_457, %mul3A_465 : vector<4x1024xf32>
    %slice3A_467 = vector.extract_strided_slice %slice3A_322 {offsets = [148, 0], sizes = [4, 1024], strides = [1, 1]} : vector<160x1024xf32> to vector<4x1024xf32>
    %slice3A_468 = vector.extract_strided_slice %mul3A_453 {offsets = [1, 0], sizes = [1, 1024], strides = [1, 1]} : vector<4x1024xf32> to vector<1x1024xf32>
    %mul3A_469 = vector.broadcast %slice3A_468 : vector<1x1024xf32> to vector<4x1024xf32>
    %mul3A_470 = arith.mulf %slice3A_467, %mul3A_469 : vector<4x1024xf32>
    %add3A_471 = arith.addf %mul3A_461, %mul3A_470 : vector<4x1024xf32>
    %slice3A_472 = vector.extract_strided_slice %slice3A_322 {offsets = [104, 0], sizes = [4, 1024], strides = [1, 1]} : vector<160x1024xf32> to vector<4x1024xf32>
    %slice3A_473 = vector.extract_strided_slice %slice3A_325 {offsets = [2, 0], sizes = [1, 1024], strides = [1, 1]} : vector<4x1024xf32> to vector<1x1024xf32>
    %mul3A_474 = vector.broadcast %slice3A_473 : vector<1x1024xf32> to vector<4x1024xf32>
    %mul3A_475 = arith.mulf %slice3A_472, %mul3A_474 : vector<4x1024xf32>
    %add3A_476 = arith.addf %add3A_466, %mul3A_475 : vector<4x1024xf32>
    %slice3A_477 = vector.extract_strided_slice %slice3A_322 {offsets = [152, 0], sizes = [4, 1024], strides = [1, 1]} : vector<160x1024xf32> to vector<4x1024xf32>
    %slice3A_478 = vector.extract_strided_slice %mul3A_453 {offsets = [2, 0], sizes = [1, 1024], strides = [1, 1]} : vector<4x1024xf32> to vector<1x1024xf32>
    %mul3A_479 = vector.broadcast %slice3A_478 : vector<1x1024xf32> to vector<4x1024xf32>
    %mul3A_480 = arith.mulf %slice3A_477, %mul3A_479 : vector<4x1024xf32>
    %add3A_481 = arith.addf %add3A_471, %mul3A_480 : vector<4x1024xf32>
    %slice3A_482 = vector.extract_strided_slice %slice3A_322 {offsets = [108, 0], sizes = [4, 1024], strides = [1, 1]} : vector<160x1024xf32> to vector<4x1024xf32>
    %slice3A_483 = vector.extract_strided_slice %slice3A_325 {offsets = [3, 0], sizes = [1, 1024], strides = [1, 1]} : vector<4x1024xf32> to vector<1x1024xf32>
    %mul3A_484 = vector.broadcast %slice3A_483 : vector<1x1024xf32> to vector<4x1024xf32>
    %mul3A_485 = arith.mulf %slice3A_482, %mul3A_484 : vector<4x1024xf32>
    %add3A_486 = arith.addf %add3A_476, %mul3A_485 : vector<4x1024xf32>
    %slice3A_487 = vector.extract_strided_slice %slice3A_322 {offsets = [156, 0], sizes = [4, 1024], strides = [1, 1]} : vector<160x1024xf32> to vector<4x1024xf32>
    %slice3A_488 = vector.extract_strided_slice %mul3A_453 {offsets = [3, 0], sizes = [1, 1024], strides = [1, 1]} : vector<4x1024xf32> to vector<1x1024xf32>
    %mul3A_489 = vector.broadcast %slice3A_488 : vector<1x1024xf32> to vector<4x1024xf32>
    %mul3A_490 = arith.mulf %slice3A_487, %mul3A_489 : vector<4x1024xf32>
    %add3A_491 = arith.addf %add3A_481, %mul3A_490 : vector<4x1024xf32>
    %mul3A_492 = vector.broadcast %slice3A_329 : vector<1x1024xf32> to vector<4x1024xf32>
    %mul3A_493 = arith.mulf %add3A_445, %mul3A_492 : vector<4x1024xf32>
    %mul3A_494 = vector.broadcast %slice3A_328 : vector<1x1024xf32> to vector<4x1024xf32>
    %mul3A_495 = arith.mulf %add3A_486, %mul3A_494 : vector<4x1024xf32>
    %add3A_496 = arith.addf %mul3A_493, %mul3A_495 : vector<4x1024xf32>
    %add3A_497 = arith.addf %add3A_496, %add3A_491 : vector<4x1024xf32>
    %mul3A_498 = arith.constant 2.500000e-01 : f32
    %mul3A_499 = vector.broadcast %mul3A_498 : f32 to vector<4x1024xf32>
    %mul3A_500 = arith.mulf %add3A_497, %mul3A_499 : vector<4x1024xf32>
    %mul3A_501 = vector.broadcast %slice3A_329 : vector<1x1024xf32> to vector<4x1024xf32>
    %mul3A_502 = arith.mulf %slice3A_327, %mul3A_501 : vector<4x1024xf32>
    %mul3A_503 = vector.broadcast %slice3A_331 : vector<1x1024xf32> to vector<4x1024xf32>
    %mul3A_504 = arith.mulf %slice3A_325, %mul3A_503 : vector<4x1024xf32>
    %sub3A_505 = arith.subf %mul3A_502, %mul3A_504 : vector<4x1024xf32>
    %mul3A_506 = arith.constant 0.707106769 : f32
    %mul3A_507 = vector.broadcast %mul3A_506 : f32 to vector<4x1024xf32>
    %mul3A_508 = arith.mulf %sub3A_505, %mul3A_507 : vector<4x1024xf32>
    %slice3A_509 = vector.extract_strided_slice %slice3A_322 {offsets = [96, 0], sizes = [4, 1024], strides = [1, 1]} : vector<160x1024xf32> to vector<4x1024xf32>
    %slice3A_510 = vector.extract_strided_slice %slice3A_326 {offsets = [0, 0], sizes = [1, 1024], strides = [1, 1]} : vector<4x1024xf32> to vector<1x1024xf32>
    %mul3A_511 = vector.broadcast %slice3A_510 : vector<1x1024xf32> to vector<4x1024xf32>
    %mul3A_512 = arith.mulf %slice3A_509, %mul3A_511 : vector<4x1024xf32>
    %slice3A_513 = vector.extract_strided_slice %slice3A_322 {offsets = [144, 0], sizes = [4, 1024], strides = [1, 1]} : vector<160x1024xf32> to vector<4x1024xf32>
    %slice3A_514 = vector.extract_strided_slice %mul3A_508 {offsets = [0, 0], sizes = [1, 1024], strides = [1, 1]} : vector<4x1024xf32> to vector<1x1024xf32>
    %mul3A_515 = vector.broadcast %slice3A_514 : vector<1x1024xf32> to vector<4x1024xf32>
    %mul3A_516 = arith.mulf %slice3A_513, %mul3A_515 : vector<4x1024xf32>
    %slice3A_517 = vector.extract_strided_slice %slice3A_322 {offsets = [100, 0], sizes = [4, 1024], strides = [1, 1]} : vector<160x1024xf32> to vector<4x1024xf32>
    %slice3A_518 = vector.extract_strided_slice %slice3A_326 {offsets = [1, 0], sizes = [1, 1024], strides = [1, 1]} : vector<4x1024xf32> to vector<1x1024xf32>
    %mul3A_519 = vector.broadcast %slice3A_518 : vector<1x1024xf32> to vector<4x1024xf32>
    %mul3A_520 = arith.mulf %slice3A_517, %mul3A_519 : vector<4x1024xf32>
    %add3A_521 = arith.addf %mul3A_512, %mul3A_520 : vector<4x1024xf32>
    %slice3A_522 = vector.extract_strided_slice %slice3A_322 {offsets = [148, 0], sizes = [4, 1024], strides = [1, 1]} : vector<160x1024xf32> to vector<4x1024xf32>
    %slice3A_523 = vector.extract_strided_slice %mul3A_508 {offsets = [1, 0], sizes = [1, 1024], strides = [1, 1]} : vector<4x1024xf32> to vector<1x1024xf32>
    %mul3A_524 = vector.broadcast %slice3A_523 : vector<1x1024xf32> to vector<4x1024xf32>
    %mul3A_525 = arith.mulf %slice3A_522, %mul3A_524 : vector<4x1024xf32>
    %add3A_526 = arith.addf %mul3A_516, %mul3A_525 : vector<4x1024xf32>
    %slice3A_527 = vector.extract_strided_slice %slice3A_322 {offsets = [104, 0], sizes = [4, 1024], strides = [1, 1]} : vector<160x1024xf32> to vector<4x1024xf32>
    %slice3A_528 = vector.extract_strided_slice %slice3A_326 {offsets = [2, 0], sizes = [1, 1024], strides = [1, 1]} : vector<4x1024xf32> to vector<1x1024xf32>
    %mul3A_529 = vector.broadcast %slice3A_528 : vector<1x1024xf32> to vector<4x1024xf32>
    %mul3A_530 = arith.mulf %slice3A_527, %mul3A_529 : vector<4x1024xf32>
    %add3A_531 = arith.addf %add3A_521, %mul3A_530 : vector<4x1024xf32>
    %slice3A_532 = vector.extract_strided_slice %slice3A_322 {offsets = [152, 0], sizes = [4, 1024], strides = [1, 1]} : vector<160x1024xf32> to vector<4x1024xf32>
    %slice3A_533 = vector.extract_strided_slice %mul3A_508 {offsets = [2, 0], sizes = [1, 1024], strides = [1, 1]} : vector<4x1024xf32> to vector<1x1024xf32>
    %mul3A_534 = vector.broadcast %slice3A_533 : vector<1x1024xf32> to vector<4x1024xf32>
    %mul3A_535 = arith.mulf %slice3A_532, %mul3A_534 : vector<4x1024xf32>
    %add3A_536 = arith.addf %add3A_526, %mul3A_535 : vector<4x1024xf32>
    %slice3A_537 = vector.extract_strided_slice %slice3A_322 {offsets = [108, 0], sizes = [4, 1024], strides = [1, 1]} : vector<160x1024xf32> to vector<4x1024xf32>
    %slice3A_538 = vector.extract_strided_slice %slice3A_326 {offsets = [3, 0], sizes = [1, 1024], strides = [1, 1]} : vector<4x1024xf32> to vector<1x1024xf32>
    %mul3A_539 = vector.broadcast %slice3A_538 : vector<1x1024xf32> to vector<4x1024xf32>
    %mul3A_540 = arith.mulf %slice3A_537, %mul3A_539 : vector<4x1024xf32>
    %add3A_541 = arith.addf %add3A_531, %mul3A_540 : vector<4x1024xf32>
    %slice3A_542 = vector.extract_strided_slice %slice3A_322 {offsets = [156, 0], sizes = [4, 1024], strides = [1, 1]} : vector<160x1024xf32> to vector<4x1024xf32>
    %slice3A_543 = vector.extract_strided_slice %mul3A_508 {offsets = [3, 0], sizes = [1, 1024], strides = [1, 1]} : vector<4x1024xf32> to vector<1x1024xf32>
    %mul3A_544 = vector.broadcast %slice3A_543 : vector<1x1024xf32> to vector<4x1024xf32>
    %mul3A_545 = arith.mulf %slice3A_542, %mul3A_544 : vector<4x1024xf32>
    %add3A_546 = arith.addf %add3A_536, %mul3A_545 : vector<4x1024xf32>
    %mul3A_547 = vector.broadcast %slice3A_330 : vector<1x1024xf32> to vector<4x1024xf32>
    %mul3A_548 = arith.mulf %add3A_445, %mul3A_547 : vector<4x1024xf32>
    %mul3A_549 = vector.broadcast %slice3A_328 : vector<1x1024xf32> to vector<4x1024xf32>
    %mul3A_550 = arith.mulf %add3A_541, %mul3A_549 : vector<4x1024xf32>
    %add3A_551 = arith.addf %mul3A_548, %mul3A_550 : vector<4x1024xf32>
    %add3A_552 = arith.addf %add3A_551, %add3A_546 : vector<4x1024xf32>
    %mul3A_553 = arith.constant 2.500000e-01 : f32
    %mul3A_554 = vector.broadcast %mul3A_553 : f32 to vector<4x1024xf32>
    %mul3A_555 = arith.mulf %add3A_552, %mul3A_554 : vector<4x1024xf32>
    %mul3A_556 = vector.broadcast %slice3A_330 : vector<1x1024xf32> to vector<4x1024xf32>
    %mul3A_557 = arith.mulf %slice3A_325, %mul3A_556 : vector<4x1024xf32>
    %mul3A_558 = vector.broadcast %slice3A_329 : vector<1x1024xf32> to vector<4x1024xf32>
    %mul3A_559 = arith.mulf %slice3A_326, %mul3A_558 : vector<4x1024xf32>
    %sub3A_560 = arith.subf %mul3A_557, %mul3A_559 : vector<4x1024xf32>
    %mul3A_561 = arith.constant 0.707106769 : f32
    %mul3A_562 = vector.broadcast %mul3A_561 : f32 to vector<4x1024xf32>
    %mul3A_563 = arith.mulf %sub3A_560, %mul3A_562 : vector<4x1024xf32>
    %slice3A_564 = vector.extract_strided_slice %slice3A_322 {offsets = [96, 0], sizes = [4, 1024], strides = [1, 1]} : vector<160x1024xf32> to vector<4x1024xf32>
    %slice3A_565 = vector.extract_strided_slice %slice3A_327 {offsets = [0, 0], sizes = [1, 1024], strides = [1, 1]} : vector<4x1024xf32> to vector<1x1024xf32>
    %mul3A_566 = vector.broadcast %slice3A_565 : vector<1x1024xf32> to vector<4x1024xf32>
    %mul3A_567 = arith.mulf %slice3A_564, %mul3A_566 : vector<4x1024xf32>
    %slice3A_568 = vector.extract_strided_slice %slice3A_322 {offsets = [144, 0], sizes = [4, 1024], strides = [1, 1]} : vector<160x1024xf32> to vector<4x1024xf32>
    %slice3A_569 = vector.extract_strided_slice %mul3A_563 {offsets = [0, 0], sizes = [1, 1024], strides = [1, 1]} : vector<4x1024xf32> to vector<1x1024xf32>
    %mul3A_570 = vector.broadcast %slice3A_569 : vector<1x1024xf32> to vector<4x1024xf32>
    %mul3A_571 = arith.mulf %slice3A_568, %mul3A_570 : vector<4x1024xf32>
    %slice3A_572 = vector.extract_strided_slice %slice3A_322 {offsets = [100, 0], sizes = [4, 1024], strides = [1, 1]} : vector<160x1024xf32> to vector<4x1024xf32>
    %slice3A_573 = vector.extract_strided_slice %slice3A_327 {offsets = [1, 0], sizes = [1, 1024], strides = [1, 1]} : vector<4x1024xf32> to vector<1x1024xf32>
    %mul3A_574 = vector.broadcast %slice3A_573 : vector<1x1024xf32> to vector<4x1024xf32>
    %mul3A_575 = arith.mulf %slice3A_572, %mul3A_574 : vector<4x1024xf32>
    %add3A_576 = arith.addf %mul3A_567, %mul3A_575 : vector<4x1024xf32>
    %slice3A_577 = vector.extract_strided_slice %slice3A_322 {offsets = [148, 0], sizes = [4, 1024], strides = [1, 1]} : vector<160x1024xf32> to vector<4x1024xf32>
    %slice3A_578 = vector.extract_strided_slice %mul3A_563 {offsets = [1, 0], sizes = [1, 1024], strides = [1, 1]} : vector<4x1024xf32> to vector<1x1024xf32>
    %mul3A_579 = vector.broadcast %slice3A_578 : vector<1x1024xf32> to vector<4x1024xf32>
    %mul3A_580 = arith.mulf %slice3A_577, %mul3A_579 : vector<4x1024xf32>
    %add3A_581 = arith.addf %mul3A_571, %mul3A_580 : vector<4x1024xf32>
    %slice3A_582 = vector.extract_strided_slice %slice3A_322 {offsets = [104, 0], sizes = [4, 1024], strides = [1, 1]} : vector<160x1024xf32> to vector<4x1024xf32>
    %slice3A_583 = vector.extract_strided_slice %slice3A_327 {offsets = [2, 0], sizes = [1, 1024], strides = [1, 1]} : vector<4x1024xf32> to vector<1x1024xf32>
    %mul3A_584 = vector.broadcast %slice3A_583 : vector<1x1024xf32> to vector<4x1024xf32>
    %mul3A_585 = arith.mulf %slice3A_582, %mul3A_584 : vector<4x1024xf32>
    %add3A_586 = arith.addf %add3A_576, %mul3A_585 : vector<4x1024xf32>
    %slice3A_587 = vector.extract_strided_slice %slice3A_322 {offsets = [152, 0], sizes = [4, 1024], strides = [1, 1]} : vector<160x1024xf32> to vector<4x1024xf32>
    %slice3A_588 = vector.extract_strided_slice %mul3A_563 {offsets = [2, 0], sizes = [1, 1024], strides = [1, 1]} : vector<4x1024xf32> to vector<1x1024xf32>
    %mul3A_589 = vector.broadcast %slice3A_588 : vector<1x1024xf32> to vector<4x1024xf32>
    %mul3A_590 = arith.mulf %slice3A_587, %mul3A_589 : vector<4x1024xf32>
    %add3A_591 = arith.addf %add3A_581, %mul3A_590 : vector<4x1024xf32>
    %slice3A_592 = vector.extract_strided_slice %slice3A_322 {offsets = [108, 0], sizes = [4, 1024], strides = [1, 1]} : vector<160x1024xf32> to vector<4x1024xf32>
    %slice3A_593 = vector.extract_strided_slice %slice3A_327 {offsets = [3, 0], sizes = [1, 1024], strides = [1, 1]} : vector<4x1024xf32> to vector<1x1024xf32>
    %mul3A_594 = vector.broadcast %slice3A_593 : vector<1x1024xf32> to vector<4x1024xf32>
    %mul3A_595 = arith.mulf %slice3A_592, %mul3A_594 : vector<4x1024xf32>
    %add3A_596 = arith.addf %add3A_586, %mul3A_595 : vector<4x1024xf32>
    %slice3A_597 = vector.extract_strided_slice %slice3A_322 {offsets = [156, 0], sizes = [4, 1024], strides = [1, 1]} : vector<160x1024xf32> to vector<4x1024xf32>
    %slice3A_598 = vector.extract_strided_slice %mul3A_563 {offsets = [3, 0], sizes = [1, 1024], strides = [1, 1]} : vector<4x1024xf32> to vector<1x1024xf32>
    %mul3A_599 = vector.broadcast %slice3A_598 : vector<1x1024xf32> to vector<4x1024xf32>
    %mul3A_600 = arith.mulf %slice3A_597, %mul3A_599 : vector<4x1024xf32>
    %add3A_601 = arith.addf %add3A_591, %mul3A_600 : vector<4x1024xf32>
    %mul3A_602 = vector.broadcast %slice3A_331 : vector<1x1024xf32> to vector<4x1024xf32>
    %mul3A_603 = arith.mulf %add3A_445, %mul3A_602 : vector<4x1024xf32>
    %mul3A_604 = vector.broadcast %slice3A_328 : vector<1x1024xf32> to vector<4x1024xf32>
    %mul3A_605 = arith.mulf %add3A_596, %mul3A_604 : vector<4x1024xf32>
    %add3A_606 = arith.addf %mul3A_603, %mul3A_605 : vector<4x1024xf32>
    %add3A_607 = arith.addf %add3A_606, %add3A_601 : vector<4x1024xf32>
    %mul3A_608 = arith.constant 2.500000e-01 : f32
    %mul3A_609 = vector.broadcast %mul3A_608 : f32 to vector<4x1024xf32>
    %mul3A_610 = arith.mulf %add3A_607, %mul3A_609 : vector<4x1024xf32>
    %slice3A_611 = vector.extract_strided_slice %mul3A_406 {offsets = [0, 0], sizes = [4, 1024], strides = [1, 1]} : vector<8x1024xf32> to vector<4x1024xf32>
    %mul3A_612 = arith.constant 0.000000e+00 : f32
    %mul3A_613 = vector.broadcast %mul3A_612 : f32 to vector<4x1024xf32>
    %mul3A_614 = arith.mulf %slice3A_611, %mul3A_613 : vector<4x1024xf32>
    %slice3A_615 = vector.extract_strided_slice %add3A_24 {offsets = [0, 2048], sizes = [160, 1024], strides = [1, 1]} : vector<160x4096xf32> to vector<160x1024xf32>
    %slice3A_616 = vector.extract_strided_slice %get3A_27 {offsets = [0, 2048], sizes = [4, 1024], strides = [1, 1]} : vector<4x4096xf32> to vector<4x1024xf32>
    %slice3A_617 = vector.extract_strided_slice %transpose3A {offsets = [64, 0], sizes = [8, 1024], strides = [1, 1]} : vector<128x1024xf32> to vector<8x1024xf32>
    %slice3A_618 = vector.extract_strided_slice %transpose3A {offsets = [72, 0], sizes = [4, 1024], strides = [1, 1]} : vector<128x1024xf32> to vector<4x1024xf32>
    %slice3A_619 = vector.extract_strided_slice %transpose3A {offsets = [76, 0], sizes = [4, 1024], strides = [1, 1]} : vector<128x1024xf32> to vector<4x1024xf32>
    %slice3A_620 = vector.extract_strided_slice %transpose3A {offsets = [80, 0], sizes = [4, 1024], strides = [1, 1]} : vector<128x1024xf32> to vector<4x1024xf32>
    %slice3A_621 = vector.extract_strided_slice %slice3A_616 {offsets = [0, 0], sizes = [1, 1024], strides = [1, 1]} : vector<4x1024xf32> to vector<1x1024xf32>
    %slice3A_622 = vector.extract_strided_slice %slice3A_616 {offsets = [1, 0], sizes = [1, 1024], strides = [1, 1]} : vector<4x1024xf32> to vector<1x1024xf32>
    %slice3A_623 = vector.extract_strided_slice %slice3A_616 {offsets = [2, 0], sizes = [1, 1024], strides = [1, 1]} : vector<4x1024xf32> to vector<1x1024xf32>
    %slice3A_624 = vector.extract_strided_slice %slice3A_616 {offsets = [3, 0], sizes = [1, 1024], strides = [1, 1]} : vector<4x1024xf32> to vector<1x1024xf32>
    %mul3A_625 = vector.broadcast %slice3A_621 : vector<1x1024xf32> to vector<8x1024xf32>
    %mul3A_626 = arith.mulf %slice3A_617, %mul3A_625 : vector<8x1024xf32>
    %slice3A_627 = vector.extract_strided_slice %slice3A_615 {offsets = [0, 0], sizes = [8, 1024], strides = [1, 1]} : vector<160x1024xf32> to vector<8x1024xf32>
    %slice3A_628 = vector.extract_strided_slice %mul3A_626 {offsets = [0, 0], sizes = [1, 1024], strides = [1, 1]} : vector<8x1024xf32> to vector<1x1024xf32>
    %mul3A_629 = vector.broadcast %slice3A_628 : vector<1x1024xf32> to vector<8x1024xf32>
    %mul3A_630 = arith.mulf %slice3A_627, %mul3A_629 : vector<8x1024xf32>
    %slice3A_631 = vector.extract_strided_slice %slice3A_615 {offsets = [8, 0], sizes = [8, 1024], strides = [1, 1]} : vector<160x1024xf32> to vector<8x1024xf32>
    %slice3A_632 = vector.extract_strided_slice %mul3A_626 {offsets = [1, 0], sizes = [1, 1024], strides = [1, 1]} : vector<8x1024xf32> to vector<1x1024xf32>
    %mul3A_633 = vector.broadcast %slice3A_632 : vector<1x1024xf32> to vector<8x1024xf32>
    %mul3A_634 = arith.mulf %slice3A_631, %mul3A_633 : vector<8x1024xf32>
    %add3A_635 = arith.addf %mul3A_630, %mul3A_634 : vector<8x1024xf32>
    %slice3A_636 = vector.extract_strided_slice %slice3A_615 {offsets = [16, 0], sizes = [8, 1024], strides = [1, 1]} : vector<160x1024xf32> to vector<8x1024xf32>
    %slice3A_637 = vector.extract_strided_slice %mul3A_626 {offsets = [2, 0], sizes = [1, 1024], strides = [1, 1]} : vector<8x1024xf32> to vector<1x1024xf32>
    %mul3A_638 = vector.broadcast %slice3A_637 : vector<1x1024xf32> to vector<8x1024xf32>
    %mul3A_639 = arith.mulf %slice3A_636, %mul3A_638 : vector<8x1024xf32>
    %add3A_640 = arith.addf %add3A_635, %mul3A_639 : vector<8x1024xf32>
    %slice3A_641 = vector.extract_strided_slice %slice3A_615 {offsets = [24, 0], sizes = [8, 1024], strides = [1, 1]} : vector<160x1024xf32> to vector<8x1024xf32>
    %slice3A_642 = vector.extract_strided_slice %mul3A_626 {offsets = [3, 0], sizes = [1, 1024], strides = [1, 1]} : vector<8x1024xf32> to vector<1x1024xf32>
    %mul3A_643 = vector.broadcast %slice3A_642 : vector<1x1024xf32> to vector<8x1024xf32>
    %mul3A_644 = arith.mulf %slice3A_641, %mul3A_643 : vector<8x1024xf32>
    %add3A_645 = arith.addf %add3A_640, %mul3A_644 : vector<8x1024xf32>
    %slice3A_646 = vector.extract_strided_slice %slice3A_615 {offsets = [32, 0], sizes = [8, 1024], strides = [1, 1]} : vector<160x1024xf32> to vector<8x1024xf32>
    %slice3A_647 = vector.extract_strided_slice %mul3A_626 {offsets = [4, 0], sizes = [1, 1024], strides = [1, 1]} : vector<8x1024xf32> to vector<1x1024xf32>
    %mul3A_648 = vector.broadcast %slice3A_647 : vector<1x1024xf32> to vector<8x1024xf32>
    %mul3A_649 = arith.mulf %slice3A_646, %mul3A_648 : vector<8x1024xf32>
    %add3A_650 = arith.addf %add3A_645, %mul3A_649 : vector<8x1024xf32>
    %slice3A_651 = vector.extract_strided_slice %slice3A_615 {offsets = [40, 0], sizes = [8, 1024], strides = [1, 1]} : vector<160x1024xf32> to vector<8x1024xf32>
    %slice3A_652 = vector.extract_strided_slice %mul3A_626 {offsets = [5, 0], sizes = [1, 1024], strides = [1, 1]} : vector<8x1024xf32> to vector<1x1024xf32>
    %mul3A_653 = vector.broadcast %slice3A_652 : vector<1x1024xf32> to vector<8x1024xf32>
    %mul3A_654 = arith.mulf %slice3A_651, %mul3A_653 : vector<8x1024xf32>
    %add3A_655 = arith.addf %add3A_650, %mul3A_654 : vector<8x1024xf32>
    %slice3A_656 = vector.extract_strided_slice %slice3A_615 {offsets = [48, 0], sizes = [8, 1024], strides = [1, 1]} : vector<160x1024xf32> to vector<8x1024xf32>
    %slice3A_657 = vector.extract_strided_slice %mul3A_626 {offsets = [6, 0], sizes = [1, 1024], strides = [1, 1]} : vector<8x1024xf32> to vector<1x1024xf32>
    %mul3A_658 = vector.broadcast %slice3A_657 : vector<1x1024xf32> to vector<8x1024xf32>
    %mul3A_659 = arith.mulf %slice3A_656, %mul3A_658 : vector<8x1024xf32>
    %add3A_660 = arith.addf %add3A_655, %mul3A_659 : vector<8x1024xf32>
    %slice3A_661 = vector.extract_strided_slice %slice3A_615 {offsets = [56, 0], sizes = [8, 1024], strides = [1, 1]} : vector<160x1024xf32> to vector<8x1024xf32>
    %slice3A_662 = vector.extract_strided_slice %mul3A_626 {offsets = [7, 0], sizes = [1, 1024], strides = [1, 1]} : vector<8x1024xf32> to vector<1x1024xf32>
    %mul3A_663 = vector.broadcast %slice3A_662 : vector<1x1024xf32> to vector<8x1024xf32>
    %mul3A_664 = arith.mulf %slice3A_661, %mul3A_663 : vector<8x1024xf32>
    %add3A_665 = arith.addf %add3A_660, %mul3A_664 : vector<8x1024xf32>
    %mul3A_666 = vector.broadcast %slice3A_622 : vector<1x1024xf32> to vector<4x1024xf32>
    %mul3A_667 = arith.mulf %slice3A_618, %mul3A_666 : vector<4x1024xf32>
    %mul3A_668 = vector.broadcast %slice3A_623 : vector<1x1024xf32> to vector<4x1024xf32>
    %mul3A_669 = arith.mulf %slice3A_619, %mul3A_668 : vector<4x1024xf32>
    %add3A_670 = arith.addf %mul3A_667, %mul3A_669 : vector<4x1024xf32>
    %mul3A_671 = vector.broadcast %slice3A_624 : vector<1x1024xf32> to vector<4x1024xf32>
    %mul3A_672 = arith.mulf %slice3A_620, %mul3A_671 : vector<4x1024xf32>
    %add3A_673 = arith.addf %add3A_670, %mul3A_672 : vector<4x1024xf32>
    %mul3A_674 = arith.constant 0.577350259 : f32
    %mul3A_675 = vector.broadcast %mul3A_674 : f32 to vector<4x1024xf32>
    %mul3A_676 = arith.mulf %add3A_673, %mul3A_675 : vector<4x1024xf32>
    %slice3A_677 = vector.extract_strided_slice %slice3A_615 {offsets = [112, 0], sizes = [8, 1024], strides = [1, 1]} : vector<160x1024xf32> to vector<8x1024xf32>
    %slice3A_678 = vector.extract_strided_slice %mul3A_676 {offsets = [0, 0], sizes = [1, 1024], strides = [1, 1]} : vector<4x1024xf32> to vector<1x1024xf32>
    %mul3A_679 = vector.broadcast %slice3A_678 : vector<1x1024xf32> to vector<8x1024xf32>
    %mul3A_680 = arith.mulf %slice3A_677, %mul3A_679 : vector<8x1024xf32>
    %add3A_681 = arith.addf %add3A_665, %mul3A_680 : vector<8x1024xf32>
    %slice3A_682 = vector.extract_strided_slice %slice3A_615 {offsets = [120, 0], sizes = [8, 1024], strides = [1, 1]} : vector<160x1024xf32> to vector<8x1024xf32>
    %slice3A_683 = vector.extract_strided_slice %mul3A_676 {offsets = [1, 0], sizes = [1, 1024], strides = [1, 1]} : vector<4x1024xf32> to vector<1x1024xf32>
    %mul3A_684 = vector.broadcast %slice3A_683 : vector<1x1024xf32> to vector<8x1024xf32>
    %mul3A_685 = arith.mulf %slice3A_682, %mul3A_684 : vector<8x1024xf32>
    %add3A_686 = arith.addf %add3A_681, %mul3A_685 : vector<8x1024xf32>
    %slice3A_687 = vector.extract_strided_slice %slice3A_615 {offsets = [128, 0], sizes = [8, 1024], strides = [1, 1]} : vector<160x1024xf32> to vector<8x1024xf32>
    %slice3A_688 = vector.extract_strided_slice %mul3A_676 {offsets = [2, 0], sizes = [1, 1024], strides = [1, 1]} : vector<4x1024xf32> to vector<1x1024xf32>
    %mul3A_689 = vector.broadcast %slice3A_688 : vector<1x1024xf32> to vector<8x1024xf32>
    %mul3A_690 = arith.mulf %slice3A_687, %mul3A_689 : vector<8x1024xf32>
    %add3A_691 = arith.addf %add3A_686, %mul3A_690 : vector<8x1024xf32>
    %slice3A_692 = vector.extract_strided_slice %slice3A_615 {offsets = [136, 0], sizes = [8, 1024], strides = [1, 1]} : vector<160x1024xf32> to vector<8x1024xf32>
    %slice3A_693 = vector.extract_strided_slice %mul3A_676 {offsets = [3, 0], sizes = [1, 1024], strides = [1, 1]} : vector<4x1024xf32> to vector<1x1024xf32>
    %mul3A_694 = vector.broadcast %slice3A_693 : vector<1x1024xf32> to vector<8x1024xf32>
    %mul3A_695 = arith.mulf %slice3A_692, %mul3A_694 : vector<8x1024xf32>
    %add3A_696 = arith.addf %add3A_691, %mul3A_695 : vector<8x1024xf32>
    %mul3A_697 = arith.constant 0.288675129 : f32
    %mul3A_698 = vector.broadcast %mul3A_697 : f32 to vector<8x1024xf32>
    %mul3A_699 = arith.mulf %add3A_696, %mul3A_698 : vector<8x1024xf32>
    %slice3A_700 = vector.extract_strided_slice %slice3A_615 {offsets = [64, 0], sizes = [4, 1024], strides = [1, 1]} : vector<160x1024xf32> to vector<4x1024xf32>
    %slice3A_701 = vector.extract_strided_slice %slice3A_617 {offsets = [0, 0], sizes = [1, 1024], strides = [1, 1]} : vector<8x1024xf32> to vector<1x1024xf32>
    %mul3A_702 = vector.broadcast %slice3A_701 : vector<1x1024xf32> to vector<4x1024xf32>
    %mul3A_703 = arith.mulf %slice3A_700, %mul3A_702 : vector<4x1024xf32>
    %slice3A_704 = vector.extract_strided_slice %slice3A_615 {offsets = [68, 0], sizes = [4, 1024], strides = [1, 1]} : vector<160x1024xf32> to vector<4x1024xf32>
    %slice3A_705 = vector.extract_strided_slice %slice3A_617 {offsets = [1, 0], sizes = [1, 1024], strides = [1, 1]} : vector<8x1024xf32> to vector<1x1024xf32>
    %mul3A_706 = vector.broadcast %slice3A_705 : vector<1x1024xf32> to vector<4x1024xf32>
    %mul3A_707 = arith.mulf %slice3A_704, %mul3A_706 : vector<4x1024xf32>
    %add3A_708 = arith.addf %mul3A_703, %mul3A_707 : vector<4x1024xf32>
    %slice3A_709 = vector.extract_strided_slice %slice3A_615 {offsets = [72, 0], sizes = [4, 1024], strides = [1, 1]} : vector<160x1024xf32> to vector<4x1024xf32>
    %slice3A_710 = vector.extract_strided_slice %slice3A_617 {offsets = [2, 0], sizes = [1, 1024], strides = [1, 1]} : vector<8x1024xf32> to vector<1x1024xf32>
    %mul3A_711 = vector.broadcast %slice3A_710 : vector<1x1024xf32> to vector<4x1024xf32>
    %mul3A_712 = arith.mulf %slice3A_709, %mul3A_711 : vector<4x1024xf32>
    %add3A_713 = arith.addf %add3A_708, %mul3A_712 : vector<4x1024xf32>
    %slice3A_714 = vector.extract_strided_slice %slice3A_615 {offsets = [76, 0], sizes = [4, 1024], strides = [1, 1]} : vector<160x1024xf32> to vector<4x1024xf32>
    %slice3A_715 = vector.extract_strided_slice %slice3A_617 {offsets = [3, 0], sizes = [1, 1024], strides = [1, 1]} : vector<8x1024xf32> to vector<1x1024xf32>
    %mul3A_716 = vector.broadcast %slice3A_715 : vector<1x1024xf32> to vector<4x1024xf32>
    %mul3A_717 = arith.mulf %slice3A_714, %mul3A_716 : vector<4x1024xf32>
    %add3A_718 = arith.addf %add3A_713, %mul3A_717 : vector<4x1024xf32>
    %slice3A_719 = vector.extract_strided_slice %slice3A_615 {offsets = [80, 0], sizes = [4, 1024], strides = [1, 1]} : vector<160x1024xf32> to vector<4x1024xf32>
    %slice3A_720 = vector.extract_strided_slice %slice3A_617 {offsets = [4, 0], sizes = [1, 1024], strides = [1, 1]} : vector<8x1024xf32> to vector<1x1024xf32>
    %mul3A_721 = vector.broadcast %slice3A_720 : vector<1x1024xf32> to vector<4x1024xf32>
    %mul3A_722 = arith.mulf %slice3A_719, %mul3A_721 : vector<4x1024xf32>
    %add3A_723 = arith.addf %add3A_718, %mul3A_722 : vector<4x1024xf32>
    %slice3A_724 = vector.extract_strided_slice %slice3A_615 {offsets = [84, 0], sizes = [4, 1024], strides = [1, 1]} : vector<160x1024xf32> to vector<4x1024xf32>
    %slice3A_725 = vector.extract_strided_slice %slice3A_617 {offsets = [5, 0], sizes = [1, 1024], strides = [1, 1]} : vector<8x1024xf32> to vector<1x1024xf32>
    %mul3A_726 = vector.broadcast %slice3A_725 : vector<1x1024xf32> to vector<4x1024xf32>
    %mul3A_727 = arith.mulf %slice3A_724, %mul3A_726 : vector<4x1024xf32>
    %add3A_728 = arith.addf %add3A_723, %mul3A_727 : vector<4x1024xf32>
    %slice3A_729 = vector.extract_strided_slice %slice3A_615 {offsets = [88, 0], sizes = [4, 1024], strides = [1, 1]} : vector<160x1024xf32> to vector<4x1024xf32>
    %slice3A_730 = vector.extract_strided_slice %slice3A_617 {offsets = [6, 0], sizes = [1, 1024], strides = [1, 1]} : vector<8x1024xf32> to vector<1x1024xf32>
    %mul3A_731 = vector.broadcast %slice3A_730 : vector<1x1024xf32> to vector<4x1024xf32>
    %mul3A_732 = arith.mulf %slice3A_729, %mul3A_731 : vector<4x1024xf32>
    %add3A_733 = arith.addf %add3A_728, %mul3A_732 : vector<4x1024xf32>
    %slice3A_734 = vector.extract_strided_slice %slice3A_615 {offsets = [92, 0], sizes = [4, 1024], strides = [1, 1]} : vector<160x1024xf32> to vector<4x1024xf32>
    %slice3A_735 = vector.extract_strided_slice %slice3A_617 {offsets = [7, 0], sizes = [1, 1024], strides = [1, 1]} : vector<8x1024xf32> to vector<1x1024xf32>
    %mul3A_736 = vector.broadcast %slice3A_735 : vector<1x1024xf32> to vector<4x1024xf32>
    %mul3A_737 = arith.mulf %slice3A_734, %mul3A_736 : vector<4x1024xf32>
    %add3A_738 = arith.addf %add3A_733, %mul3A_737 : vector<4x1024xf32>
    %mul3A_739 = vector.broadcast %slice3A_624 : vector<1x1024xf32> to vector<4x1024xf32>
    %mul3A_740 = arith.mulf %slice3A_619, %mul3A_739 : vector<4x1024xf32>
    %mul3A_741 = vector.broadcast %slice3A_623 : vector<1x1024xf32> to vector<4x1024xf32>
    %mul3A_742 = arith.mulf %slice3A_620, %mul3A_741 : vector<4x1024xf32>
    %sub3A_743 = arith.subf %mul3A_740, %mul3A_742 : vector<4x1024xf32>
    %mul3A_744 = arith.constant 0.707106769 : f32
    %mul3A_745 = vector.broadcast %mul3A_744 : f32 to vector<4x1024xf32>
    %mul3A_746 = arith.mulf %sub3A_743, %mul3A_745 : vector<4x1024xf32>
    %slice3A_747 = vector.extract_strided_slice %slice3A_615 {offsets = [96, 0], sizes = [4, 1024], strides = [1, 1]} : vector<160x1024xf32> to vector<4x1024xf32>
    %slice3A_748 = vector.extract_strided_slice %slice3A_618 {offsets = [0, 0], sizes = [1, 1024], strides = [1, 1]} : vector<4x1024xf32> to vector<1x1024xf32>
    %mul3A_749 = vector.broadcast %slice3A_748 : vector<1x1024xf32> to vector<4x1024xf32>
    %mul3A_750 = arith.mulf %slice3A_747, %mul3A_749 : vector<4x1024xf32>
    %slice3A_751 = vector.extract_strided_slice %slice3A_615 {offsets = [144, 0], sizes = [4, 1024], strides = [1, 1]} : vector<160x1024xf32> to vector<4x1024xf32>
    %slice3A_752 = vector.extract_strided_slice %mul3A_746 {offsets = [0, 0], sizes = [1, 1024], strides = [1, 1]} : vector<4x1024xf32> to vector<1x1024xf32>
    %mul3A_753 = vector.broadcast %slice3A_752 : vector<1x1024xf32> to vector<4x1024xf32>
    %mul3A_754 = arith.mulf %slice3A_751, %mul3A_753 : vector<4x1024xf32>
    %slice3A_755 = vector.extract_strided_slice %slice3A_615 {offsets = [100, 0], sizes = [4, 1024], strides = [1, 1]} : vector<160x1024xf32> to vector<4x1024xf32>
    %slice3A_756 = vector.extract_strided_slice %slice3A_618 {offsets = [1, 0], sizes = [1, 1024], strides = [1, 1]} : vector<4x1024xf32> to vector<1x1024xf32>
    %mul3A_757 = vector.broadcast %slice3A_756 : vector<1x1024xf32> to vector<4x1024xf32>
    %mul3A_758 = arith.mulf %slice3A_755, %mul3A_757 : vector<4x1024xf32>
    %add3A_759 = arith.addf %mul3A_750, %mul3A_758 : vector<4x1024xf32>
    %slice3A_760 = vector.extract_strided_slice %slice3A_615 {offsets = [148, 0], sizes = [4, 1024], strides = [1, 1]} : vector<160x1024xf32> to vector<4x1024xf32>
    %slice3A_761 = vector.extract_strided_slice %mul3A_746 {offsets = [1, 0], sizes = [1, 1024], strides = [1, 1]} : vector<4x1024xf32> to vector<1x1024xf32>
    %mul3A_762 = vector.broadcast %slice3A_761 : vector<1x1024xf32> to vector<4x1024xf32>
    %mul3A_763 = arith.mulf %slice3A_760, %mul3A_762 : vector<4x1024xf32>
    %add3A_764 = arith.addf %mul3A_754, %mul3A_763 : vector<4x1024xf32>
    %slice3A_765 = vector.extract_strided_slice %slice3A_615 {offsets = [104, 0], sizes = [4, 1024], strides = [1, 1]} : vector<160x1024xf32> to vector<4x1024xf32>
    %slice3A_766 = vector.extract_strided_slice %slice3A_618 {offsets = [2, 0], sizes = [1, 1024], strides = [1, 1]} : vector<4x1024xf32> to vector<1x1024xf32>
    %mul3A_767 = vector.broadcast %slice3A_766 : vector<1x1024xf32> to vector<4x1024xf32>
    %mul3A_768 = arith.mulf %slice3A_765, %mul3A_767 : vector<4x1024xf32>
    %add3A_769 = arith.addf %add3A_759, %mul3A_768 : vector<4x1024xf32>
    %slice3A_770 = vector.extract_strided_slice %slice3A_615 {offsets = [152, 0], sizes = [4, 1024], strides = [1, 1]} : vector<160x1024xf32> to vector<4x1024xf32>
    %slice3A_771 = vector.extract_strided_slice %mul3A_746 {offsets = [2, 0], sizes = [1, 1024], strides = [1, 1]} : vector<4x1024xf32> to vector<1x1024xf32>
    %mul3A_772 = vector.broadcast %slice3A_771 : vector<1x1024xf32> to vector<4x1024xf32>
    %mul3A_773 = arith.mulf %slice3A_770, %mul3A_772 : vector<4x1024xf32>
    %add3A_774 = arith.addf %add3A_764, %mul3A_773 : vector<4x1024xf32>
    %slice3A_775 = vector.extract_strided_slice %slice3A_615 {offsets = [108, 0], sizes = [4, 1024], strides = [1, 1]} : vector<160x1024xf32> to vector<4x1024xf32>
    %slice3A_776 = vector.extract_strided_slice %slice3A_618 {offsets = [3, 0], sizes = [1, 1024], strides = [1, 1]} : vector<4x1024xf32> to vector<1x1024xf32>
    %mul3A_777 = vector.broadcast %slice3A_776 : vector<1x1024xf32> to vector<4x1024xf32>
    %mul3A_778 = arith.mulf %slice3A_775, %mul3A_777 : vector<4x1024xf32>
    %add3A_779 = arith.addf %add3A_769, %mul3A_778 : vector<4x1024xf32>
    %slice3A_780 = vector.extract_strided_slice %slice3A_615 {offsets = [156, 0], sizes = [4, 1024], strides = [1, 1]} : vector<160x1024xf32> to vector<4x1024xf32>
    %slice3A_781 = vector.extract_strided_slice %mul3A_746 {offsets = [3, 0], sizes = [1, 1024], strides = [1, 1]} : vector<4x1024xf32> to vector<1x1024xf32>
    %mul3A_782 = vector.broadcast %slice3A_781 : vector<1x1024xf32> to vector<4x1024xf32>
    %mul3A_783 = arith.mulf %slice3A_780, %mul3A_782 : vector<4x1024xf32>
    %add3A_784 = arith.addf %add3A_774, %mul3A_783 : vector<4x1024xf32>
    %mul3A_785 = vector.broadcast %slice3A_622 : vector<1x1024xf32> to vector<4x1024xf32>
    %mul3A_786 = arith.mulf %add3A_738, %mul3A_785 : vector<4x1024xf32>
    %mul3A_787 = vector.broadcast %slice3A_621 : vector<1x1024xf32> to vector<4x1024xf32>
    %mul3A_788 = arith.mulf %add3A_779, %mul3A_787 : vector<4x1024xf32>
    %add3A_789 = arith.addf %mul3A_786, %mul3A_788 : vector<4x1024xf32>
    %add3A_790 = arith.addf %add3A_789, %add3A_784 : vector<4x1024xf32>
    %mul3A_791 = arith.constant 2.500000e-01 : f32
    %mul3A_792 = vector.broadcast %mul3A_791 : f32 to vector<4x1024xf32>
    %mul3A_793 = arith.mulf %add3A_790, %mul3A_792 : vector<4x1024xf32>
    %mul3A_794 = vector.broadcast %slice3A_622 : vector<1x1024xf32> to vector<4x1024xf32>
    %mul3A_795 = arith.mulf %slice3A_620, %mul3A_794 : vector<4x1024xf32>
    %mul3A_796 = vector.broadcast %slice3A_624 : vector<1x1024xf32> to vector<4x1024xf32>
    %mul3A_797 = arith.mulf %slice3A_618, %mul3A_796 : vector<4x1024xf32>
    %sub3A_798 = arith.subf %mul3A_795, %mul3A_797 : vector<4x1024xf32>
    %mul3A_799 = arith.constant 0.707106769 : f32
    %mul3A_800 = vector.broadcast %mul3A_799 : f32 to vector<4x1024xf32>
    %mul3A_801 = arith.mulf %sub3A_798, %mul3A_800 : vector<4x1024xf32>
    %slice3A_802 = vector.extract_strided_slice %slice3A_615 {offsets = [96, 0], sizes = [4, 1024], strides = [1, 1]} : vector<160x1024xf32> to vector<4x1024xf32>
    %slice3A_803 = vector.extract_strided_slice %slice3A_619 {offsets = [0, 0], sizes = [1, 1024], strides = [1, 1]} : vector<4x1024xf32> to vector<1x1024xf32>
    %mul3A_804 = vector.broadcast %slice3A_803 : vector<1x1024xf32> to vector<4x1024xf32>
    %mul3A_805 = arith.mulf %slice3A_802, %mul3A_804 : vector<4x1024xf32>
    %slice3A_806 = vector.extract_strided_slice %slice3A_615 {offsets = [144, 0], sizes = [4, 1024], strides = [1, 1]} : vector<160x1024xf32> to vector<4x1024xf32>
    %slice3A_807 = vector.extract_strided_slice %mul3A_801 {offsets = [0, 0], sizes = [1, 1024], strides = [1, 1]} : vector<4x1024xf32> to vector<1x1024xf32>
    %mul3A_808 = vector.broadcast %slice3A_807 : vector<1x1024xf32> to vector<4x1024xf32>
    %mul3A_809 = arith.mulf %slice3A_806, %mul3A_808 : vector<4x1024xf32>
    %slice3A_810 = vector.extract_strided_slice %slice3A_615 {offsets = [100, 0], sizes = [4, 1024], strides = [1, 1]} : vector<160x1024xf32> to vector<4x1024xf32>
    %slice3A_811 = vector.extract_strided_slice %slice3A_619 {offsets = [1, 0], sizes = [1, 1024], strides = [1, 1]} : vector<4x1024xf32> to vector<1x1024xf32>
    %mul3A_812 = vector.broadcast %slice3A_811 : vector<1x1024xf32> to vector<4x1024xf32>
    %mul3A_813 = arith.mulf %slice3A_810, %mul3A_812 : vector<4x1024xf32>
    %add3A_814 = arith.addf %mul3A_805, %mul3A_813 : vector<4x1024xf32>
    %slice3A_815 = vector.extract_strided_slice %slice3A_615 {offsets = [148, 0], sizes = [4, 1024], strides = [1, 1]} : vector<160x1024xf32> to vector<4x1024xf32>
    %slice3A_816 = vector.extract_strided_slice %mul3A_801 {offsets = [1, 0], sizes = [1, 1024], strides = [1, 1]} : vector<4x1024xf32> to vector<1x1024xf32>
    %mul3A_817 = vector.broadcast %slice3A_816 : vector<1x1024xf32> to vector<4x1024xf32>
    %mul3A_818 = arith.mulf %slice3A_815, %mul3A_817 : vector<4x1024xf32>
    %add3A_819 = arith.addf %mul3A_809, %mul3A_818 : vector<4x1024xf32>
    %slice3A_820 = vector.extract_strided_slice %slice3A_615 {offsets = [104, 0], sizes = [4, 1024], strides = [1, 1]} : vector<160x1024xf32> to vector<4x1024xf32>
    %slice3A_821 = vector.extract_strided_slice %slice3A_619 {offsets = [2, 0], sizes = [1, 1024], strides = [1, 1]} : vector<4x1024xf32> to vector<1x1024xf32>
    %mul3A_822 = vector.broadcast %slice3A_821 : vector<1x1024xf32> to vector<4x1024xf32>
    %mul3A_823 = arith.mulf %slice3A_820, %mul3A_822 : vector<4x1024xf32>
    %add3A_824 = arith.addf %add3A_814, %mul3A_823 : vector<4x1024xf32>
    %slice3A_825 = vector.extract_strided_slice %slice3A_615 {offsets = [152, 0], sizes = [4, 1024], strides = [1, 1]} : vector<160x1024xf32> to vector<4x1024xf32>
    %slice3A_826 = vector.extract_strided_slice %mul3A_801 {offsets = [2, 0], sizes = [1, 1024], strides = [1, 1]} : vector<4x1024xf32> to vector<1x1024xf32>
    %mul3A_827 = vector.broadcast %slice3A_826 : vector<1x1024xf32> to vector<4x1024xf32>
    %mul3A_828 = arith.mulf %slice3A_825, %mul3A_827 : vector<4x1024xf32>
    %add3A_829 = arith.addf %add3A_819, %mul3A_828 : vector<4x1024xf32>
    %slice3A_830 = vector.extract_strided_slice %slice3A_615 {offsets = [108, 0], sizes = [4, 1024], strides = [1, 1]} : vector<160x1024xf32> to vector<4x1024xf32>
    %slice3A_831 = vector.extract_strided_slice %slice3A_619 {offsets = [3, 0], sizes = [1, 1024], strides = [1, 1]} : vector<4x1024xf32> to vector<1x1024xf32>
    %mul3A_832 = vector.broadcast %slice3A_831 : vector<1x1024xf32> to vector<4x1024xf32>
    %mul3A_833 = arith.mulf %slice3A_830, %mul3A_832 : vector<4x1024xf32>
    %add3A_834 = arith.addf %add3A_824, %mul3A_833 : vector<4x1024xf32>
    %slice3A_835 = vector.extract_strided_slice %slice3A_615 {offsets = [156, 0], sizes = [4, 1024], strides = [1, 1]} : vector<160x1024xf32> to vector<4x1024xf32>
    %slice3A_836 = vector.extract_strided_slice %mul3A_801 {offsets = [3, 0], sizes = [1, 1024], strides = [1, 1]} : vector<4x1024xf32> to vector<1x1024xf32>
    %mul3A_837 = vector.broadcast %slice3A_836 : vector<1x1024xf32> to vector<4x1024xf32>
    %mul3A_838 = arith.mulf %slice3A_835, %mul3A_837 : vector<4x1024xf32>
    %add3A_839 = arith.addf %add3A_829, %mul3A_838 : vector<4x1024xf32>
    %mul3A_840 = vector.broadcast %slice3A_623 : vector<1x1024xf32> to vector<4x1024xf32>
    %mul3A_841 = arith.mulf %add3A_738, %mul3A_840 : vector<4x1024xf32>
    %mul3A_842 = vector.broadcast %slice3A_621 : vector<1x1024xf32> to vector<4x1024xf32>
    %mul3A_843 = arith.mulf %add3A_834, %mul3A_842 : vector<4x1024xf32>
    %add3A_844 = arith.addf %mul3A_841, %mul3A_843 : vector<4x1024xf32>
    %add3A_845 = arith.addf %add3A_844, %add3A_839 : vector<4x1024xf32>
    %mul3A_846 = arith.constant 2.500000e-01 : f32
    %mul3A_847 = vector.broadcast %mul3A_846 : f32 to vector<4x1024xf32>
    %mul3A_848 = arith.mulf %add3A_845, %mul3A_847 : vector<4x1024xf32>
    %mul3A_849 = vector.broadcast %slice3A_623 : vector<1x1024xf32> to vector<4x1024xf32>
    %mul3A_850 = arith.mulf %slice3A_618, %mul3A_849 : vector<4x1024xf32>
    %mul3A_851 = vector.broadcast %slice3A_622 : vector<1x1024xf32> to vector<4x1024xf32>
    %mul3A_852 = arith.mulf %slice3A_619, %mul3A_851 : vector<4x1024xf32>
    %sub3A_853 = arith.subf %mul3A_850, %mul3A_852 : vector<4x1024xf32>
    %mul3A_854 = arith.constant 0.707106769 : f32
    %mul3A_855 = vector.broadcast %mul3A_854 : f32 to vector<4x1024xf32>
    %mul3A_856 = arith.mulf %sub3A_853, %mul3A_855 : vector<4x1024xf32>
    %slice3A_857 = vector.extract_strided_slice %slice3A_615 {offsets = [96, 0], sizes = [4, 1024], strides = [1, 1]} : vector<160x1024xf32> to vector<4x1024xf32>
    %slice3A_858 = vector.extract_strided_slice %slice3A_620 {offsets = [0, 0], sizes = [1, 1024], strides = [1, 1]} : vector<4x1024xf32> to vector<1x1024xf32>
    %mul3A_859 = vector.broadcast %slice3A_858 : vector<1x1024xf32> to vector<4x1024xf32>
    %mul3A_860 = arith.mulf %slice3A_857, %mul3A_859 : vector<4x1024xf32>
    %slice3A_861 = vector.extract_strided_slice %slice3A_615 {offsets = [144, 0], sizes = [4, 1024], strides = [1, 1]} : vector<160x1024xf32> to vector<4x1024xf32>
    %slice3A_862 = vector.extract_strided_slice %mul3A_856 {offsets = [0, 0], sizes = [1, 1024], strides = [1, 1]} : vector<4x1024xf32> to vector<1x1024xf32>
    %mul3A_863 = vector.broadcast %slice3A_862 : vector<1x1024xf32> to vector<4x1024xf32>
    %mul3A_864 = arith.mulf %slice3A_861, %mul3A_863 : vector<4x1024xf32>
    %slice3A_865 = vector.extract_strided_slice %slice3A_615 {offsets = [100, 0], sizes = [4, 1024], strides = [1, 1]} : vector<160x1024xf32> to vector<4x1024xf32>
    %slice3A_866 = vector.extract_strided_slice %slice3A_620 {offsets = [1, 0], sizes = [1, 1024], strides = [1, 1]} : vector<4x1024xf32> to vector<1x1024xf32>
    %mul3A_867 = vector.broadcast %slice3A_866 : vector<1x1024xf32> to vector<4x1024xf32>
    %mul3A_868 = arith.mulf %slice3A_865, %mul3A_867 : vector<4x1024xf32>
    %add3A_869 = arith.addf %mul3A_860, %mul3A_868 : vector<4x1024xf32>
    %slice3A_870 = vector.extract_strided_slice %slice3A_615 {offsets = [148, 0], sizes = [4, 1024], strides = [1, 1]} : vector<160x1024xf32> to vector<4x1024xf32>
    %slice3A_871 = vector.extract_strided_slice %mul3A_856 {offsets = [1, 0], sizes = [1, 1024], strides = [1, 1]} : vector<4x1024xf32> to vector<1x1024xf32>
    %mul3A_872 = vector.broadcast %slice3A_871 : vector<1x1024xf32> to vector<4x1024xf32>
    %mul3A_873 = arith.mulf %slice3A_870, %mul3A_872 : vector<4x1024xf32>
    %add3A_874 = arith.addf %mul3A_864, %mul3A_873 : vector<4x1024xf32>
    %slice3A_875 = vector.extract_strided_slice %slice3A_615 {offsets = [104, 0], sizes = [4, 1024], strides = [1, 1]} : vector<160x1024xf32> to vector<4x1024xf32>
    %slice3A_876 = vector.extract_strided_slice %slice3A_620 {offsets = [2, 0], sizes = [1, 1024], strides = [1, 1]} : vector<4x1024xf32> to vector<1x1024xf32>
    %mul3A_877 = vector.broadcast %slice3A_876 : vector<1x1024xf32> to vector<4x1024xf32>
    %mul3A_878 = arith.mulf %slice3A_875, %mul3A_877 : vector<4x1024xf32>
    %add3A_879 = arith.addf %add3A_869, %mul3A_878 : vector<4x1024xf32>
    %slice3A_880 = vector.extract_strided_slice %slice3A_615 {offsets = [152, 0], sizes = [4, 1024], strides = [1, 1]} : vector<160x1024xf32> to vector<4x1024xf32>
    %slice3A_881 = vector.extract_strided_slice %mul3A_856 {offsets = [2, 0], sizes = [1, 1024], strides = [1, 1]} : vector<4x1024xf32> to vector<1x1024xf32>
    %mul3A_882 = vector.broadcast %slice3A_881 : vector<1x1024xf32> to vector<4x1024xf32>
    %mul3A_883 = arith.mulf %slice3A_880, %mul3A_882 : vector<4x1024xf32>
    %add3A_884 = arith.addf %add3A_874, %mul3A_883 : vector<4x1024xf32>
    %slice3A_885 = vector.extract_strided_slice %slice3A_615 {offsets = [108, 0], sizes = [4, 1024], strides = [1, 1]} : vector<160x1024xf32> to vector<4x1024xf32>
    %slice3A_886 = vector.extract_strided_slice %slice3A_620 {offsets = [3, 0], sizes = [1, 1024], strides = [1, 1]} : vector<4x1024xf32> to vector<1x1024xf32>
    %mul3A_887 = vector.broadcast %slice3A_886 : vector<1x1024xf32> to vector<4x1024xf32>
    %mul3A_888 = arith.mulf %slice3A_885, %mul3A_887 : vector<4x1024xf32>
    %add3A_889 = arith.addf %add3A_879, %mul3A_888 : vector<4x1024xf32>
    %slice3A_890 = vector.extract_strided_slice %slice3A_615 {offsets = [156, 0], sizes = [4, 1024], strides = [1, 1]} : vector<160x1024xf32> to vector<4x1024xf32>
    %slice3A_891 = vector.extract_strided_slice %mul3A_856 {offsets = [3, 0], sizes = [1, 1024], strides = [1, 1]} : vector<4x1024xf32> to vector<1x1024xf32>
    %mul3A_892 = vector.broadcast %slice3A_891 : vector<1x1024xf32> to vector<4x1024xf32>
    %mul3A_893 = arith.mulf %slice3A_890, %mul3A_892 : vector<4x1024xf32>
    %add3A_894 = arith.addf %add3A_884, %mul3A_893 : vector<4x1024xf32>
    %mul3A_895 = vector.broadcast %slice3A_624 : vector<1x1024xf32> to vector<4x1024xf32>
    %mul3A_896 = arith.mulf %add3A_738, %mul3A_895 : vector<4x1024xf32>
    %mul3A_897 = vector.broadcast %slice3A_621 : vector<1x1024xf32> to vector<4x1024xf32>
    %mul3A_898 = arith.mulf %add3A_889, %mul3A_897 : vector<4x1024xf32>
    %add3A_899 = arith.addf %mul3A_896, %mul3A_898 : vector<4x1024xf32>
    %add3A_900 = arith.addf %add3A_899, %add3A_894 : vector<4x1024xf32>
    %mul3A_901 = arith.constant 2.500000e-01 : f32
    %mul3A_902 = vector.broadcast %mul3A_901 : f32 to vector<4x1024xf32>
    %mul3A_903 = arith.mulf %add3A_900, %mul3A_902 : vector<4x1024xf32>
    %slice3A_904 = vector.extract_strided_slice %mul3A_699 {offsets = [0, 0], sizes = [4, 1024], strides = [1, 1]} : vector<8x1024xf32> to vector<4x1024xf32>
    %mul3A_905 = arith.constant 0.000000e+00 : f32
    %mul3A_906 = vector.broadcast %mul3A_905 : f32 to vector<4x1024xf32>
    %mul3A_907 = arith.mulf %slice3A_904, %mul3A_906 : vector<4x1024xf32>
    %slice3A_908 = vector.extract_strided_slice %add3A_24 {offsets = [0, 3072], sizes = [160, 1024], strides = [1, 1]} : vector<160x4096xf32> to vector<160x1024xf32>
    %slice3A_909 = vector.extract_strided_slice %get3A_27 {offsets = [0, 3072], sizes = [4, 1024], strides = [1, 1]} : vector<4x4096xf32> to vector<4x1024xf32>
    %slice3A_910 = vector.extract_strided_slice %transpose3A {offsets = [96, 0], sizes = [8, 1024], strides = [1, 1]} : vector<128x1024xf32> to vector<8x1024xf32>
    %slice3A_911 = vector.extract_strided_slice %transpose3A {offsets = [104, 0], sizes = [4, 1024], strides = [1, 1]} : vector<128x1024xf32> to vector<4x1024xf32>
    %slice3A_912 = vector.extract_strided_slice %transpose3A {offsets = [108, 0], sizes = [4, 1024], strides = [1, 1]} : vector<128x1024xf32> to vector<4x1024xf32>
    %slice3A_913 = vector.extract_strided_slice %transpose3A {offsets = [112, 0], sizes = [4, 1024], strides = [1, 1]} : vector<128x1024xf32> to vector<4x1024xf32>
    %slice3A_914 = vector.extract_strided_slice %slice3A_909 {offsets = [0, 0], sizes = [1, 1024], strides = [1, 1]} : vector<4x1024xf32> to vector<1x1024xf32>
    %slice3A_915 = vector.extract_strided_slice %slice3A_909 {offsets = [1, 0], sizes = [1, 1024], strides = [1, 1]} : vector<4x1024xf32> to vector<1x1024xf32>
    %slice3A_916 = vector.extract_strided_slice %slice3A_909 {offsets = [2, 0], sizes = [1, 1024], strides = [1, 1]} : vector<4x1024xf32> to vector<1x1024xf32>
    %slice3A_917 = vector.extract_strided_slice %slice3A_909 {offsets = [3, 0], sizes = [1, 1024], strides = [1, 1]} : vector<4x1024xf32> to vector<1x1024xf32>
    %mul3A_918 = vector.broadcast %slice3A_914 : vector<1x1024xf32> to vector<8x1024xf32>
    %mul3A_919 = arith.mulf %slice3A_910, %mul3A_918 : vector<8x1024xf32>
    %slice3A_920 = vector.extract_strided_slice %slice3A_908 {offsets = [0, 0], sizes = [8, 1024], strides = [1, 1]} : vector<160x1024xf32> to vector<8x1024xf32>
    %slice3A_921 = vector.extract_strided_slice %mul3A_919 {offsets = [0, 0], sizes = [1, 1024], strides = [1, 1]} : vector<8x1024xf32> to vector<1x1024xf32>
    %mul3A_922 = vector.broadcast %slice3A_921 : vector<1x1024xf32> to vector<8x1024xf32>
    %mul3A_923 = arith.mulf %slice3A_920, %mul3A_922 : vector<8x1024xf32>
    %slice3A_924 = vector.extract_strided_slice %slice3A_908 {offsets = [8, 0], sizes = [8, 1024], strides = [1, 1]} : vector<160x1024xf32> to vector<8x1024xf32>
    %slice3A_925 = vector.extract_strided_slice %mul3A_919 {offsets = [1, 0], sizes = [1, 1024], strides = [1, 1]} : vector<8x1024xf32> to vector<1x1024xf32>
    %mul3A_926 = vector.broadcast %slice3A_925 : vector<1x1024xf32> to vector<8x1024xf32>
    %mul3A_927 = arith.mulf %slice3A_924, %mul3A_926 : vector<8x1024xf32>
    %add3A_928 = arith.addf %mul3A_923, %mul3A_927 : vector<8x1024xf32>
    %slice3A_929 = vector.extract_strided_slice %slice3A_908 {offsets = [16, 0], sizes = [8, 1024], strides = [1, 1]} : vector<160x1024xf32> to vector<8x1024xf32>
    %slice3A_930 = vector.extract_strided_slice %mul3A_919 {offsets = [2, 0], sizes = [1, 1024], strides = [1, 1]} : vector<8x1024xf32> to vector<1x1024xf32>
    %mul3A_931 = vector.broadcast %slice3A_930 : vector<1x1024xf32> to vector<8x1024xf32>
    %mul3A_932 = arith.mulf %slice3A_929, %mul3A_931 : vector<8x1024xf32>
    %add3A_933 = arith.addf %add3A_928, %mul3A_932 : vector<8x1024xf32>
    %slice3A_934 = vector.extract_strided_slice %slice3A_908 {offsets = [24, 0], sizes = [8, 1024], strides = [1, 1]} : vector<160x1024xf32> to vector<8x1024xf32>
    %slice3A_935 = vector.extract_strided_slice %mul3A_919 {offsets = [3, 0], sizes = [1, 1024], strides = [1, 1]} : vector<8x1024xf32> to vector<1x1024xf32>
    %mul3A_936 = vector.broadcast %slice3A_935 : vector<1x1024xf32> to vector<8x1024xf32>
    %mul3A_937 = arith.mulf %slice3A_934, %mul3A_936 : vector<8x1024xf32>
    %add3A_938 = arith.addf %add3A_933, %mul3A_937 : vector<8x1024xf32>
    %slice3A_939 = vector.extract_strided_slice %slice3A_908 {offsets = [32, 0], sizes = [8, 1024], strides = [1, 1]} : vector<160x1024xf32> to vector<8x1024xf32>
    %slice3A_940 = vector.extract_strided_slice %mul3A_919 {offsets = [4, 0], sizes = [1, 1024], strides = [1, 1]} : vector<8x1024xf32> to vector<1x1024xf32>
    %mul3A_941 = vector.broadcast %slice3A_940 : vector<1x1024xf32> to vector<8x1024xf32>
    %mul3A_942 = arith.mulf %slice3A_939, %mul3A_941 : vector<8x1024xf32>
    %add3A_943 = arith.addf %add3A_938, %mul3A_942 : vector<8x1024xf32>
    %slice3A_944 = vector.extract_strided_slice %slice3A_908 {offsets = [40, 0], sizes = [8, 1024], strides = [1, 1]} : vector<160x1024xf32> to vector<8x1024xf32>
    %slice3A_945 = vector.extract_strided_slice %mul3A_919 {offsets = [5, 0], sizes = [1, 1024], strides = [1, 1]} : vector<8x1024xf32> to vector<1x1024xf32>
    %mul3A_946 = vector.broadcast %slice3A_945 : vector<1x1024xf32> to vector<8x1024xf32>
    %mul3A_947 = arith.mulf %slice3A_944, %mul3A_946 : vector<8x1024xf32>
    %add3A_948 = arith.addf %add3A_943, %mul3A_947 : vector<8x1024xf32>
    %slice3A_949 = vector.extract_strided_slice %slice3A_908 {offsets = [48, 0], sizes = [8, 1024], strides = [1, 1]} : vector<160x1024xf32> to vector<8x1024xf32>
    %slice3A_950 = vector.extract_strided_slice %mul3A_919 {offsets = [6, 0], sizes = [1, 1024], strides = [1, 1]} : vector<8x1024xf32> to vector<1x1024xf32>
    %mul3A_951 = vector.broadcast %slice3A_950 : vector<1x1024xf32> to vector<8x1024xf32>
    %mul3A_952 = arith.mulf %slice3A_949, %mul3A_951 : vector<8x1024xf32>
    %add3A_953 = arith.addf %add3A_948, %mul3A_952 : vector<8x1024xf32>
    %slice3A_954 = vector.extract_strided_slice %slice3A_908 {offsets = [56, 0], sizes = [8, 1024], strides = [1, 1]} : vector<160x1024xf32> to vector<8x1024xf32>
    %slice3A_955 = vector.extract_strided_slice %mul3A_919 {offsets = [7, 0], sizes = [1, 1024], strides = [1, 1]} : vector<8x1024xf32> to vector<1x1024xf32>
    %mul3A_956 = vector.broadcast %slice3A_955 : vector<1x1024xf32> to vector<8x1024xf32>
    %mul3A_957 = arith.mulf %slice3A_954, %mul3A_956 : vector<8x1024xf32>
    %add3A_958 = arith.addf %add3A_953, %mul3A_957 : vector<8x1024xf32>
    %mul3A_959 = vector.broadcast %slice3A_915 : vector<1x1024xf32> to vector<4x1024xf32>
    %mul3A_960 = arith.mulf %slice3A_911, %mul3A_959 : vector<4x1024xf32>
    %mul3A_961 = vector.broadcast %slice3A_916 : vector<1x1024xf32> to vector<4x1024xf32>
    %mul3A_962 = arith.mulf %slice3A_912, %mul3A_961 : vector<4x1024xf32>
    %add3A_963 = arith.addf %mul3A_960, %mul3A_962 : vector<4x1024xf32>
    %mul3A_964 = vector.broadcast %slice3A_917 : vector<1x1024xf32> to vector<4x1024xf32>
    %mul3A_965 = arith.mulf %slice3A_913, %mul3A_964 : vector<4x1024xf32>
    %add3A_966 = arith.addf %add3A_963, %mul3A_965 : vector<4x1024xf32>
    %mul3A_967 = arith.constant 0.577350259 : f32
    %mul3A_968 = vector.broadcast %mul3A_967 : f32 to vector<4x1024xf32>
    %mul3A_969 = arith.mulf %add3A_966, %mul3A_968 : vector<4x1024xf32>
    %slice3A_970 = vector.extract_strided_slice %slice3A_908 {offsets = [112, 0], sizes = [8, 1024], strides = [1, 1]} : vector<160x1024xf32> to vector<8x1024xf32>
    %slice3A_971 = vector.extract_strided_slice %mul3A_969 {offsets = [0, 0], sizes = [1, 1024], strides = [1, 1]} : vector<4x1024xf32> to vector<1x1024xf32>
    %mul3A_972 = vector.broadcast %slice3A_971 : vector<1x1024xf32> to vector<8x1024xf32>
    %mul3A_973 = arith.mulf %slice3A_970, %mul3A_972 : vector<8x1024xf32>
    %add3A_974 = arith.addf %add3A_958, %mul3A_973 : vector<8x1024xf32>
    %slice3A_975 = vector.extract_strided_slice %slice3A_908 {offsets = [120, 0], sizes = [8, 1024], strides = [1, 1]} : vector<160x1024xf32> to vector<8x1024xf32>
    %slice3A_976 = vector.extract_strided_slice %mul3A_969 {offsets = [1, 0], sizes = [1, 1024], strides = [1, 1]} : vector<4x1024xf32> to vector<1x1024xf32>
    %mul3A_977 = vector.broadcast %slice3A_976 : vector<1x1024xf32> to vector<8x1024xf32>
    %mul3A_978 = arith.mulf %slice3A_975, %mul3A_977 : vector<8x1024xf32>
    %add3A_979 = arith.addf %add3A_974, %mul3A_978 : vector<8x1024xf32>
    %slice3A_980 = vector.extract_strided_slice %slice3A_908 {offsets = [128, 0], sizes = [8, 1024], strides = [1, 1]} : vector<160x1024xf32> to vector<8x1024xf32>
    %slice3A_981 = vector.extract_strided_slice %mul3A_969 {offsets = [2, 0], sizes = [1, 1024], strides = [1, 1]} : vector<4x1024xf32> to vector<1x1024xf32>
    %mul3A_982 = vector.broadcast %slice3A_981 : vector<1x1024xf32> to vector<8x1024xf32>
    %mul3A_983 = arith.mulf %slice3A_980, %mul3A_982 : vector<8x1024xf32>
    %add3A_984 = arith.addf %add3A_979, %mul3A_983 : vector<8x1024xf32>
    %slice3A_985 = vector.extract_strided_slice %slice3A_908 {offsets = [136, 0], sizes = [8, 1024], strides = [1, 1]} : vector<160x1024xf32> to vector<8x1024xf32>
    %slice3A_986 = vector.extract_strided_slice %mul3A_969 {offsets = [3, 0], sizes = [1, 1024], strides = [1, 1]} : vector<4x1024xf32> to vector<1x1024xf32>
    %mul3A_987 = vector.broadcast %slice3A_986 : vector<1x1024xf32> to vector<8x1024xf32>
    %mul3A_988 = arith.mulf %slice3A_985, %mul3A_987 : vector<8x1024xf32>
    %add3A_989 = arith.addf %add3A_984, %mul3A_988 : vector<8x1024xf32>
    %mul3A_990 = arith.constant 0.288675129 : f32
    %mul3A_991 = vector.broadcast %mul3A_990 : f32 to vector<8x1024xf32>
    %mul3A_992 = arith.mulf %add3A_989, %mul3A_991 : vector<8x1024xf32>
    %slice3A_993 = vector.extract_strided_slice %slice3A_908 {offsets = [64, 0], sizes = [4, 1024], strides = [1, 1]} : vector<160x1024xf32> to vector<4x1024xf32>
    %slice3A_994 = vector.extract_strided_slice %slice3A_910 {offsets = [0, 0], sizes = [1, 1024], strides = [1, 1]} : vector<8x1024xf32> to vector<1x1024xf32>
    %mul3A_995 = vector.broadcast %slice3A_994 : vector<1x1024xf32> to vector<4x1024xf32>
    %mul3A_996 = arith.mulf %slice3A_993, %mul3A_995 : vector<4x1024xf32>
    %slice3A_997 = vector.extract_strided_slice %slice3A_908 {offsets = [68, 0], sizes = [4, 1024], strides = [1, 1]} : vector<160x1024xf32> to vector<4x1024xf32>
    %slice3A_998 = vector.extract_strided_slice %slice3A_910 {offsets = [1, 0], sizes = [1, 1024], strides = [1, 1]} : vector<8x1024xf32> to vector<1x1024xf32>
    %mul3A_999 = vector.broadcast %slice3A_998 : vector<1x1024xf32> to vector<4x1024xf32>
    %mul3A_1000 = arith.mulf %slice3A_997, %mul3A_999 : vector<4x1024xf32>
    %add3A_1001 = arith.addf %mul3A_996, %mul3A_1000 : vector<4x1024xf32>
    %slice3A_1002 = vector.extract_strided_slice %slice3A_908 {offsets = [72, 0], sizes = [4, 1024], strides = [1, 1]} : vector<160x1024xf32> to vector<4x1024xf32>
    %slice3A_1003 = vector.extract_strided_slice %slice3A_910 {offsets = [2, 0], sizes = [1, 1024], strides = [1, 1]} : vector<8x1024xf32> to vector<1x1024xf32>
    %mul3A_1004 = vector.broadcast %slice3A_1003 : vector<1x1024xf32> to vector<4x1024xf32>
    %mul3A_1005 = arith.mulf %slice3A_1002, %mul3A_1004 : vector<4x1024xf32>
    %add3A_1006 = arith.addf %add3A_1001, %mul3A_1005 : vector<4x1024xf32>
    %slice3A_1007 = vector.extract_strided_slice %slice3A_908 {offsets = [76, 0], sizes = [4, 1024], strides = [1, 1]} : vector<160x1024xf32> to vector<4x1024xf32>
    %slice3A_1008 = vector.extract_strided_slice %slice3A_910 {offsets = [3, 0], sizes = [1, 1024], strides = [1, 1]} : vector<8x1024xf32> to vector<1x1024xf32>
    %mul3A_1009 = vector.broadcast %slice3A_1008 : vector<1x1024xf32> to vector<4x1024xf32>
    %mul3A_1010 = arith.mulf %slice3A_1007, %mul3A_1009 : vector<4x1024xf32>
    %add3A_1011 = arith.addf %add3A_1006, %mul3A_1010 : vector<4x1024xf32>
    %slice3A_1012 = vector.extract_strided_slice %slice3A_908 {offsets = [80, 0], sizes = [4, 1024], strides = [1, 1]} : vector<160x1024xf32> to vector<4x1024xf32>
    %slice3A_1013 = vector.extract_strided_slice %slice3A_910 {offsets = [4, 0], sizes = [1, 1024], strides = [1, 1]} : vector<8x1024xf32> to vector<1x1024xf32>
    %mul3A_1014 = vector.broadcast %slice3A_1013 : vector<1x1024xf32> to vector<4x1024xf32>
    %mul3A_1015 = arith.mulf %slice3A_1012, %mul3A_1014 : vector<4x1024xf32>
    %add3A_1016 = arith.addf %add3A_1011, %mul3A_1015 : vector<4x1024xf32>
    %slice3A_1017 = vector.extract_strided_slice %slice3A_908 {offsets = [84, 0], sizes = [4, 1024], strides = [1, 1]} : vector<160x1024xf32> to vector<4x1024xf32>
    %slice3A_1018 = vector.extract_strided_slice %slice3A_910 {offsets = [5, 0], sizes = [1, 1024], strides = [1, 1]} : vector<8x1024xf32> to vector<1x1024xf32>
    %mul3A_1019 = vector.broadcast %slice3A_1018 : vector<1x1024xf32> to vector<4x1024xf32>
    %mul3A_1020 = arith.mulf %slice3A_1017, %mul3A_1019 : vector<4x1024xf32>
    %add3A_1021 = arith.addf %add3A_1016, %mul3A_1020 : vector<4x1024xf32>
    %slice3A_1022 = vector.extract_strided_slice %slice3A_908 {offsets = [88, 0], sizes = [4, 1024], strides = [1, 1]} : vector<160x1024xf32> to vector<4x1024xf32>
    %slice3A_1023 = vector.extract_strided_slice %slice3A_910 {offsets = [6, 0], sizes = [1, 1024], strides = [1, 1]} : vector<8x1024xf32> to vector<1x1024xf32>
    %mul3A_1024 = vector.broadcast %slice3A_1023 : vector<1x1024xf32> to vector<4x1024xf32>
    %mul3A_1025 = arith.mulf %slice3A_1022, %mul3A_1024 : vector<4x1024xf32>
    %add3A_1026 = arith.addf %add3A_1021, %mul3A_1025 : vector<4x1024xf32>
    %slice3A_1027 = vector.extract_strided_slice %slice3A_908 {offsets = [92, 0], sizes = [4, 1024], strides = [1, 1]} : vector<160x1024xf32> to vector<4x1024xf32>
    %slice3A_1028 = vector.extract_strided_slice %slice3A_910 {offsets = [7, 0], sizes = [1, 1024], strides = [1, 1]} : vector<8x1024xf32> to vector<1x1024xf32>
    %mul3A_1029 = vector.broadcast %slice3A_1028 : vector<1x1024xf32> to vector<4x1024xf32>
    %mul3A_1030 = arith.mulf %slice3A_1027, %mul3A_1029 : vector<4x1024xf32>
    %add3A_1031 = arith.addf %add3A_1026, %mul3A_1030 : vector<4x1024xf32>
    %mul3A_1032 = vector.broadcast %slice3A_917 : vector<1x1024xf32> to vector<4x1024xf32>
    %mul3A_1033 = arith.mulf %slice3A_912, %mul3A_1032 : vector<4x1024xf32>
    %mul3A_1034 = vector.broadcast %slice3A_916 : vector<1x1024xf32> to vector<4x1024xf32>
    %mul3A_1035 = arith.mulf %slice3A_913, %mul3A_1034 : vector<4x1024xf32>
    %sub3A_1036 = arith.subf %mul3A_1033, %mul3A_1035 : vector<4x1024xf32>
    %mul3A_1037 = arith.constant 0.707106769 : f32
    %mul3A_1038 = vector.broadcast %mul3A_1037 : f32 to vector<4x1024xf32>
    %mul3A_1039 = arith.mulf %sub3A_1036, %mul3A_1038 : vector<4x1024xf32>
    %slice3A_1040 = vector.extract_strided_slice %slice3A_908 {offsets = [96, 0], sizes = [4, 1024], strides = [1, 1]} : vector<160x1024xf32> to vector<4x1024xf32>
    %slice3A_1041 = vector.extract_strided_slice %slice3A_911 {offsets = [0, 0], sizes = [1, 1024], strides = [1, 1]} : vector<4x1024xf32> to vector<1x1024xf32>
    %mul3A_1042 = vector.broadcast %slice3A_1041 : vector<1x1024xf32> to vector<4x1024xf32>
    %mul3A_1043 = arith.mulf %slice3A_1040, %mul3A_1042 : vector<4x1024xf32>
    %slice3A_1044 = vector.extract_strided_slice %slice3A_908 {offsets = [144, 0], sizes = [4, 1024], strides = [1, 1]} : vector<160x1024xf32> to vector<4x1024xf32>
    %slice3A_1045 = vector.extract_strided_slice %mul3A_1039 {offsets = [0, 0], sizes = [1, 1024], strides = [1, 1]} : vector<4x1024xf32> to vector<1x1024xf32>
    %mul3A_1046 = vector.broadcast %slice3A_1045 : vector<1x1024xf32> to vector<4x1024xf32>
    %mul3A_1047 = arith.mulf %slice3A_1044, %mul3A_1046 : vector<4x1024xf32>
    %slice3A_1048 = vector.extract_strided_slice %slice3A_908 {offsets = [100, 0], sizes = [4, 1024], strides = [1, 1]} : vector<160x1024xf32> to vector<4x1024xf32>
    %slice3A_1049 = vector.extract_strided_slice %slice3A_911 {offsets = [1, 0], sizes = [1, 1024], strides = [1, 1]} : vector<4x1024xf32> to vector<1x1024xf32>
    %mul3A_1050 = vector.broadcast %slice3A_1049 : vector<1x1024xf32> to vector<4x1024xf32>
    %mul3A_1051 = arith.mulf %slice3A_1048, %mul3A_1050 : vector<4x1024xf32>
    %add3A_1052 = arith.addf %mul3A_1043, %mul3A_1051 : vector<4x1024xf32>
    %slice3A_1053 = vector.extract_strided_slice %slice3A_908 {offsets = [148, 0], sizes = [4, 1024], strides = [1, 1]} : vector<160x1024xf32> to vector<4x1024xf32>
    %slice3A_1054 = vector.extract_strided_slice %mul3A_1039 {offsets = [1, 0], sizes = [1, 1024], strides = [1, 1]} : vector<4x1024xf32> to vector<1x1024xf32>
    %mul3A_1055 = vector.broadcast %slice3A_1054 : vector<1x1024xf32> to vector<4x1024xf32>
    %mul3A_1056 = arith.mulf %slice3A_1053, %mul3A_1055 : vector<4x1024xf32>
    %add3A_1057 = arith.addf %mul3A_1047, %mul3A_1056 : vector<4x1024xf32>
    %slice3A_1058 = vector.extract_strided_slice %slice3A_908 {offsets = [104, 0], sizes = [4, 1024], strides = [1, 1]} : vector<160x1024xf32> to vector<4x1024xf32>
    %slice3A_1059 = vector.extract_strided_slice %slice3A_911 {offsets = [2, 0], sizes = [1, 1024], strides = [1, 1]} : vector<4x1024xf32> to vector<1x1024xf32>
    %mul3A_1060 = vector.broadcast %slice3A_1059 : vector<1x1024xf32> to vector<4x1024xf32>
    %mul3A_1061 = arith.mulf %slice3A_1058, %mul3A_1060 : vector<4x1024xf32>
    %add3A_1062 = arith.addf %add3A_1052, %mul3A_1061 : vector<4x1024xf32>
    %slice3A_1063 = vector.extract_strided_slice %slice3A_908 {offsets = [152, 0], sizes = [4, 1024], strides = [1, 1]} : vector<160x1024xf32> to vector<4x1024xf32>
    %slice3A_1064 = vector.extract_strided_slice %mul3A_1039 {offsets = [2, 0], sizes = [1, 1024], strides = [1, 1]} : vector<4x1024xf32> to vector<1x1024xf32>
    %mul3A_1065 = vector.broadcast %slice3A_1064 : vector<1x1024xf32> to vector<4x1024xf32>
    %mul3A_1066 = arith.mulf %slice3A_1063, %mul3A_1065 : vector<4x1024xf32>
    %add3A_1067 = arith.addf %add3A_1057, %mul3A_1066 : vector<4x1024xf32>
    %slice3A_1068 = vector.extract_strided_slice %slice3A_908 {offsets = [108, 0], sizes = [4, 1024], strides = [1, 1]} : vector<160x1024xf32> to vector<4x1024xf32>
    %slice3A_1069 = vector.extract_strided_slice %slice3A_911 {offsets = [3, 0], sizes = [1, 1024], strides = [1, 1]} : vector<4x1024xf32> to vector<1x1024xf32>
    %mul3A_1070 = vector.broadcast %slice3A_1069 : vector<1x1024xf32> to vector<4x1024xf32>
    %mul3A_1071 = arith.mulf %slice3A_1068, %mul3A_1070 : vector<4x1024xf32>
    %add3A_1072 = arith.addf %add3A_1062, %mul3A_1071 : vector<4x1024xf32>
    %slice3A_1073 = vector.extract_strided_slice %slice3A_908 {offsets = [156, 0], sizes = [4, 1024], strides = [1, 1]} : vector<160x1024xf32> to vector<4x1024xf32>
    %slice3A_1074 = vector.extract_strided_slice %mul3A_1039 {offsets = [3, 0], sizes = [1, 1024], strides = [1, 1]} : vector<4x1024xf32> to vector<1x1024xf32>
    %mul3A_1075 = vector.broadcast %slice3A_1074 : vector<1x1024xf32> to vector<4x1024xf32>
    %mul3A_1076 = arith.mulf %slice3A_1073, %mul3A_1075 : vector<4x1024xf32>
    %add3A_1077 = arith.addf %add3A_1067, %mul3A_1076 : vector<4x1024xf32>
    %mul3A_1078 = vector.broadcast %slice3A_915 : vector<1x1024xf32> to vector<4x1024xf32>
    %mul3A_1079 = arith.mulf %add3A_1031, %mul3A_1078 : vector<4x1024xf32>
    %mul3A_1080 = vector.broadcast %slice3A_914 : vector<1x1024xf32> to vector<4x1024xf32>
    %mul3A_1081 = arith.mulf %add3A_1072, %mul3A_1080 : vector<4x1024xf32>
    %add3A_1082 = arith.addf %mul3A_1079, %mul3A_1081 : vector<4x1024xf32>
    %add3A_1083 = arith.addf %add3A_1082, %add3A_1077 : vector<4x1024xf32>
    %mul3A_1084 = arith.constant 2.500000e-01 : f32
    %mul3A_1085 = vector.broadcast %mul3A_1084 : f32 to vector<4x1024xf32>
    %mul3A_1086 = arith.mulf %add3A_1083, %mul3A_1085 : vector<4x1024xf32>
    %mul3A_1087 = vector.broadcast %slice3A_915 : vector<1x1024xf32> to vector<4x1024xf32>
    %mul3A_1088 = arith.mulf %slice3A_913, %mul3A_1087 : vector<4x1024xf32>
    %mul3A_1089 = vector.broadcast %slice3A_917 : vector<1x1024xf32> to vector<4x1024xf32>
    %mul3A_1090 = arith.mulf %slice3A_911, %mul3A_1089 : vector<4x1024xf32>
    %sub3A_1091 = arith.subf %mul3A_1088, %mul3A_1090 : vector<4x1024xf32>
    %mul3A_1092 = arith.constant 0.707106769 : f32
    %mul3A_1093 = vector.broadcast %mul3A_1092 : f32 to vector<4x1024xf32>
    %mul3A_1094 = arith.mulf %sub3A_1091, %mul3A_1093 : vector<4x1024xf32>
    %slice3A_1095 = vector.extract_strided_slice %slice3A_908 {offsets = [96, 0], sizes = [4, 1024], strides = [1, 1]} : vector<160x1024xf32> to vector<4x1024xf32>
    %slice3A_1096 = vector.extract_strided_slice %slice3A_912 {offsets = [0, 0], sizes = [1, 1024], strides = [1, 1]} : vector<4x1024xf32> to vector<1x1024xf32>
    %mul3A_1097 = vector.broadcast %slice3A_1096 : vector<1x1024xf32> to vector<4x1024xf32>
    %mul3A_1098 = arith.mulf %slice3A_1095, %mul3A_1097 : vector<4x1024xf32>
    %slice3A_1099 = vector.extract_strided_slice %slice3A_908 {offsets = [144, 0], sizes = [4, 1024], strides = [1, 1]} : vector<160x1024xf32> to vector<4x1024xf32>
    %slice3A_1100 = vector.extract_strided_slice %mul3A_1094 {offsets = [0, 0], sizes = [1, 1024], strides = [1, 1]} : vector<4x1024xf32> to vector<1x1024xf32>
    %mul3A_1101 = vector.broadcast %slice3A_1100 : vector<1x1024xf32> to vector<4x1024xf32>
    %mul3A_1102 = arith.mulf %slice3A_1099, %mul3A_1101 : vector<4x1024xf32>
    %slice3A_1103 = vector.extract_strided_slice %slice3A_908 {offsets = [100, 0], sizes = [4, 1024], strides = [1, 1]} : vector<160x1024xf32> to vector<4x1024xf32>
    %slice3A_1104 = vector.extract_strided_slice %slice3A_912 {offsets = [1, 0], sizes = [1, 1024], strides = [1, 1]} : vector<4x1024xf32> to vector<1x1024xf32>
    %mul3A_1105 = vector.broadcast %slice3A_1104 : vector<1x1024xf32> to vector<4x1024xf32>
    %mul3A_1106 = arith.mulf %slice3A_1103, %mul3A_1105 : vector<4x1024xf32>
    %add3A_1107 = arith.addf %mul3A_1098, %mul3A_1106 : vector<4x1024xf32>
    %slice3A_1108 = vector.extract_strided_slice %slice3A_908 {offsets = [148, 0], sizes = [4, 1024], strides = [1, 1]} : vector<160x1024xf32> to vector<4x1024xf32>
    %slice3A_1109 = vector.extract_strided_slice %mul3A_1094 {offsets = [1, 0], sizes = [1, 1024], strides = [1, 1]} : vector<4x1024xf32> to vector<1x1024xf32>
    %mul3A_1110 = vector.broadcast %slice3A_1109 : vector<1x1024xf32> to vector<4x1024xf32>
    %mul3A_1111 = arith.mulf %slice3A_1108, %mul3A_1110 : vector<4x1024xf32>
    %add3A_1112 = arith.addf %mul3A_1102, %mul3A_1111 : vector<4x1024xf32>
    %slice3A_1113 = vector.extract_strided_slice %slice3A_908 {offsets = [104, 0], sizes = [4, 1024], strides = [1, 1]} : vector<160x1024xf32> to vector<4x1024xf32>
    %slice3A_1114 = vector.extract_strided_slice %slice3A_912 {offsets = [2, 0], sizes = [1, 1024], strides = [1, 1]} : vector<4x1024xf32> to vector<1x1024xf32>
    %mul3A_1115 = vector.broadcast %slice3A_1114 : vector<1x1024xf32> to vector<4x1024xf32>
    %mul3A_1116 = arith.mulf %slice3A_1113, %mul3A_1115 : vector<4x1024xf32>
    %add3A_1117 = arith.addf %add3A_1107, %mul3A_1116 : vector<4x1024xf32>
    %slice3A_1118 = vector.extract_strided_slice %slice3A_908 {offsets = [152, 0], sizes = [4, 1024], strides = [1, 1]} : vector<160x1024xf32> to vector<4x1024xf32>
    %slice3A_1119 = vector.extract_strided_slice %mul3A_1094 {offsets = [2, 0], sizes = [1, 1024], strides = [1, 1]} : vector<4x1024xf32> to vector<1x1024xf32>
    %mul3A_1120 = vector.broadcast %slice3A_1119 : vector<1x1024xf32> to vector<4x1024xf32>
    %mul3A_1121 = arith.mulf %slice3A_1118, %mul3A_1120 : vector<4x1024xf32>
    %add3A_1122 = arith.addf %add3A_1112, %mul3A_1121 : vector<4x1024xf32>
    %slice3A_1123 = vector.extract_strided_slice %slice3A_908 {offsets = [108, 0], sizes = [4, 1024], strides = [1, 1]} : vector<160x1024xf32> to vector<4x1024xf32>
    %slice3A_1124 = vector.extract_strided_slice %slice3A_912 {offsets = [3, 0], sizes = [1, 1024], strides = [1, 1]} : vector<4x1024xf32> to vector<1x1024xf32>
    %mul3A_1125 = vector.broadcast %slice3A_1124 : vector<1x1024xf32> to vector<4x1024xf32>
    %mul3A_1126 = arith.mulf %slice3A_1123, %mul3A_1125 : vector<4x1024xf32>
    %add3A_1127 = arith.addf %add3A_1117, %mul3A_1126 : vector<4x1024xf32>
    %slice3A_1128 = vector.extract_strided_slice %slice3A_908 {offsets = [156, 0], sizes = [4, 1024], strides = [1, 1]} : vector<160x1024xf32> to vector<4x1024xf32>
    %slice3A_1129 = vector.extract_strided_slice %mul3A_1094 {offsets = [3, 0], sizes = [1, 1024], strides = [1, 1]} : vector<4x1024xf32> to vector<1x1024xf32>
    %mul3A_1130 = vector.broadcast %slice3A_1129 : vector<1x1024xf32> to vector<4x1024xf32>
    %mul3A_1131 = arith.mulf %slice3A_1128, %mul3A_1130 : vector<4x1024xf32>
    %add3A_1132 = arith.addf %add3A_1122, %mul3A_1131 : vector<4x1024xf32>
    %mul3A_1133 = vector.broadcast %slice3A_916 : vector<1x1024xf32> to vector<4x1024xf32>
    %mul3A_1134 = arith.mulf %add3A_1031, %mul3A_1133 : vector<4x1024xf32>
    %mul3A_1135 = vector.broadcast %slice3A_914 : vector<1x1024xf32> to vector<4x1024xf32>
    %mul3A_1136 = arith.mulf %add3A_1127, %mul3A_1135 : vector<4x1024xf32>
    %add3A_1137 = arith.addf %mul3A_1134, %mul3A_1136 : vector<4x1024xf32>
    %add3A_1138 = arith.addf %add3A_1137, %add3A_1132 : vector<4x1024xf32>
    %mul3A_1139 = arith.constant 2.500000e-01 : f32
    %mul3A_1140 = vector.broadcast %mul3A_1139 : f32 to vector<4x1024xf32>
    %mul3A_1141 = arith.mulf %add3A_1138, %mul3A_1140 : vector<4x1024xf32>
    %mul3A_1142 = vector.broadcast %slice3A_916 : vector<1x1024xf32> to vector<4x1024xf32>
    %mul3A_1143 = arith.mulf %slice3A_911, %mul3A_1142 : vector<4x1024xf32>
    %mul3A_1144 = vector.broadcast %slice3A_915 : vector<1x1024xf32> to vector<4x1024xf32>
    %mul3A_1145 = arith.mulf %slice3A_912, %mul3A_1144 : vector<4x1024xf32>
    %sub3A_1146 = arith.subf %mul3A_1143, %mul3A_1145 : vector<4x1024xf32>
    %mul3A_1147 = arith.constant 0.707106769 : f32
    %mul3A_1148 = vector.broadcast %mul3A_1147 : f32 to vector<4x1024xf32>
    %mul3A_1149 = arith.mulf %sub3A_1146, %mul3A_1148 : vector<4x1024xf32>
    %slice3A_1150 = vector.extract_strided_slice %slice3A_908 {offsets = [96, 0], sizes = [4, 1024], strides = [1, 1]} : vector<160x1024xf32> to vector<4x1024xf32>
    %slice3A_1151 = vector.extract_strided_slice %slice3A_913 {offsets = [0, 0], sizes = [1, 1024], strides = [1, 1]} : vector<4x1024xf32> to vector<1x1024xf32>
    %mul3A_1152 = vector.broadcast %slice3A_1151 : vector<1x1024xf32> to vector<4x1024xf32>
    %mul3A_1153 = arith.mulf %slice3A_1150, %mul3A_1152 : vector<4x1024xf32>
    %slice3A_1154 = vector.extract_strided_slice %slice3A_908 {offsets = [144, 0], sizes = [4, 1024], strides = [1, 1]} : vector<160x1024xf32> to vector<4x1024xf32>
    %slice3A_1155 = vector.extract_strided_slice %mul3A_1149 {offsets = [0, 0], sizes = [1, 1024], strides = [1, 1]} : vector<4x1024xf32> to vector<1x1024xf32>
    %mul3A_1156 = vector.broadcast %slice3A_1155 : vector<1x1024xf32> to vector<4x1024xf32>
    %mul3A_1157 = arith.mulf %slice3A_1154, %mul3A_1156 : vector<4x1024xf32>
    %slice3A_1158 = vector.extract_strided_slice %slice3A_908 {offsets = [100, 0], sizes = [4, 1024], strides = [1, 1]} : vector<160x1024xf32> to vector<4x1024xf32>
    %slice3A_1159 = vector.extract_strided_slice %slice3A_913 {offsets = [1, 0], sizes = [1, 1024], strides = [1, 1]} : vector<4x1024xf32> to vector<1x1024xf32>
    %mul3A_1160 = vector.broadcast %slice3A_1159 : vector<1x1024xf32> to vector<4x1024xf32>
    %mul3A_1161 = arith.mulf %slice3A_1158, %mul3A_1160 : vector<4x1024xf32>
    %add3A_1162 = arith.addf %mul3A_1153, %mul3A_1161 : vector<4x1024xf32>
    %slice3A_1163 = vector.extract_strided_slice %slice3A_908 {offsets = [148, 0], sizes = [4, 1024], strides = [1, 1]} : vector<160x1024xf32> to vector<4x1024xf32>
    %slice3A_1164 = vector.extract_strided_slice %mul3A_1149 {offsets = [1, 0], sizes = [1, 1024], strides = [1, 1]} : vector<4x1024xf32> to vector<1x1024xf32>
    %mul3A_1165 = vector.broadcast %slice3A_1164 : vector<1x1024xf32> to vector<4x1024xf32>
    %mul3A_1166 = arith.mulf %slice3A_1163, %mul3A_1165 : vector<4x1024xf32>
    %add3A_1167 = arith.addf %mul3A_1157, %mul3A_1166 : vector<4x1024xf32>
    %slice3A_1168 = vector.extract_strided_slice %slice3A_908 {offsets = [104, 0], sizes = [4, 1024], strides = [1, 1]} : vector<160x1024xf32> to vector<4x1024xf32>
    %slice3A_1169 = vector.extract_strided_slice %slice3A_913 {offsets = [2, 0], sizes = [1, 1024], strides = [1, 1]} : vector<4x1024xf32> to vector<1x1024xf32>
    %mul3A_1170 = vector.broadcast %slice3A_1169 : vector<1x1024xf32> to vector<4x1024xf32>
    %mul3A_1171 = arith.mulf %slice3A_1168, %mul3A_1170 : vector<4x1024xf32>
    %add3A_1172 = arith.addf %add3A_1162, %mul3A_1171 : vector<4x1024xf32>
    %slice3A_1173 = vector.extract_strided_slice %slice3A_908 {offsets = [152, 0], sizes = [4, 1024], strides = [1, 1]} : vector<160x1024xf32> to vector<4x1024xf32>
    %slice3A_1174 = vector.extract_strided_slice %mul3A_1149 {offsets = [2, 0], sizes = [1, 1024], strides = [1, 1]} : vector<4x1024xf32> to vector<1x1024xf32>
    %mul3A_1175 = vector.broadcast %slice3A_1174 : vector<1x1024xf32> to vector<4x1024xf32>
    %mul3A_1176 = arith.mulf %slice3A_1173, %mul3A_1175 : vector<4x1024xf32>
    %add3A_1177 = arith.addf %add3A_1167, %mul3A_1176 : vector<4x1024xf32>
    %slice3A_1178 = vector.extract_strided_slice %slice3A_908 {offsets = [108, 0], sizes = [4, 1024], strides = [1, 1]} : vector<160x1024xf32> to vector<4x1024xf32>
    %slice3A_1179 = vector.extract_strided_slice %slice3A_913 {offsets = [3, 0], sizes = [1, 1024], strides = [1, 1]} : vector<4x1024xf32> to vector<1x1024xf32>
    %mul3A_1180 = vector.broadcast %slice3A_1179 : vector<1x1024xf32> to vector<4x1024xf32>
    %mul3A_1181 = arith.mulf %slice3A_1178, %mul3A_1180 : vector<4x1024xf32>
    %add3A_1182 = arith.addf %add3A_1172, %mul3A_1181 : vector<4x1024xf32>
    %slice3A_1183 = vector.extract_strided_slice %slice3A_908 {offsets = [156, 0], sizes = [4, 1024], strides = [1, 1]} : vector<160x1024xf32> to vector<4x1024xf32>
    %slice3A_1184 = vector.extract_strided_slice %mul3A_1149 {offsets = [3, 0], sizes = [1, 1024], strides = [1, 1]} : vector<4x1024xf32> to vector<1x1024xf32>
    %mul3A_1185 = vector.broadcast %slice3A_1184 : vector<1x1024xf32> to vector<4x1024xf32>
    %mul3A_1186 = arith.mulf %slice3A_1183, %mul3A_1185 : vector<4x1024xf32>
    %add3A_1187 = arith.addf %add3A_1177, %mul3A_1186 : vector<4x1024xf32>
    %mul3A_1188 = vector.broadcast %slice3A_917 : vector<1x1024xf32> to vector<4x1024xf32>
    %mul3A_1189 = arith.mulf %add3A_1031, %mul3A_1188 : vector<4x1024xf32>
    %mul3A_1190 = vector.broadcast %slice3A_914 : vector<1x1024xf32> to vector<4x1024xf32>
    %mul3A_1191 = arith.mulf %add3A_1182, %mul3A_1190 : vector<4x1024xf32>
    %add3A_1192 = arith.addf %mul3A_1189, %mul3A_1191 : vector<4x1024xf32>
    %add3A_1193 = arith.addf %add3A_1192, %add3A_1187 : vector<4x1024xf32>
    %mul3A_1194 = arith.constant 2.500000e-01 : f32
    %mul3A_1195 = vector.broadcast %mul3A_1194 : f32 to vector<4x1024xf32>
    %mul3A_1196 = arith.mulf %add3A_1193, %mul3A_1195 : vector<4x1024xf32>
    %slice3A_1197 = vector.extract_strided_slice %mul3A_992 {offsets = [0, 0], sizes = [4, 1024], strides = [1, 1]} : vector<8x1024xf32> to vector<4x1024xf32>
    %mul3A_1198 = arith.constant 0.000000e+00 : f32
    %mul3A_1199 = vector.broadcast %mul3A_1198 : f32 to vector<4x1024xf32>
    %mul3A_1200 = arith.mulf %slice3A_1197, %mul3A_1199 : vector<4x1024xf32>
    %concatenate3A = tpu.concatenate %mul3A_114, %mul3A_207, %mul3A_262, %mul3A_317, %mul3A_321, %mul3A_321, %mul3A_321, %mul3A_406, %mul3A_500, %mul3A_555, %mul3A_610, %mul3A_614, %mul3A_614, %mul3A_614, %mul3A_699, %mul3A_793, %mul3A_848, %mul3A_903, %mul3A_907, %mul3A_907, %mul3A_907, %mul3A_992, %mul3A_1086, %mul3A_1141, %mul3A_1196, %mul3A_1200, %mul3A_1200, %mul3A_1200 in 0 : vector<8x1024xf32>, vector<4x1024xf32>, vector<4x1024xf32>, vector<4x1024xf32>, vector<4x1024xf32>, vector<4x1024xf32>, vector<4x1024xf32>, vector<8x1024xf32>, vector<4x1024xf32>, vector<4x1024xf32>, vector<4x1024xf32>, vector<4x1024xf32>, vector<4x1024xf32>, vector<4x1024xf32>, vector<8x1024xf32>, vector<4x1024xf32>, vector<4x1024xf32>, vector<4x1024xf32>, vector<4x1024xf32>, vector<4x1024xf32>, vector<4x1024xf32>, vector<8x1024xf32>, vector<4x1024xf32>, vector<4x1024xf32>, vector<4x1024xf32>, vector<4x1024xf32>, vector<4x1024xf32>, vector<4x1024xf32> -> vector<128x1024xf32>
    %transpose3A_1201 = tpu.transpose %concatenate3A, [1, 0] : vector<128x1024xf32> -> vector<1024x128xf32>
    %swap3A = arith.constant 0 : index
    %swap3A_1202 = arith.constant 0 : index
    %swap3A_1203 = vector.load %arg8[%swap3A, %swap3A_1202] : memref<1024x128xf32, #tpu.memory_space<vmem>>, vector<1024x128xf32>
    tpu.vector_store %arg8[%swap3A, %swap3A_1202], %transpose3A_1201 {strides = array<i32>} : memref<1024x128xf32, #tpu.memory_space<vmem>>, vector<1024x128xf32>,
    return
  }
  func.func @transform_0(%arg0: i32) -> (i32, i32) {
    %c0_i32 = arith.constant 0 : i32
    %c0_i32_0 = arith.constant 0 : i32
    return %c0_i32, %arg0 : i32, i32
  }
  func.func @transform_1(%arg0: i32) -> (i32, i32) {
    %c0_i32 = arith.constant 0 : i32
    %c0_i32_0 = arith.constant 0 : i32
    return %c0_i32, %arg0 : i32, i32
  }
  func.func @transform_2(%arg0: i32) -> (i32, i32) {
    %c0_i32 = arith.constant 0 : i32
    %c0_i32_0 = arith.constant 0 : i32
    return %arg0, %c0_i32 : i32, i32
  }
  func.func @transform_3(%arg0: i32) -> (i32, i32) {
    %c0_i32 = arith.constant 0 : i32
    %c0_i32_0 = arith.constant 0 : i32
    %c0_i32_1 = arith.constant 0 : i32
    return %c0_i32, %c0_i32_0 : i32, i32
  }
  func.func @transform_4(%arg0: i32) -> (i32, i32) {
    %c0_i32 = arith.constant 0 : i32
    %c0_i32_0 = arith.constant 0 : i32
    %c0_i32_1 = arith.constant 0 : i32
    return %c0_i32, %c0_i32_0 : i32, i32
  }
  func.func @transform_5(%arg0: i32) -> (i32, i32) {
    %c0_i32 = arith.constant 0 : i32
    %c0_i32_0 = arith.constant 0 : i32
    %c0_i32_1 = arith.constant 0 : i32
    return %c0_i32, %c0_i32_0 : i32, i32
  }
  func.func @transform_6(%arg0: i32) -> (i32, i32) {
    %c0_i32 = arith.constant 0 : i32
    %c0_i32_0 = arith.constant 0 : i32
    %c0_i32_1 = arith.constant 0 : i32
    return %c0_i32, %c0_i32_0 : i32, i32
  }
  func.func @transform_7(%arg0: i32) -> (i32, i32) {
    %c0_i32 = arith.constant 0 : i32
    %c0_i32_0 = arith.constant 0 : i32
    return %arg0, %c0_i32 : i32, i32
  }
}

module attributes {stable_mosaic.version = 14 : i64} {
  func.func @body(%arg0: i32, %arg1: memref<2x1568x128xf32, #tpu.memory_space<vmem>>, %arg2: memref<128x128xf32, #tpu.memory_space<vmem>>, %arg3: memref<1568x128xf32, #tpu.memory_space<vmem>>) attributes {dimension_semantics = [#tpu.dimension_semantics<arbitrary>], iteration_bounds = array<i64: 8>, scalar_prefetch = 0 : i64, scratch_operands = 0 : i64, tpu.core_type = #tpu.core_type<tc>, window_params = [{transform_indices = @transform_0, window_bounds = array<i64: 2, 1568, 128>}, {pipeline_mode = #tpu.pipeline_mode<synchronous>, transform_indices = @transform_1, window_bounds = array<i64: 128, 128>}, {transform_indices = @transform_2, window_bounds = array<i64: 1568, 128>}]} {
    %get3A = arith.constant 0 : index
    %get3A_0 = arith.constant 0 : index
    %get3A_1 = arith.constant 0 : index
    %get3A_2 = vector.load %arg1[%get3A, %get3A_0, %get3A_1] : memref<2x1568x128xf32, #tpu.memory_space<vmem>>, vector<1x1568x128xf32>
    %get3A_3 = vector.shape_cast %get3A_2 : vector<1x1568x128xf32> to vector<1568x128xf32>
    %get3A_4 = arith.constant 1 : index
    %get3A_5 = arith.constant 0 : index
    %get3A_6 = arith.constant 0 : index
    %get3A_7 = vector.load %arg1[%get3A_4, %get3A_5, %get3A_6] : memref<2x1568x128xf32, #tpu.memory_space<vmem>>, vector<1x1568x128xf32>
    %get3A_8 = vector.shape_cast %get3A_7 : vector<1x1568x128xf32> to vector<1568x128xf32>
    %add3A = arith.addf %get3A_3, %get3A_8 : vector<1568x128xf32>
    %get3A_9 = arith.constant 0 : index
    %get3A_10 = arith.constant 0 : index
    %get3A_11 = vector.load %arg2[%get3A_9, %get3A_10] : memref<128x128xf32, #tpu.memory_space<vmem>>, vector<128x128xf32>
    %dot_general3A = arith.constant dense<0.000000e+00> : vector<1568x128xf32>
    %dot_general3A_12 = tpu.matmul %add3A, %get3A_11, %dot_general3A {dimension_numbers = #tpu.dot_dimension_numbers<[1], [0], [0], [1], [0, 0, 1, 1], [], []>, transpose_lhs_hint = false} : vector<1568x128xf32>, vector<128x128xf32>, vector<1568x128xf32> -> vector<1568x128xf32>
    %swap3A = arith.constant 0 : index
    %swap3A_13 = arith.constant 0 : index
    %swap3A_14 = vector.load %arg3[%swap3A, %swap3A_13] : memref<1568x128xf32, #tpu.memory_space<vmem>>, vector<1568x128xf32>
    tpu.vector_store %arg3[%swap3A, %swap3A_13], %dot_general3A_12 {strides = array<i32>} : memref<1568x128xf32, #tpu.memory_space<vmem>>, vector<1568x128xf32>,
    return
  }
  func.func @transform_0(%arg0: i32) -> (i32, i32, i32) {
    %c0_i32 = arith.constant 0 : i32
    %c0_i32_0 = arith.constant 0 : i32
    %c0_i32_1 = arith.constant 0 : i32
    return %c0_i32, %arg0, %c0_i32_0 : i32, i32, i32
  }
  func.func @transform_1(%arg0: i32) -> (i32, i32) {
    %c0_i32 = arith.constant 0 : i32
    %c0_i32_0 = arith.constant 0 : i32
    %c0_i32_1 = arith.constant 0 : i32
    return %c0_i32, %c0_i32_0 : i32, i32
  }
  func.func @transform_2(%arg0: i32) -> (i32, i32) {
    %c0_i32 = arith.constant 0 : i32
    %c0_i32_0 = arith.constant 0 : i32
    return %arg0, %c0_i32 : i32, i32
  }
}

</mosaic_0001>

<sc_bundles>
// kernel: kernel.6.cloned.1.call-start
scs
__scs_entry_jumppad:
0x0: {  	(pc) =	sbr.rel $0x88, $3  }
0x1: {  	(tag) =	ssettag $0x0;
	lr =	simm.s32 $0x1  }
0x2: {  	[smem:$0x3F99] =	sst lr;
	_ =	strace $0xD0000000  }
0x3: {  	_ = 	snop  }
0x4: {  	_ = 	snop  }
0x5: {  	_ = 	snop  }
0x6: {  	_ = 	snop  }
0x7: {  	_ = 	snop  }
__scs_overlays_trampoline_lowered:
0x8: {  	[smem:$0x3FA8] =	sst s0  }
0x9: {  	[smem:$0x3FA9] =	sst s1  }
0xa: {  	[smem:$0x3FAA] =	sst s2  }
0xb: {  	[smem:$0x3FAB] =	sst s3  }
0xc: {  	[smem:$0x3FAC] =	sst s4  }
0xd: {  	[smem:$0x3FAD] =	sst s5  }
0xe: {  	[smem:$0x3FAE] =	sst s6  }
0xf: {  	[smem:$0x3FAF] =	sst s7  }
0x10: {  	[smem:$0x3FB0] =	sst s8  }
0x11: {  	[smem:$0x3FB1] =	sst s9;
	s0 =	simm.s32 @!p0 $0x0  }
0x12: {  	s1 =	sld [smem:$0x3F97];
	s0 =	simm.s32 @p0 $0x1  }
0x13: {  	[smem:$0x3FB2] =	sst s0;
	s0 =	simm.s32 @!p1 $0x0  }
0x14: {  	s2 =	sld [smem:$0x3F96];
	s0 =	simm.s32 @p1 $0x1  }
0x15: {  	[smem:$0x3FB3] =	sst s0;
	s0 =	simm.s32 @!p2 $0x0  }
0x16: {  	s3 =	sld [smem:$0x3FDB];
	s0 =	simm.s32 @p2 $0x1  }
0x17: {  	s4 =	simm.s32 $0x1BF5;
	[smem:$0x3FB5] =	sst s0  }
0x18: {  	s0 =	sld [smem:$0x3F98];
	_ =	swait.ge [sflag:s4], $0x0  }
0x19: {  	s7 =	sld [smem:$0x3F99]  }
0x1a: {  	s8 =	sadd.s32 $0xFFFFE003, lr  }
0x1b: {  	s9 =	sadd.s32 $0xFFFFFEF7, lr;
	s5 =	simm.s32 $0xFFFFFFFF;
	p2 =	slt.u32 s8, $0xFFFFF086  }
0x1c: {  	p1 =	slt.u32 s9, $0xF7A;
	s5 =	simm.s32 @!p2 $0x0  }
0x1d: {  	s5 =	simm.s32 @p1 $0x1;
	p0 =	seq.s32 s7, s2  }
0x1e: {  	s7 =	smul.u32 @!p0 $0xF7A, s2;
	p2 =	seq.s32 @!p0 s5, $0x0  }
0x1f: {  	s9 =	smul.u32 $0xF7A, s1;
	s8 =	simm.s32 @!p0 $0x1BF5;
	p2 =	por !p2, p0  }
0x20: {  	[sflag:s8] =	ssyncset.s32 @!p0 $0xFFFFF086;
	s6 =	sadd.s32 @!p0 s3, s7;
	s7 =	simm.s32 @!p0 $0x108  }
0x21: {  	s3 =	sadd.s32 s3, s9;
	s6 =	sadd.s32 @!p0 $0x88, s6;
	s7 =	simm.s32 @p2 $0x1082  }
0x22: {  	[simem:s7], [sflag:s8] =	dma.local @!p0 [hbm:s6], $0xF7A  }
0x23: {  	s9 =	sor.u32 $0xD0000000, s2;
	s6 =	simm.s32 $0x108;
	_ =	swait.ge @!p0 [sflag:s8], $0x0  }
0x24: {  	s3 =	sadd.s32 $0x88, s3;
	s6 =	simm.s32 @!p1 $0x1082;
	[sflag:s4] =	ssyncset.s32 $0xFFFFF086  }
0x25: {  	[simem:s6], [sflag:s4] =	dma.local [hbm:s3], $0xF7A  }
0x26: {  	[smem:$0x3F99] =	sst s1;
	(tag) =	ssettag s2;
	_ =	strace s9  }
0x27: {  	s1 =	sld [smem:$0x3FA9]  }
0x28: {  	s2 =	sld [smem:$0x3FAA]  }
0x29: {  	s4 =	sld [smem:$0x3FAC]  }
0x2a: {  	p0 =	seq.s32 s5, $0x0;
	s5 =	sld [smem:$0x3FAD]  }
0x2b: {  	s6 =	sld [smem:$0x3FAE]  }
0x2c: {  	s7 =	sld [smem:$0x3FAF]  }
0x2d: {  	s3 =	simm.s32 $0x108;
	s8 =	sld [smem:$0x3FB0]  }
0x2e: {  	s3 =	simm.s32 @!p0 $0x1082;
	s9 =	sld [smem:$0x3FB1]  }
0x2f: {  	lr =	sadd.s32 s0, s3;
	s0 =	sld [smem:$0x3FA8]  }
0x30: {  	s3 =	sld [smem:$0x3FAB]  }
0x31: {  	[smem:$0x3FB4] =	sst s10  }
0x32: {  	s10 =	sld [smem:$0x3FB2];
	_ =	sdelay $0x3  }
0x33: {  	p0 =	seq.s32 s10, $0x1;
	s10 =	sld [smem:$0x3FB4];
	_ =	sdelay $0x3  }
0x34: {  	[smem:$0x3FB4] =	sst s10  }
0x35: {  	s10 =	sld [smem:$0x3FB3];
	_ =	sdelay $0x3  }
0x36: {  	p1 =	seq.s32 s10, $0x1;
	s10 =	sld [smem:$0x3FB4];
	_ =	sdelay $0x3  }
0x37: {  	[smem:$0x3FB4] =	sst s10  }
0x38: {  	s10 =	sld [smem:$0x3FB5]  }
0x39: {  	_ = 	snop;
	(pc) =	sbr.ind lr, $3  }
0x3a: {  	_ = 	snop  }
0x3b: {  	_ = 	snop  }
0x3c: {  	p2 =	seq.s32 s10, $0x1;
	s10 =	sld [smem:$0x3FB4]  }
0x3d: {  	_ =	shalt  }
0x3e: {  	_ =	shalt  }
0x3f: {  	_ =	shalt  }
0x40: {  	_ =	shalt  }
0x41: {  	_ =	shalt  }
0x42: {  	_ =	shalt  }
0x43: {  	_ =	shalt  }
0x44: {  	_ =	shalt  }
0x45: {  	_ =	shalt  }
0x46: {  	_ =	shalt  }
0x47: {  	_ =	shalt  }
0x48: {  	_ =	shalt  }
0x49: {  	_ =	shalt  }
0x4a: {  	_ =	shalt  }
0x4b: {  	_ =	shalt  }
0x4c: {  	_ =	shalt  }
0x4d: {  	_ =	shalt  }
0x4e: {  	_ =	shalt  }
0x4f: {  	_ =	shalt  }
0x50: {  	_ =	shalt  }
0x51: {  	_ =	shalt  }
0x52: {  	_ =	shalt  }
0x53: {  	_ =	shalt  }
0x54: {  	_ =	shalt  }
0x55: {  	_ =	shalt  }
0x56: {  	_ =	shalt  }
0x57: {  	_ =	shalt  }
0x58: {  	_ =	shalt  }
0x59: {  	_ =	shalt  }
0x5a: {  	_ =	shalt  }
0x5b: {  	_ =	shalt  }
0x5c: {  	_ =	shalt  }
0x5d: {  	_ =	shalt  }
0x5e: {  	_ =	shalt  }
0x5f: {  	_ =	shalt  }
0x60: {  	_ =	shalt  }
0x61: {  	_ =	shalt  }
0x62: {  	_ =	shalt  }
0x63: {  	_ =	shalt  }
0x64: {  	_ =	shalt  }
0x65: {  	_ =	shalt  }
0x66: {  	_ =	shalt  }
0x67: {  	_ =	shalt  }
0x68: {  	_ =	shalt  }
0x69: {  	_ =	shalt  }
0x6a: {  	_ =	shalt  }
0x6b: {  	_ =	shalt  }
0x6c: {  	_ =	shalt  }
0x6d: {  	_ =	shalt  }
0x6e: {  	_ =	shalt  }
0x6f: {  	_ =	shalt  }
0x70: {  	_ =	shalt  }
0x71: {  	_ =	shalt  }
0x72: {  	_ =	shalt  }
0x73: {  	_ =	shalt  }
0x74: {  	_ =	shalt  }
0x75: {  	_ =	shalt  }
0x76: {  	_ =	shalt  }
0x77: {  	_ =	shalt  }
0x78: {  	_ =	shalt  }
0x79: {  	_ =	shalt  }
0x7a: {  	_ =	shalt  }
0x7b: {  	_ =	shalt  }
0x7c: {  	_ =	shalt  }
0x7d: {  	_ =	shalt  }
0x7e: {  	_ =	shalt  }
0x7f: {  	_ =	shalt  }
0x80: {  	_ =	shalt  }
0x81: {  	_ =	shalt  }
0x82: {  	_ =	shalt  }
0x83: {  	_ =	shalt  }
0x84: {  	_ =	shalt  }
0x85: {  	_ =	shalt  }
0x86: {  	_ =	shalt  }
0x87: {  	_ =	shalt  }
.Lfunc_end0:
.L_simem_size_0:
called_computation_lowered:
.L_overlay_start_0:
0x88: {  	s2 =	sld [smem:$0x3FD9]  }
0x89: {  	s3 =	sld [smem:$0x3FFE];
	_ =	sdelay $0x1  }
0x8a: {  	s1 =	srdreg.scid  }
0x8b: {  	s0 =	sand.u32 $0x1, s1  }
0x8c: {  	s16 =	sshll.u32 s0, $0xA;
	s2 =	sadd.s32 s3, s2  }
0x8d: {  	s2 =	sadd.s32 s2, s16  }
0x8e: {  	[smem:$0x3FC0] =	sst s2  }
0x8f: {  	_ = 	snop  }
0x90: {  	(tm) =	ssettm $0x1  }
0x91: {  	s17 =	sld [smem:$0x3FFB];
	_ =	sdelay $0x3  }
0x92: {  	_ =	strace s17  }
0x93: {  	s2 =	sld [smem:$0x3FFC];
	_ =	sdelay $0x3  }
0x94: {  	_ =	strace s2  }
0x95: {  	s2 =	sld [smem:$0x3FFD];
	_ =	sdelay $0x3  }
0x96: {  	_ =	strace s2  }
0x97: {  	_ =	strace $0x8FFFFFFF  }
0x98: {  	s18 =	sld [smem:$0x3FDB];
	_ =	sdelay $0x1  }
0x99: {  	s19 =	simm.s32 $_scs_section_size  }
0x9a: {  	s4 =	simm.s32 $_size__tile_overlayer_lowered;
	s5 =	simm.s32 $_tile_overlayer_lowered  }
0x9b: {  	s22 =	simm.s32 $0x1BFF;
	s21 =	sshll.u32 s5, $0x1;
	s2 =	sadd.s32 s19, s18  }
0x9c: {  	s6 =	simm.s32 $0x0;
	s20 =	sshll.u32 s4, $0x1;
	s4 =	sadd.s32 s21, s2  }
0x9d: {  	[timem:s6], [sflag:s22] =	dma.local [hbm:s4], s20  }
0x9e: {  	_ =	swait.ge [sflag:s22], s20  }
0x9f: {  	s3 =	ssub.s32 $0x0, s20;
	[sflag:s22] =	ssyncset.done $0x0  }
0xa0: {  	[sflag:s22] =	ssyncadd.s32 s3;
	_ =	sdelay $0x1  }
0xa1: {  	s23 =	simm.s32 $0x1B8B  }
0xa2: {  	_ =	swait.ge [sflag:s23], $0x1  }
0xa3: {  	[sflag:s23] =	ssyncset.done $0x0  }
0xa4: {  	s25 =	simm.s32 $0x1B8E;
	s24 =	sld [smem:$0x3FFE];
	[sflag:s23] =	ssyncadd.s32 $0xFFFFFFFF  }
0xa5: {  	s26 =	simm.s32 $execute0_lowered;
	[smem:$0x3FD2] =	sst s25  }
0xa6: {  	s4 =	sshll.u32 s26, $0x1;
	_ =	strace $0x80000046;
	[dreg:$0x1] =	wrdreg $0xFFFFFFFF  }
0xa7: {  	s28 =	simm.s32 $_size_execute0_lowered;
	s2 =	sadd.s32 s2, s4;
	[dreg:$0x0] =	wrdreg $0x0  }
0xa8: {  	s4 =	sshll.u32 s28, $0x1;
	[dreg:$0x2] =	wrdreg s2  }
0xa9: {  	[dreg:$0x3] =	wrdreg s4  }
0xaa: {  	[dreg:$0x4] =	wrdreg $0xC0  }
0xab: {  	_ =	task [dreg:s6], $0x5FFFF  }
0xac: {  	[dreg:$0x1] =	wrdreg $0xFFFFFFFF  }
0xad: {  	[dreg:$0x0] =	wrdreg $0x60  }
0xae: {  	[dreg:$0x2] =	wrdreg s24  }
0xaf: {  	[dreg:$0x3] =	wrdreg $0x9  }
0xb0: {  	_ =	task.clear_ibuf [dreg:s6], $0x4FFFF;
	_ =	strace $0x90000046  }
0xb1: {  	s29 =	simm.s32 $0x9;
	_ =	strace $0x80000048  }
0xb2: {  	_ =	swait.ge [sflag:s29], $0x1  }
0xb3: {  	[sflag:s29] =	ssyncadd.s32 $0xFFFFFFFF  }
0xb4: {  	_ =	strace $0x90000048  }
0xb5: {  	_ =	sfence  }
0xb6: {  	s30 =	sld [smem:$0x0];
	_ =	sdelay $0x2  }
0xb7: {  	s31 =	sshll.u32 s1, $0xD;
	s1 =	sshrl.u32 s1, $0x2  }
0xb8: {  	s3 =	sand.u32 $0x4000, s31;
	s1 =	sadd.s32 s1, s30  }
0xb9: {  	s0 =	sor.u32 s3, s0;
	s1 =	sshll.u32 s1, $0x11  }
0xba: {  	s0 =	sor.u32 s1, s0  }
0xbb: {  	s0 =	sadd.s32 $0x8F2B, s0  }
0xbc: {  	[sflag:s0] =	ssyncadd.remote.s32 $0x1  }
0xbd: {  	_ =	sfence.sel $0xFFFF  }
0xbe: {  	[dreg:$0x0] =	wrdreg $0xFFFFFFFF;
	(pc) =	sbr.abs _section_cstart, $3  }
0xbf: {  	[dreg:$0x1] =	wrdreg $0xFFFFFFFF  }
0xc0: {  	_ =	task.clear_ibuf [dreg:s6], $0x2FFFF;
	_ =	strace $0x9FFFFFFF  }
0xc1: {  	(tm) =	ssettm $0x7FFFFFFF  }
tec
execute0_lowered:
.L_overlay_start_1:
0x0: {  	(tag) =	ssettag $0x1  }
0x1: {  	s0 =	rddreg [dreg:$0x0]  }
0x2: {  	s2 =	srdreg.scid;
	s1 =	simm.s32 $0x0;
	s7 =	stileid.u32  }
0x3: {  	s23 =	simm.s32 $0x1700;
	s24 =	simm.s32 $0x100;
	s25 =	simm.s32 $0x2700  }
0x4: {  	s26 =	simm.s32 $0x180;
	s31 =	simm.s32 $0x3700;
	s8 =	simm.s32 $0x700  }
0x5: {  	s11 =	simm.s32 $0x280;
	s12 =	simm.s32 $0x5700;
	s13 =	simm.s32 $0x300  }
0x6: {  	s14 =	simm.s32 $0x6700;
	s15 =	simm.s32 $0x380;
	s16 =	simm.s32 $0x7700  }
0x7: {  	s17 =	simm.s32 $0x400;
	s18 =	simm.s32 $0x8700;
	s19 =	simm.s32 $0x480  }
0x8: {  	s20 =	simm.s32 $0x9700;
	s28 =	simm.s32 $0x680;
	s29 =	simm.s32 $0xD700  }
0x9: {  	s30 =	simm.s32 $0x1;
	s2 =	sand.u32 $0x1, s2;
	[smem:$0x7FF] =	sst s1  }
0xa: {  	s6 =	smul.u32 $0xC40, s7;
	_ =	strace $0x80000047;
	[dreg:$0x3] =	wrdreg s23  }
0xb: {  	s3 =	sadd.s32 $0x1400, s0;
	s22 =	smul.u32 $0x18800, s7;
	[dreg:$0x4] =	wrdreg s24  }
0xc: {  	s7 =	simm.s32 $0x80;
	s4 =	smul.u32 $0xC400, s2;
	[dreg:$0x5] =	wrdreg s25  }
0xd: {  	s5 =	smul.u32 $0x188000, s2;
	s2 =	ssub.s32 $0x2, s2;
	[dreg:$0x6] =	wrdreg s26  }
0xe: {  	[dreg:$0x7] =	wrdreg s31;
	s23 =	simm.s32 $0x580;
	s24 =	simm.s32 $0xB700  }
0xf: {  	s25 =	simm.s32 $0x600;
	s26 =	simm.s32 $0xC700;
	s21 =	sshrl.u32 s2, $0x1  }
0x10: {  	s4 =	sadd.s32 s4, s0;
	s0 =	sadd.s32 s5, s0;
	s2 =	ssub.s32 s2, s21  }
0x11: {  	s21 =	simm.s32 $0x500;
	s4 =	sadd.s32 s6, s4;
	s2 =	smax.u32 s2, $0x1  }
0x12: {  	s0 =	sadd.s32 s22, s0;
	s4 =	sadd.s32 $0x342200, s4;
	[dreg:$0x8] =	wrdreg s2  }
0x13: {  	s6 =	simm.s32 $0x2;
	s0 =	sadd.s32 $0x32200, s0;
	[dreg:$0x2] =	wrdreg s4  }
0x14: {  	s22 =	simm.s32 $0xA700;
	s2 =	simm.s32 $0x0;
	[dreg:$0x9] =	wrdreg s0  }
.LBB2_1:
0x15: {  	s10 =	rddreg [dreg:$0x2]  }
0x16: {  	[dreg:$0xa] =	wrdreg s2;
	s2 =	sadd.s32 $0x0, s10  }
0x17: {  	[tilespmem:s1], [sflag:$0x2] =	stream.linear.gather [hbm4b:s2+s1], $0x700, $0x38;
	[tilespmem:$0xE700] =	vst v63  }
0x18: {  	_ =	swait.ge [sflag:s6], $0x700  }
0x19: {  	s31 =	rddreg [dreg:$0x4];
	[sflag:s6] =	ssyncset.done $0x0  }
0x1a: {  	s4 =	rddreg [dreg:$0x3];
	[sflag:s6] =	ssyncadd.s32 $0xFFFFF900  }
0x1b: {  	[tilespmem:s8], [sflag:$0x1] =	stream.indirect.gather [hbm4b:s3+s7], $0x20, s1, s7, $0xb8;
	[tilespmem:$0xE700] =	vst v63  }
0x1c: {  	s5 =	rddreg [dreg:$0x5]  }
0x1d: {  	[tilespmem:s4], [sflag:$0x1] =	stream.indirect.gather [hbm4b:s3+s7], $0x20, s7, s7, $0xb8;
	[tilespmem:$0xE700] =	vst v63  }
0x1e: {  	s0 =	rddreg [dreg:$0x7]  }
0x1f: {  	[tilespmem:s5], [sflag:$0x1] =	stream.indirect.gather [hbm4b:s3+s7], $0x20, s31, s7, $0xb8;
	[tilespmem:$0xE700] =	vst v63  }
0x20: {  	s9 =	rddreg [dreg:$0x6]  }
0x21: {  	[tilespmem:s0], [sflag:$0x1] =	stream.indirect.gather [hbm4b:s3+s7], $0x20, s9, s7, $0xb8;
	[tilespmem:$0xE700] =	vst v63  }
0x22: {  	s10 =	simm.s32 $0x200;
	s31 =	simm.s32 $0x4700  }
0x23: {  	[tilespmem:s31], [sflag:$0x1] =	stream.indirect.gather [hbm4b:s3+s7], $0x20, s10, s7, $0xb8;
	[tilespmem:$0xE700] =	vst v63  }
0x24: {  	_ = 	snop  }
0x25: {  	[tilespmem:s12], [sflag:$0x1] =	stream.indirect.gather [hbm4b:s3+s7], $0x20, s11, s7, $0xb8;
	[tilespmem:$0xE700] =	vst v63  }
0x26: {  	_ = 	snop  }
0x27: {  	[tilespmem:s14], [sflag:$0x1] =	stream.indirect.gather [hbm4b:s3+s7], $0x20, s13, s7, $0xb8;
	[tilespmem:$0xE700] =	vst v63  }
0x28: {  	_ = 	snop  }
0x29: {  	[tilespmem:s16], [sflag:$0x1] =	stream.indirect.gather [hbm4b:s3+s7], $0x20, s15, s7, $0xb8;
	[tilespmem:$0xE700] =	vst v63  }
0x2a: {  	_ = 	snop  }
0x2b: {  	[tilespmem:s18], [sflag:$0x1] =	stream.indirect.gather [hbm4b:s3+s7], $0x20, s17, s7, $0xb8;
	[tilespmem:$0xE700] =	vst v63  }
0x2c: {  	_ = 	snop  }
0x2d: {  	[tilespmem:s20], [sflag:$0x1] =	stream.indirect.gather [hbm4b:s3+s7], $0x20, s19, s7, $0xb8;
	[tilespmem:$0xE700] =	vst v63  }
0x2e: {  	_ = 	snop  }
0x2f: {  	[tilespmem:s22], [sflag:$0x1] =	stream.indirect.gather [hbm4b:s3+s7], $0x20, s21, s7, $0xb8;
	[tilespmem:$0xE700] =	vst v63  }
0x30: {  	_ = 	snop  }
0x31: {  	[tilespmem:s24], [sflag:$0x1] =	stream.indirect.gather [hbm4b:s3+s7], $0x20, s23, s7, $0xb8;
	[tilespmem:$0xE700] =	vst v63  }
0x32: {  	_ = 	snop  }
0x33: {  	[tilespmem:s26], [sflag:$0x1] =	stream.indirect.gather [hbm4b:s3+s7], $0x20, s25, s7, $0xb8;
	[tilespmem:$0xE700] =	vst v63  }
0x34: {  	_ = 	snop  }
0x35: {  	[tilespmem:s29], [sflag:$0x1] =	stream.indirect.gather [hbm4b:s3+s7], $0x20, s28, s7, $0xb8;
	[tilespmem:$0xE700] =	vst v63  }
0x36: {  	_ =	swait.ge [sflag:s30], $0x1000  }
0x37: {  	[sflag:s30] =	ssyncset.done $0x0  }
0x38: {  	[sflag:s30] =	ssyncadd.s32 $0xFFFFF000  }
0x39: {  	_ =	swait.ge [sflag:s30], $0x1000  }
0x3a: {  	[sflag:s30] =	ssyncset.done $0x0  }
0x3b: {  	[sflag:s30] =	ssyncadd.s32 $0xFFFFF000  }
0x3c: {  	_ =	swait.ge [sflag:s30], $0x1000  }
0x3d: {  	[sflag:s30] =	ssyncset.done $0x0  }
0x3e: {  	[sflag:s30] =	ssyncadd.s32 $0xFFFFF000  }
0x3f: {  	_ =	swait.ge [sflag:s30], $0x1000  }
0x40: {  	[sflag:s30] =	ssyncset.done $0x0  }
0x41: {  	[sflag:s30] =	ssyncadd.s32 $0xFFFFF000  }
0x42: {  	_ =	swait.ge [sflag:s30], $0x1000  }
0x43: {  	[sflag:s30] =	ssyncset.done $0x0  }
0x44: {  	[sflag:s30] =	ssyncadd.s32 $0xFFFFF000  }
0x45: {  	_ =	swait.ge [sflag:s30], $0x1000  }
0x46: {  	[sflag:s30] =	ssyncset.done $0x0  }
0x47: {  	[sflag:s30] =	ssyncadd.s32 $0xFFFFF000  }
0x48: {  	_ =	swait.ge [sflag:s30], $0x1000  }
0x49: {  	[sflag:s30] =	ssyncset.done $0x0  }
0x4a: {  	[sflag:s30] =	ssyncadd.s32 $0xFFFFF000  }
0x4b: {  	_ =	swait.ge [sflag:s30], $0x1000  }
0x4c: {  	[sflag:s30] =	ssyncset.done $0x0  }
0x4d: {  	[sflag:s30] =	ssyncadd.s32 $0xFFFFF000  }
0x4e: {  	_ =	swait.ge [sflag:s30], $0x1000  }
0x4f: {  	[sflag:s30] =	ssyncset.done $0x0  }
0x50: {  	[sflag:s30] =	ssyncadd.s32 $0xFFFFF000  }
0x51: {  	_ =	swait.ge [sflag:s30], $0x1000  }
0x52: {  	[sflag:s30] =	ssyncset.done $0x0  }
0x53: {  	[sflag:s30] =	ssyncadd.s32 $0xFFFFF000  }
0x54: {  	_ =	swait.ge [sflag:s30], $0x1000  }
0x55: {  	[sflag:s30] =	ssyncset.done $0x0  }
0x56: {  	[sflag:s30] =	ssyncadd.s32 $0xFFFFF000  }
0x57: {  	_ =	swait.ge [sflag:s30], $0x1000  }
0x58: {  	[sflag:s30] =	ssyncset.done $0x0  }
0x59: {  	[sflag:s30] =	ssyncadd.s32 $0xFFFFF000  }
0x5a: {  	_ =	swait.ge [sflag:s30], $0x1000  }
0x5b: {  	[sflag:s30] =	ssyncset.done $0x0  }
0x5c: {  	[sflag:s30] =	ssyncadd.s32 $0xFFFFF000  }
0x5d: {  	_ =	swait.ge [sflag:s30], $0x1000  }
0x5e: {  	[sflag:s30] =	ssyncset.done $0x0  }
0x5f: {  	s5 =	rddreg [dreg:$0x9];
	[sflag:s30] =	ssyncadd.s32 $0xFFFFF000  }
0x60: {  	[hbm4b:s5+s1] =	stream.linear.scatter [tilespmem:s8], [sflag:$0x2], $0xE000, $0x38;
	[tilespmem:$0xE700] =	vst v63  }
0x61: {  	s2 =	simm.s32 $0xE0;
	s4 =	simm.s32 $0x1C0;
	_ =	swait.ge [sflag:s6], $0xE000  }
.LBB2_2:
0x62: {  	s0 =	rddreg [dreg:$0x2];
	[sflag:s6] =	ssyncset.done $0x0  }
0x63: {  	[sflag:s6] =	ssyncadd.s32 $0xFFFF2000;
	s0 =	sadd.s32 s2, s0  }
0x64: {  	[tilespmem:s1], [sflag:$0x2] =	stream.linear.gather [hbm4b:s0+s1], $0x700, $0x38;
	[tilespmem:$0xE700] =	vst v63  }
0x65: {  	_ =	swait.ge [sflag:s6], $0x700  }
0x66: {  	s31 =	smov.u32 s4;
	[sflag:s6] =	ssyncset.done $0x0;
	s0 =	rddreg [dreg:$0x4]  }
0x67: {  	s2 =	smov.u32 s31;
	s31 =	rddreg [dreg:$0x3];
	[sflag:s6] =	ssyncadd.s32 $0xFFFFF900  }
0x68: {  	[tilespmem:s8], [sflag:$0x1] =	stream.indirect.gather [hbm4b:s3+s7], $0x20, s1, s7, $0xb8;
	[tilespmem:$0xE700] =	vst v63  }
0x69: {  	s9 =	rddreg [dreg:$0x5]  }
0x6a: {  	[tilespmem:s31], [sflag:$0x1] =	stream.indirect.gather [hbm4b:s3+s7], $0x20, s7, s7, $0xb8;
	[tilespmem:$0xE700] =	vst v63  }
0x6b: {  	s10 =	rddreg [dreg:$0x7]  }
0x6c: {  	[tilespmem:s9], [sflag:$0x1] =	stream.indirect.gather [hbm4b:s3+s7], $0x20, s0, s7, $0xb8;
	[tilespmem:$0xE700] =	vst v63  }
0x6d: {  	s31 =	rddreg [dreg:$0x6]  }
0x6e: {  	[tilespmem:s10], [sflag:$0x1] =	stream.indirect.gather [hbm4b:s3+s7], $0x20, s31, s7, $0xb8;
	[tilespmem:$0xE700] =	vst v63  }
0x6f: {  	s10 =	simm.s32 $0x200;
	s31 =	simm.s32 $0x4700  }
0x70: {  	[tilespmem:s31], [sflag:$0x1] =	stream.indirect.gather [hbm4b:s3+s7], $0x20, s10, s7, $0xb8;
	[tilespmem:$0xE700] =	vst v63  }
0x71: {  	_ = 	snop  }
0x72: {  	[tilespmem:s12], [sflag:$0x1] =	stream.indirect.gather [hbm4b:s3+s7], $0x20, s11, s7, $0xb8;
	[tilespmem:$0xE700] =	vst v63  }
0x73: {  	_ = 	snop  }
0x74: {  	[tilespmem:s14], [sflag:$0x1] =	stream.indirect.gather [hbm4b:s3+s7], $0x20, s13, s7, $0xb8;
	[tilespmem:$0xE700] =	vst v63  }
0x75: {  	_ = 	snop  }
0x76: {  	[tilespmem:s16], [sflag:$0x1] =	stream.indirect.gather [hbm4b:s3+s7], $0x20, s15, s7, $0xb8;
	[tilespmem:$0xE700] =	vst v63  }
0x77: {  	_ = 	snop  }
0x78: {  	[tilespmem:s18], [sflag:$0x1] =	stream.indirect.gather [hbm4b:s3+s7], $0x20, s17, s7, $0xb8;
	[tilespmem:$0xE700] =	vst v63  }
0x79: {  	_ = 	snop  }
0x7a: {  	[tilespmem:s20], [sflag:$0x1] =	stream.indirect.gather [hbm4b:s3+s7], $0x20, s19, s7, $0xb8;
	[tilespmem:$0xE700] =	vst v63  }
0x7b: {  	_ = 	snop  }
0x7c: {  	[tilespmem:s22], [sflag:$0x1] =	stream.indirect.gather [hbm4b:s3+s7], $0x20, s21, s7, $0xb8;
	[tilespmem:$0xE700] =	vst v63  }
0x7d: {  	_ = 	snop  }
0x7e: {  	[tilespmem:s24], [sflag:$0x1] =	stream.indirect.gather [hbm4b:s3+s7], $0x20, s23, s7, $0xb8;
	[tilespmem:$0xE700] =	vst v63  }
0x7f: {  	_ = 	snop  }
0x80: {  	[tilespmem:s26], [sflag:$0x1] =	stream.indirect.gather [hbm4b:s3+s7], $0x20, s25, s7, $0xb8;
	[tilespmem:$0xE700] =	vst v63  }
0x81: {  	_ = 	snop  }
0x82: {  	[tilespmem:s29], [sflag:$0x1] =	stream.indirect.gather [hbm4b:s3+s7], $0x20, s28, s7, $0xb8;
	[tilespmem:$0xE700] =	vst v63  }
0x83: {  	_ =	swait.ge [sflag:s30], $0x1000  }
0x84: {  	[sflag:s30] =	ssyncset.done $0x0  }
0x85: {  	[sflag:s30] =	ssyncadd.s32 $0xFFFFF000  }
0x86: {  	_ =	swait.ge [sflag:s30], $0x1000  }
0x87: {  	[sflag:s30] =	ssyncset.done $0x0  }
0x88: {  	[sflag:s30] =	ssyncadd.s32 $0xFFFFF000  }
0x89: {  	_ =	swait.ge [sflag:s30], $0x1000  }
0x8a: {  	[sflag:s30] =	ssyncset.done $0x0  }
0x8b: {  	[sflag:s30] =	ssyncadd.s32 $0xFFFFF000  }
0x8c: {  	_ =	swait.ge [sflag:s30], $0x1000  }
0x8d: {  	[sflag:s30] =	ssyncset.done $0x0  }
0x8e: {  	[sflag:s30] =	ssyncadd.s32 $0xFFFFF000  }
0x8f: {  	_ =	swait.ge [sflag:s30], $0x1000  }
0x90: {  	[sflag:s30] =	ssyncset.done $0x0  }
0x91: {  	[sflag:s30] =	ssyncadd.s32 $0xFFFFF000  }
0x92: {  	_ =	swait.ge [sflag:s30], $0x1000  }
0x93: {  	[sflag:s30] =	ssyncset.done $0x0  }
0x94: {  	[sflag:s30] =	ssyncadd.s32 $0xFFFFF000  }
0x95: {  	_ =	swait.ge [sflag:s30], $0x1000  }
0x96: {  	[sflag:s30] =	ssyncset.done $0x0  }
0x97: {  	[sflag:s30] =	ssyncadd.s32 $0xFFFFF000  }
0x98: {  	_ =	swait.ge [sflag:s30], $0x1000  }
0x99: {  	[sflag:s30] =	ssyncset.done $0x0  }
0x9a: {  	[sflag:s30] =	ssyncadd.s32 $0xFFFFF000  }
0x9b: {  	_ =	swait.ge [sflag:s30], $0x1000  }
0x9c: {  	[sflag:s30] =	ssyncset.done $0x0  }
0x9d: {  	[sflag:s30] =	ssyncadd.s32 $0xFFFFF000  }
0x9e: {  	_ =	swait.ge [sflag:s30], $0x1000  }
0x9f: {  	[sflag:s30] =	ssyncset.done $0x0  }
0xa0: {  	[sflag:s30] =	ssyncadd.s32 $0xFFFFF000  }
0xa1: {  	_ =	swait.ge [sflag:s30], $0x1000  }
0xa2: {  	[sflag:s30] =	ssyncset.done $0x0  }
0xa3: {  	[sflag:s30] =	ssyncadd.s32 $0xFFFFF000  }
0xa4: {  	_ =	swait.ge [sflag:s30], $0x1000  }
0xa5: {  	[sflag:s30] =	ssyncset.done $0x0  }
0xa6: {  	[sflag:s30] =	ssyncadd.s32 $0xFFFFF000  }
0xa7: {  	_ =	swait.ge [sflag:s30], $0x1000  }
0xa8: {  	[sflag:s30] =	ssyncset.done $0x0  }
0xa9: {  	p0 =	sne.s32 s4, $0xB60;
	[sflag:s30] =	ssyncadd.s32 $0xFFFFF000  }
.Ltmp0:
0xaa: {  	_ =	swait.ge [sflag:s30], $0x1000;
	(pc) =	sbr.rel @p0 .LBB2_2-.Ltmp0, $4  }
0xab: {  	[sflag:s30] =	ssyncset.done $0x0  }
0xac: {  	s5 =	sadd.s32 $0x1C00, s5;
	[sflag:s30] =	ssyncadd.s32 $0xFFFFF000  }
0xad: {  	[hbm4b:s5+s1] =	stream.linear.scatter [tilespmem:s8], [sflag:$0x2], $0xE000, $0x38;
	[tilespmem:$0xE700] =	vst v63  }
0xae: {  	s4 =	sadd.s32 $0xE0, s4;
	_ =	swait.ge [sflag:s6], $0xE000  }
0xaf: {  	s0 =	rddreg [dreg:$0x2];
	[sflag:s6] =	ssyncset.done $0x0  }
0xb0: {  	[sflag:s6] =	ssyncadd.s32 $0xFFFF2000;
	s0 =	sadd.s32 s2, s0  }
0xb1: {  	[tilespmem:s1], [sflag:$0x2] =	stream.linear.gather [hbm4b:s0+s1], $0x700, $0x38;
	[tilespmem:$0xE700] =	vst v63  }
0xb2: {  	_ =	swait.ge [sflag:s6], $0x700  }
0xb3: {  	s0 =	rddreg [dreg:$0x4];
	[sflag:s6] =	ssyncset.done $0x0  }
0xb4: {  	s10 =	rddreg [dreg:$0x3];
	[sflag:s6] =	ssyncadd.s32 $0xFFFFF900  }
0xb5: {  	[tilespmem:s8], [sflag:$0x1] =	stream.indirect.gather [hbm4b:s3+s7], $0x20, s1, s7, $0xb8;
	[tilespmem:$0xE700] =	vst v63  }
0xb6: {  	s4 =	rddreg [dreg:$0x5]  }
0xb7: {  	[tilespmem:s10], [sflag:$0x1] =	stream.indirect.gather [hbm4b:s3+s7], $0x20, s7, s7, $0xb8;
	[tilespmem:$0xE700] =	vst v63  }
0xb8: {  	s9 =	rddreg [dreg:$0x7]  }
0xb9: {  	[tilespmem:s4], [sflag:$0x1] =	stream.indirect.gather [hbm4b:s3+s7], $0x20, s0, s7, $0xb8;
	[tilespmem:$0xE700] =	vst v63  }
0xba: {  	s31 =	rddreg [dreg:$0x6]  }
0xbb: {  	[tilespmem:s9], [sflag:$0x1] =	stream.indirect.gather [hbm4b:s3+s7], $0x20, s31, s7, $0xb8;
	[tilespmem:$0xE700] =	vst v63  }
0xbc: {  	s2 =	simm.s32 $0x200;
	s4 =	simm.s32 $0x4700  }
0xbd: {  	[tilespmem:s4], [sflag:$0x1] =	stream.indirect.gather [hbm4b:s3+s7], $0x20, s2, s7, $0xb8;
	[tilespmem:$0xE700] =	vst v63  }
0xbe: {  	_ = 	snop  }
0xbf: {  	[tilespmem:s12], [sflag:$0x1] =	stream.indirect.gather [hbm4b:s3+s7], $0x20, s11, s7, $0xb8;
	[tilespmem:$0xE700] =	vst v63  }
0xc0: {  	_ = 	snop  }
0xc1: {  	[tilespmem:s14], [sflag:$0x1] =	stream.indirect.gather [hbm4b:s3+s7], $0x20, s13, s7, $0xb8;
	[tilespmem:$0xE700] =	vst v63  }
0xc2: {  	_ = 	snop  }
0xc3: {  	[tilespmem:s16], [sflag:$0x1] =	stream.indirect.gather [hbm4b:s3+s7], $0x20, s15, s7, $0xb8;
	[tilespmem:$0xE700] =	vst v63  }
0xc4: {  	_ = 	snop  }
0xc5: {  	[tilespmem:s18], [sflag:$0x1] =	stream.indirect.gather [hbm4b:s3+s7], $0x20, s17, s7, $0xb8;
	[tilespmem:$0xE700] =	vst v63  }
0xc6: {  	_ = 	snop  }
0xc7: {  	[tilespmem:s20], [sflag:$0x1] =	stream.indirect.gather [hbm4b:s3+s7], $0x20, s19, s7, $0xb8;
	[tilespmem:$0xE700] =	vst v63  }
0xc8: {  	_ = 	snop  }
0xc9: {  	[tilespmem:s22], [sflag:$0x1] =	stream.indirect.gather [hbm4b:s3+s7], $0x20, s21, s7, $0xb8;
	[tilespmem:$0xE700] =	vst v63  }
0xca: {  	_ = 	snop  }
0xcb: {  	[tilespmem:s24], [sflag:$0x1] =	stream.indirect.gather [hbm4b:s3+s7], $0x20, s23, s7, $0xb8;
	[tilespmem:$0xE700] =	vst v63  }
0xcc: {  	_ = 	snop  }
0xcd: {  	[tilespmem:s26], [sflag:$0x1] =	stream.indirect.gather [hbm4b:s3+s7], $0x20, s25, s7, $0xb8;
	[tilespmem:$0xE700] =	vst v63  }
0xce: {  	_ = 	snop  }
0xcf: {  	[tilespmem:s29], [sflag:$0x1] =	stream.indirect.gather [hbm4b:s3+s7], $0x20, s28, s7, $0xb8;
	[tilespmem:$0xE700] =	vst v63  }
0xd0: {  	_ =	swait.ge [sflag:s30], $0x1000  }
0xd1: {  	[sflag:s30] =	ssyncset.done $0x0  }
0xd2: {  	[sflag:s30] =	ssyncadd.s32 $0xFFFFF000  }
0xd3: {  	_ =	swait.ge [sflag:s30], $0x1000  }
0xd4: {  	[sflag:s30] =	ssyncset.done $0x0  }
0xd5: {  	[sflag:s30] =	ssyncadd.s32 $0xFFFFF000  }
0xd6: {  	_ =	swait.ge [sflag:s30], $0x1000  }
0xd7: {  	[sflag:s30] =	ssyncset.done $0x0  }
0xd8: {  	[sflag:s30] =	ssyncadd.s32 $0xFFFFF000  }
0xd9: {  	_ =	swait.ge [sflag:s30], $0x1000  }
0xda: {  	[sflag:s30] =	ssyncset.done $0x0  }
0xdb: {  	[sflag:s30] =	ssyncadd.s32 $0xFFFFF000  }
0xdc: {  	_ =	swait.ge [sflag:s30], $0x1000  }
0xdd: {  	[sflag:s30] =	ssyncset.done $0x0  }
0xde: {  	[sflag:s30] =	ssyncadd.s32 $0xFFFFF000  }
0xdf: {  	_ =	swait.ge [sflag:s30], $0x1000  }
0xe0: {  	[sflag:s30] =	ssyncset.done $0x0  }
0xe1: {  	[sflag:s30] =	ssyncadd.s32 $0xFFFFF000  }
0xe2: {  	_ =	swait.ge [sflag:s30], $0x1000  }
0xe3: {  	[sflag:s30] =	ssyncset.done $0x0  }
0xe4: {  	[sflag:s30] =	ssyncadd.s32 $0xFFFFF000  }
0xe5: {  	_ =	swait.ge [sflag:s30], $0x1000  }
0xe6: {  	[sflag:s30] =	ssyncset.done $0x0  }
0xe7: {  	[sflag:s30] =	ssyncadd.s32 $0xFFFFF000  }
0xe8: {  	_ =	swait.ge [sflag:s30], $0x1000  }
0xe9: {  	[sflag:s30] =	ssyncset.done $0x0  }
0xea: {  	[sflag:s30] =	ssyncadd.s32 $0xFFFFF000  }
0xeb: {  	_ =	swait.ge [sflag:s30], $0x1000  }
0xec: {  	[sflag:s30] =	ssyncset.done $0x0  }
0xed: {  	[sflag:s30] =	ssyncadd.s32 $0xFFFFF000  }
0xee: {  	_ =	swait.ge [sflag:s30], $0x1000  }
0xef: {  	[sflag:s30] =	ssyncset.done $0x0  }
0xf0: {  	[sflag:s30] =	ssyncadd.s32 $0xFFFFF000  }
0xf1: {  	_ =	swait.ge [sflag:s30], $0x1000  }
0xf2: {  	[sflag:s30] =	ssyncset.done $0x0  }
0xf3: {  	[sflag:s30] =	ssyncadd.s32 $0xFFFFF000  }
0xf4: {  	_ =	swait.ge [sflag:s30], $0x1000  }
0xf5: {  	[sflag:s30] =	ssyncset.done $0x0  }
0xf6: {  	[sflag:s30] =	ssyncadd.s32 $0xFFFFF000  }
0xf7: {  	_ =	swait.ge [sflag:s30], $0x1000  }
0xf8: {  	[sflag:s30] =	ssyncset.done $0x0  }
0xf9: {  	s9 =	sadd.s32 $0x1C00, s5;
	[sflag:s30] =	ssyncadd.s32 $0xFFFFF000  }
0xfa: {  	[hbm4b:s9+s1] =	stream.linear.scatter [tilespmem:s8], [sflag:$0x2], $0xE000, $0x38;
	[tilespmem:$0xE700] =	vst v63  }
0xfb: {  	_ =	swait.ge [sflag:s6], $0xE000  }
0xfc: {  	s10 =	rddreg [dreg:$0xa]  }
0xfd: {  	s31 =	rddreg [dreg:$0x8];
	s2 =	sadd.s32 $0x1, s10  }
0xfe: {  	p0 =	sne.s32 s2, s31  }
.Ltmp1:
0xff: {  	_ = 	snop;
	(pc) =	sbr.rel @p0 .LBB2_1-.Ltmp1, $3  }
0x100: {  	_ =	sdelay $0x1  }
0x101: {  	[sflag:s6] =	ssyncset.done $0x0  }
0x102: {  	[sflag:s6] =	ssyncadd.s32 $0xFFFF2000  }
0x103: {  	_ =	sfence.sel $0x180000  }
0x104: {  	[bflag:$0x0] =	sbarrier.arrive $0xFFFF  }
0x105: {  	_ =	strace $0x90000047  }
0x106: {  	s0 =	stileid.u32;
	[bflag:$0x2] =	sbarrier.arrive $0xFFFF  }
0x107: {  	p0 =	sne.s32 s0, $0x0;
	s0 =	rddreg [dreg:$0x1]  }
0x108: {  	s0 =	sadd.s32 @!p0 $0x100000, s0  }
0x109: {  	[sflag:s0] =	ssyncadd.tile.s32 @!p0 $0x1;
	_ =	shalt  }
.Lfunc_end2:
_tile_overlayer_lowered:
.L_overlay_start_2:
0x10a: {  	(tag) =	ssettag $0x2  }
0x10b: {  	s0 =	rddreg [dreg:$0x0];
	s2 =	stileid.u32  }
0x10c: {  	s1 =	rddreg [dreg:$0x1];
	p0 =	sne.s32 s2, $0x0  }
0x10d: {  	s3 =	rddreg [dreg:$0x2];
	[bflag:$0x3] =	sbarrier.arrive $0xFFFF;
	s2 =	simm.s32 @!p0 $0x1C02  }
0x10e: {  	[timem:s3], [sflag:s2] =	dma.local @!p0 [hbm:s0], s1  }
0x10f: {  	s0 =	simm.s32 @!p0 $0x2  }
0x110: {  	_ =	swait.ge @!p0 [sflag:s0], s1  }
0x111: {  	s1 =	ssub.s32 @!p0 $0x0, s1;
	[sflag:s0] =	ssyncset.done @!p0 $0x0  }
0x112: {  	[sflag:s0] =	ssyncadd.s32 @!p0 s1  }
0x113: {  	[bflag:$0x3] =	sbarrier.arrive $0xFFFF  }
0x114: {  	_ =	shalt  }

// kernel: kernel.9.cloned.1.call-start
scs
__scs_entry_jumppad:
0x0: {  	(pc) =	sbr.rel $0x88, $3  }
0x1: {  	(tag) =	ssettag $0x0;
	lr =	simm.s32 $0x1  }
0x2: {  	[smem:$0x3F99] =	sst lr;
	_ =	strace $0xD0000000  }
0x3: {  	_ = 	snop  }
0x4: {  	_ = 	snop  }
0x5: {  	_ = 	snop  }
0x6: {  	_ = 	snop  }
0x7: {  	_ = 	snop  }
__scs_overlays_trampoline_lowered:
0x8: {  	[smem:$0x3FA8] =	sst s0  }
0x9: {  	[smem:$0x3FA9] =	sst s1  }
0xa: {  	[smem:$0x3FAA] =	sst s2  }
0xb: {  	[smem:$0x3FAB] =	sst s3  }
0xc: {  	[smem:$0x3FAC] =	sst s4  }
0xd: {  	[smem:$0x3FAD] =	sst s5  }
0xe: {  	[smem:$0x3FAE] =	sst s6  }
0xf: {  	[smem:$0x3FAF] =	sst s7  }
0x10: {  	[smem:$0x3FB0] =	sst s8  }
0x11: {  	[smem:$0x3FB1] =	sst s9;
	s0 =	simm.s32 @!p0 $0x0  }
0x12: {  	s1 =	sld [smem:$0x3F97];
	s0 =	simm.s32 @p0 $0x1  }
0x13: {  	[smem:$0x3FB2] =	sst s0;
	s0 =	simm.s32 @!p1 $0x0  }
0x14: {  	s2 =	sld [smem:$0x3F96];
	s0 =	simm.s32 @p1 $0x1  }
0x15: {  	[smem:$0x3FB3] =	sst s0;
	s0 =	simm.s32 @!p2 $0x0  }
0x16: {  	s3 =	sld [smem:$0x3FDB];
	s0 =	simm.s32 @p2 $0x1  }
0x17: {  	s4 =	simm.s32 $0x1BF5;
	[smem:$0x3FB5] =	sst s0  }
0x18: {  	s0 =	sld [smem:$0x3F98];
	_ =	swait.ge [sflag:s4], $0x0  }
0x19: {  	s7 =	sld [smem:$0x3F99]  }
0x1a: {  	s8 =	sadd.s32 $0xFFFFE003, lr  }
0x1b: {  	s9 =	sadd.s32 $0xFFFFFEF7, lr;
	s5 =	simm.s32 $0xFFFFFFFF;
	p2 =	slt.u32 s8, $0xFFFFF086  }
0x1c: {  	p1 =	slt.u32 s9, $0xF7A;
	s5 =	simm.s32 @!p2 $0x0  }
0x1d: {  	s5 =	simm.s32 @p1 $0x1;
	p0 =	seq.s32 s7, s2  }
0x1e: {  	s7 =	smul.u32 @!p0 $0xF7A, s2;
	p2 =	seq.s32 @!p0 s5, $0x0  }
0x1f: {  	s9 =	smul.u32 $0xF7A, s1;
	s8 =	simm.s32 @!p0 $0x1BF5;
	p2 =	por !p2, p0  }
0x20: {  	[sflag:s8] =	ssyncset.s32 @!p0 $0xFFFFF086;
	s6 =	sadd.s32 @!p0 s3, s7;
	s7 =	simm.s32 @!p0 $0x108  }
0x21: {  	s3 =	sadd.s32 s3, s9;
	s6 =	sadd.s32 @!p0 $0x88, s6;
	s7 =	simm.s32 @p2 $0x1082  }
0x22: {  	[simem:s7], [sflag:s8] =	dma.local @!p0 [hbm:s6], $0xF7A  }
0x23: {  	s9 =	sor.u32 $0xD0000000, s2;
	s6 =	simm.s32 $0x108;
	_ =	swait.ge @!p0 [sflag:s8], $0x0  }
0x24: {  	s3 =	sadd.s32 $0x88, s3;
	s6 =	simm.s32 @!p1 $0x1082;
	[sflag:s4] =	ssyncset.s32 $0xFFFFF086  }
0x25: {  	[simem:s6], [sflag:s4] =	dma.local [hbm:s3], $0xF7A  }
0x26: {  	[smem:$0x3F99] =	sst s1;
	(tag) =	ssettag s2;
	_ =	strace s9  }
0x27: {  	s1 =	sld [smem:$0x3FA9]  }
0x28: {  	s2 =	sld [smem:$0x3FAA]  }
0x29: {  	s4 =	sld [smem:$0x3FAC]  }
0x2a: {  	p0 =	seq.s32 s5, $0x0;
	s5 =	sld [smem:$0x3FAD]  }
0x2b: {  	s6 =	sld [smem:$0x3FAE]  }
0x2c: {  	s7 =	sld [smem:$0x3FAF]  }
0x2d: {  	s3 =	simm.s32 $0x108;
	s8 =	sld [smem:$0x3FB0]  }
0x2e: {  	s3 =	simm.s32 @!p0 $0x1082;
	s9 =	sld [smem:$0x3FB1]  }
0x2f: {  	lr =	sadd.s32 s0, s3;
	s0 =	sld [smem:$0x3FA8]  }
0x30: {  	s3 =	sld [smem:$0x3FAB]  }
0x31: {  	[smem:$0x3FB4] =	sst s10  }
0x32: {  	s10 =	sld [smem:$0x3FB2];
	_ =	sdelay $0x3  }
0x33: {  	p0 =	seq.s32 s10, $0x1;
	s10 =	sld [smem:$0x3FB4];
	_ =	sdelay $0x3  }
0x34: {  	[smem:$0x3FB4] =	sst s10  }
0x35: {  	s10 =	sld [smem:$0x3FB3];
	_ =	sdelay $0x3  }
0x36: {  	p1 =	seq.s32 s10, $0x1;
	s10 =	sld [smem:$0x3FB4];
	_ =	sdelay $0x3  }
0x37: {  	[smem:$0x3FB4] =	sst s10  }
0x38: {  	s10 =	sld [smem:$0x3FB5]  }
0x39: {  	_ = 	snop;
	(pc) =	sbr.ind lr, $3  }
0x3a: {  	_ = 	snop  }
0x3b: {  	_ = 	snop  }
0x3c: {  	p2 =	seq.s32 s10, $0x1;
	s10 =	sld [smem:$0x3FB4]  }
0x3d: {  	_ =	shalt  }
0x3e: {  	_ =	shalt  }
0x3f: {  	_ =	shalt  }
0x40: {  	_ =	shalt  }
0x41: {  	_ =	shalt  }
0x42: {  	_ =	shalt  }
0x43: {  	_ =	shalt  }
0x44: {  	_ =	shalt  }
0x45: {  	_ =	shalt  }
0x46: {  	_ =	shalt  }
0x47: {  	_ =	shalt  }
0x48: {  	_ =	shalt  }
0x49: {  	_ =	shalt  }
0x4a: {  	_ =	shalt  }
0x4b: {  	_ =	shalt  }
0x4c: {  	_ =	shalt  }
0x4d: {  	_ =	shalt  }
0x4e: {  	_ =	shalt  }
0x4f: {  	_ =	shalt  }
0x50: {  	_ =	shalt  }
0x51: {  	_ =	shalt  }
0x52: {  	_ =	shalt  }
0x53: {  	_ =	shalt  }
0x54: {  	_ =	shalt  }
0x55: {  	_ =	shalt  }
0x56: {  	_ =	shalt  }
0x57: {  	_ =	shalt  }
0x58: {  	_ =	shalt  }
0x59: {  	_ =	shalt  }
0x5a: {  	_ =	shalt  }
0x5b: {  	_ =	shalt  }
0x5c: {  	_ =	shalt  }
0x5d: {  	_ =	shalt  }
0x5e: {  	_ =	shalt  }
0x5f: {  	_ =	shalt  }
0x60: {  	_ =	shalt  }
0x61: {  	_ =	shalt  }
0x62: {  	_ =	shalt  }
0x63: {  	_ =	shalt  }
0x64: {  	_ =	shalt  }
0x65: {  	_ =	shalt  }
0x66: {  	_ =	shalt  }
0x67: {  	_ =	shalt  }
0x68: {  	_ =	shalt  }
0x69: {  	_ =	shalt  }
0x6a: {  	_ =	shalt  }
0x6b: {  	_ =	shalt  }
0x6c: {  	_ =	shalt  }
0x6d: {  	_ =	shalt  }
0x6e: {  	_ =	shalt  }
0x6f: {  	_ =	shalt  }
0x70: {  	_ =	shalt  }
0x71: {  	_ =	shalt  }
0x72: {  	_ =	shalt  }
0x73: {  	_ =	shalt  }
0x74: {  	_ =	shalt  }
0x75: {  	_ =	shalt  }
0x76: {  	_ =	shalt  }
0x77: {  	_ =	shalt  }
0x78: {  	_ =	shalt  }
0x79: {  	_ =	shalt  }
0x7a: {  	_ =	shalt  }
0x7b: {  	_ =	shalt  }
0x7c: {  	_ =	shalt  }
0x7d: {  	_ =	shalt  }
0x7e: {  	_ =	shalt  }
0x7f: {  	_ =	shalt  }
0x80: {  	_ =	shalt  }
0x81: {  	_ =	shalt  }
0x82: {  	_ =	shalt  }
0x83: {  	_ =	shalt  }
0x84: {  	_ =	shalt  }
0x85: {  	_ =	shalt  }
0x86: {  	_ =	shalt  }
0x87: {  	_ =	shalt  }
.Lfunc_end0:
.L_simem_size_0:
called_computation.1_lowered:
.L_overlay_start_0:
0x88: {  	s2 =	sld [smem:$0x3FD9]  }
0x89: {  	s3 =	sld [smem:$0x3FFE];
	_ =	sdelay $0x1  }
0x8a: {  	s1 =	srdreg.scid  }
0x8b: {  	s0 =	sand.u32 $0x1, s1  }
0x8c: {  	s17 =	sshll.u32 s0, $0xA;
	s2 =	sadd.s32 s3, s2  }
0x8d: {  	s2 =	sadd.s32 s2, s17  }
0x8e: {  	[smem:$0x3FC0] =	sst s2  }
0x8f: {  	_ = 	snop  }
0x90: {  	s2 =	sld [smem:$0x3FD0];
	(tm) =	ssettm $0x1  }
0x91: {  	s18 =	sld [smem:$0x3FFB];
	_ =	sdelay $0x3  }
0x92: {  	_ =	strace s18  }
0x93: {  	s3 =	sld [smem:$0x3FFC];
	_ =	sdelay $0x3  }
0x94: {  	_ =	strace s3  }
0x95: {  	s3 =	sld [smem:$0x3FFD];
	_ =	sdelay $0x3  }
0x96: {  	_ =	strace s3  }
0x97: {  	_ =	strace $0x8FFFFFFF  }
0x98: {  	s19 =	sld [smem:$0x3FDB];
	_ =	sdelay $0x1  }
0x99: {  	s4 =	simm.s32 $_scs_section_size  }
0x9a: {  	s5 =	simm.s32 $_size__tile_overlayer_lowered;
	s6 =	simm.s32 $_tile_overlayer_lowered  }
0x9b: {  	s22 =	simm.s32 $0x1BFF;
	s21 =	sshll.u32 s6, $0x1;
	s3 =	sadd.s32 s4, s19  }
0x9c: {  	s7 =	simm.s32 $0x0;
	s20 =	sshll.u32 s5, $0x1;
	s5 =	sadd.s32 s21, s3  }
0x9d: {  	[timem:s7], [sflag:s22] =	dma.local [hbm:s5], s20  }
0x9e: {  	_ =	swait.ge [sflag:s22], s20  }
0x9f: {  	s4 =	ssub.s32 $0x0, s20;
	[sflag:s22] =	ssyncset.done $0x0  }
0xa0: {  	[sflag:s22] =	ssyncadd.s32 s4;
	_ =	sdelay $0x1  }
0xa1: {  	s23 =	simm.s32 $0x1B8B  }
0xa2: {  	_ =	swait.ge [sflag:s23], $0x1  }
0xa3: {  	[sflag:s23] =	ssyncset.done $0x0  }
0xa4: {  	s25 =	simm.s32 $0x1B8E;
	s24 =	sld [smem:$0x3FFE];
	[sflag:s23] =	ssyncadd.s32 $0xFFFFFFFF  }
0xa5: {  	s26 =	simm.s32 $execute0_lowered;
	[smem:$0x3FD2] =	sst s25  }
0xa6: {  	s5 =	sshll.u32 s26, $0x1;
	_ =	strace $0x80000049;
	[dreg:$0x1] =	wrdreg $0xFFFFFFFF  }
0xa7: {  	s28 =	simm.s32 $_size_execute0_lowered;
	s3 =	sadd.s32 s3, s5;
	[dreg:$0x0] =	wrdreg $0x0  }
0xa8: {  	s5 =	sshll.u32 s28, $0x1;
	[dreg:$0x2] =	wrdreg s3  }
0xa9: {  	[dreg:$0x3] =	wrdreg s5  }
0xaa: {  	[dreg:$0x4] =	wrdreg $0xC0  }
0xab: {  	_ =	task [dreg:s7], $0x5FFFF  }
0xac: {  	[dreg:$0x1] =	wrdreg $0xFFFFFFFF  }
0xad: {  	[dreg:$0x0] =	wrdreg $0x60  }
0xae: {  	[dreg:$0x2] =	wrdreg s24  }
0xaf: {  	[dreg:$0x3] =	wrdreg s2  }
0xb0: {  	[dreg:$0x4] =	wrdreg $0x42000  }
0xb1: {  	[dreg:$0x5] =	wrdreg $0x9  }
0xb2: {  	_ =	task.clear_ibuf [dreg:s7], $0x6FFFF;
	_ =	strace $0x90000049  }
0xb3: {  	s29 =	simm.s32 $0x9;
	_ =	strace $0x8000004B  }
0xb4: {  	_ =	swait.ge [sflag:s29], $0x1  }
0xb5: {  	[sflag:s29] =	ssyncadd.s32 $0xFFFFFFFF  }
0xb6: {  	_ =	strace $0x9000004B  }
0xb7: {  	_ =	sfence  }
0xb8: {  	s30 =	sld [smem:$0x0];
	_ =	sdelay $0x2  }
0xb9: {  	s31 =	sshll.u32 s1, $0xD;
	s1 =	sshrl.u32 s1, $0x2  }
0xba: {  	s3 =	sand.u32 $0x4000, s31;
	s1 =	sadd.s32 s1, s30  }
0xbb: {  	s0 =	sor.u32 s3, s0;
	s1 =	sshll.u32 s1, $0x11  }
0xbc: {  	s0 =	sor.u32 s1, s0  }
0xbd: {  	s0 =	sadd.s32 $0x8F2B, s0  }
0xbe: {  	[sflag:s0] =	ssyncadd.remote.s32 $0x1  }
0xbf: {  	_ =	sfence.sel $0xFFFF  }
0xc0: {  	[dreg:$0x0] =	wrdreg $0xFFFFFFFF;
	(pc) =	sbr.abs _section_cstart, $3  }
0xc1: {  	[dreg:$0x1] =	wrdreg $0xFFFFFFFF  }
0xc2: {  	_ =	task.clear_ibuf [dreg:s7], $0x2FFFF;
	_ =	strace $0x9FFFFFFF  }
0xc3: {  	(tm) =	ssettm $0x7FFFFFFF  }
tec
execute0_lowered:
.L_overlay_start_1:
0x0: {  	(tag) =	ssettag $0x1  }
0x1: {  	s4 =	rddreg [dreg:$0x0]  }
0x2: {  	s9 =	rddreg [dreg:$0x1];
	s1 =	srdreg.scid  }
0x3: {  	s0 =	stileid.u32;
	s2 =	rddreg [dreg:$0x2]  }
0x4: {  	s3 =	simm.s32 $0x0;
	s15 =	simm.s32 $0x1200;
	s16 =	simm.s32 $0x100  }
0x5: {  	s17 =	simm.s32 $0x2200;
	s18 =	simm.s32 $0x180;
	s19 =	simm.s32 $0x3200  }
0x6: {  	s5 =	sand.u32 $0x1, s1;
	s6 =	smul.u32 $0x18800, s0;
	s1 =	rddreg [dreg:$0x3]  }
0x7: {  	s20 =	simm.s32 $0x0;
	[smem:$0x7FF] =	sst s3;
	s29 =	smul.u32 $0x6200, s0  }
0x8: {  	s30 =	sshll.u32 s0, $0x6;
	s7 =	smul.u32 $0x188000, s5;
	_ =	strace $0x8000004A  }
0x9: {  	s11 =	ssub.s32 $0x2, s5;
	s13 =	smul.u32 $0x62000, s5;
	s5 =	sor.u32 $0x1C02, s30  }
0xa: {  	s8 =	sshrl.u32 s6, $0x3;
	s12 =	sshrl.u32 s11, $0x1;
	s14 =	sadd.s32 s6, s2  }
0xb: {  	s7 =	sadd.s32 s6, s7;
	s8 =	sadd.s32 s8, s4;
	s11 =	ssub.s32 s11, s12  }
0xc: {  	s12 =	sadd.s32 s29, s13;
	s13 =	simm.s32 $0x1;
	s10 =	sadd.s32 s7, s4  }
0xd: {  	s7 =	sshrl.u32 s7, $0x3;
	s31 =	sshrl.u32 s12, $0x3;
	s12 =	simm.s32 $0x200  }
0xe: {  	s7 =	sadd.s32 s7, s4;
	s4 =	sadd.s32 $0x1400, s8;
	s8 =	sadd.s32 $0x4E2A00, s10  }
0xf: {  	s9 =	sadd.s32 s31, s9;
	s10 =	sshrl.u32 s14, $0x3;
	s14 =	simm.s32 $0x80  }
0x10: {  	s6 =	sadd.s32 $0x32400, s7;
	s7 =	smax.u32 s11, $0x1;
	s11 =	simm.s32 $0x2  }
.LBB2_1:
0x11: {  	[spmem:s10], [sflag:s5] =	dma.local [hbm:s4], $0x3100  }
0x12: {  	_ =	swait.ge [sflag:s11], $0x3100  }
0x13: {  	[sflag:s11] =	ssyncset.done $0x0  }
0x14: {  	[sflag:s11] =	ssyncadd.s32 $0xFFFFCF00  }
0x15: {  	s21 =	sadd.s32 $0x0, s9;
	[bflag:$0x0] =	sbarrier.arrive $0xFFFF  }
0x16: {  	[tilespmem:s3], [sflag:$0x2] =	stream.linear.gather [hbm4b:s21+s3], $0x200, $0x38;
	[tilespmem:$0x1CA00] =	vst v63  }
0x17: {  	_ =	swait.ge [sflag:s11], $0x200  }
0x18: {  	[sflag:s11] =	ssyncset.done $0x0  }
0x19: {  	[sflag:s11] =	ssyncadd.s32 $0xFFFFFE00  }
0x1a: {  	[tilespmem:s12], [sflag:$0x1] =	stream.linear.gather [hbm4b:s8+s3], $0x4000, $0x38;
	[tilespmem:$0x1CA00] =	vst v63  }
0x1b: {  	_ =	swait.ge [sflag:s13], $0x4000  }
0x1c: {  	[sflag:s13] =	ssyncset.done $0x0  }
0x1d: {  	[sflag:s13] =	ssyncadd.s32 $0xFFFFC000  }
0x1e: {  	[spmem:s2] =	stream.indirect.scatter.add.f32 [tilespmem:s12], [sflag:$0x2], $0x20, s3, s14, $0xb8;
	[tilespmem:$0x1CA00] =	vst v63  }
0x1f: {  	_ =	swait.ge [sflag:s11], $0x1000  }
0x20: {  	[sflag:s11] =	ssyncset.done $0x0  }
0x21: {  	[sflag:s11] =	ssyncadd.s32 $0xFFFFF000  }
0x22: {  	[spmem:s2] =	stream.indirect.scatter.add.f32 [tilespmem:s15], [sflag:$0x2], $0x20, s14, s14, $0xb8;
	[tilespmem:$0x1CA00] =	vst v63  }
0x23: {  	_ =	swait.ge [sflag:s11], $0x1000  }
0x24: {  	[sflag:s11] =	ssyncset.done $0x0  }
0x25: {  	[sflag:s11] =	ssyncadd.s32 $0xFFFFF000  }
0x26: {  	[spmem:s2] =	stream.indirect.scatter.add.f32 [tilespmem:s17], [sflag:$0x2], $0x20, s16, s14, $0xb8;
	[tilespmem:$0x1CA00] =	vst v63  }
0x27: {  	_ =	swait.ge [sflag:s11], $0x1000  }
0x28: {  	[sflag:s11] =	ssyncset.done $0x0  }
0x29: {  	[sflag:s11] =	ssyncadd.s32 $0xFFFFF000  }
0x2a: {  	[spmem:s2] =	stream.indirect.scatter.add.f32 [tilespmem:s19], [sflag:$0x2], $0x20, s18, s14, $0xb8;
	[tilespmem:$0x1CA00] =	vst v63  }
0x2b: {  	s22 =	simm.s32 $0x40;
	_ =	swait.ge [sflag:s11], $0x1000  }
0x2c: {  	s23 =	simm.s32 $0x80;
	s21 =	sadd.s32 $0x800, s8;
	[sflag:s11] =	ssyncset.done $0x0  }
.LBB2_2:
0x2d: {  	s24 =	sadd.s32 s22, s9  }
0x2e: {  	[sflag:s11] =	ssyncadd.s32 $0xFFFFF000;
	s22 =	smov.u32 s23;
	s25 =	sadd.s32 $0x40, s23  }
0x2f: {  	[tilespmem:s3], [sflag:$0x2] =	stream.linear.gather [hbm4b:s24+s3], $0x200, $0x38;
	[tilespmem:$0x1CA00] =	vst v63  }
0x30: {  	p0 =	sne.s32 s23, $0xC00;
	_ =	swait.ge [sflag:s11], $0x200  }
0x31: {  	[sflag:s11] =	ssyncset.done $0x0  }
0x32: {  	[sflag:s11] =	ssyncadd.s32 $0xFFFFFE00  }
0x33: {  	[tilespmem:s12], [sflag:$0x1] =	stream.linear.gather [hbm4b:s21+s3], $0x4000, $0x38;
	[tilespmem:$0x1CA00] =	vst v63  }
0x34: {  	_ =	swait.ge [sflag:s13], $0x4000  }
0x35: {  	[sflag:s13] =	ssyncset.done $0x0  }
0x36: {  	[sflag:s13] =	ssyncadd.s32 $0xFFFFC000  }
0x37: {  	[spmem:s2] =	stream.indirect.scatter.add.f32 [tilespmem:s12], [sflag:$0x2], $0x20, s3, s14, $0xb8;
	[tilespmem:$0x1CA00] =	vst v63  }
0x38: {  	_ =	swait.ge [sflag:s11], $0x1000  }
0x39: {  	[sflag:s11] =	ssyncset.done $0x0  }
0x3a: {  	[sflag:s11] =	ssyncadd.s32 $0xFFFFF000  }
0x3b: {  	[spmem:s2] =	stream.indirect.scatter.add.f32 [tilespmem:s15], [sflag:$0x2], $0x20, s14, s14, $0xb8;
	[tilespmem:$0x1CA00] =	vst v63  }
0x3c: {  	_ =	swait.ge [sflag:s11], $0x1000  }
0x3d: {  	[sflag:s11] =	ssyncset.done $0x0  }
0x3e: {  	[sflag:s11] =	ssyncadd.s32 $0xFFFFF000  }
0x3f: {  	[spmem:s2] =	stream.indirect.scatter.add.f32 [tilespmem:s17], [sflag:$0x2], $0x20, s16, s14, $0xb8;
	[tilespmem:$0x1CA00] =	vst v63  }
0x40: {  	_ =	swait.ge [sflag:s11], $0x1000  }
.Ltmp0:
0x41: {  	[sflag:s11] =	ssyncset.done $0x0;
	(pc) =	sbr.rel @p0 .LBB2_2-.Ltmp0, $4  }
0x42: {  	[sflag:s11] =	ssyncadd.s32 $0xFFFFF000  }
0x43: {  	[spmem:s2] =	stream.indirect.scatter.add.f32 [tilespmem:s19], [sflag:$0x2], $0x20, s18, s14, $0xb8;
	[tilespmem:$0x1CA00] =	vst v63  }
0x44: {  	_ =	swait.ge [sflag:s11], $0x1000  }
0x45: {  	s23 =	smov.u32 s25;
	s21 =	sadd.s32 $0x800, s21;
	[sflag:s11] =	ssyncset.done $0x0  }
0x46: {  	s22 =	sadd.s32 s22, s9;
	[sflag:s11] =	ssyncadd.s32 $0xFFFFF000  }
0x47: {  	[tilespmem:s3], [sflag:$0x2] =	stream.linear.gather [hbm4b:s22+s3], $0x200, $0x38;
	[tilespmem:$0x1CA00] =	vst v63  }
0x48: {  	_ =	swait.ge [sflag:s11], $0x200  }
0x49: {  	[sflag:s11] =	ssyncset.done $0x0  }
0x4a: {  	[sflag:s11] =	ssyncadd.s32 $0xFFFFFE00  }
0x4b: {  	[tilespmem:s12], [sflag:$0x1] =	stream.linear.gather [hbm4b:s21+s3], $0x4000, $0x38;
	[tilespmem:$0x1CA00] =	vst v63  }
0x4c: {  	_ =	swait.ge [sflag:s13], $0x4000  }
0x4d: {  	[sflag:s13] =	ssyncset.done $0x0  }
0x4e: {  	[sflag:s13] =	ssyncadd.s32 $0xFFFFC000  }
0x4f: {  	[spmem:s2] =	stream.indirect.scatter.add.f32 [tilespmem:s12], [sflag:$0x2], $0x20, s3, s14, $0xb8;
	[tilespmem:$0x1CA00] =	vst v63  }
0x50: {  	_ =	swait.ge [sflag:s11], $0x1000  }
0x51: {  	[sflag:s11] =	ssyncset.done $0x0  }
0x52: {  	[sflag:s11] =	ssyncadd.s32 $0xFFFFF000  }
0x53: {  	[spmem:s2] =	stream.indirect.scatter.add.f32 [tilespmem:s15], [sflag:$0x2], $0x20, s14, s14, $0xb8;
	[tilespmem:$0x1CA00] =	vst v63  }
0x54: {  	_ =	swait.ge [sflag:s11], $0x1000  }
0x55: {  	[sflag:s11] =	ssyncset.done $0x0  }
0x56: {  	[sflag:s11] =	ssyncadd.s32 $0xFFFFF000  }
0x57: {  	[spmem:s2] =	stream.indirect.scatter.add.f32 [tilespmem:s17], [sflag:$0x2], $0x20, s16, s14, $0xb8;
	[tilespmem:$0x1CA00] =	vst v63  }
0x58: {  	_ =	swait.ge [sflag:s11], $0x1000  }
0x59: {  	[sflag:s11] =	ssyncset.done $0x0  }
0x5a: {  	[sflag:s11] =	ssyncadd.s32 $0xFFFFF000  }
0x5b: {  	[spmem:s2] =	stream.indirect.scatter.add.f32 [tilespmem:s19], [sflag:$0x2], $0x20, s18, s14, $0xb8;
	[tilespmem:$0x1CA00] =	vst v63  }
0x5c: {  	_ =	swait.ge [sflag:s11], $0x1000  }
0x5d: {  	s20 =	sadd.s32 $0x1, s20;
	[sflag:s11] =	ssyncset.done $0x0  }
0x5e: {  	p0 =	sne.s32 s20, s7;
	[sflag:s11] =	ssyncadd.s32 $0xFFFFF000  }
.Ltmp1:
0x5f: {  	[bflag:$0x0] =	sbarrier.arrive $0xFFFF;
	(pc) =	sbr.rel @p0 .LBB2_1-.Ltmp1, $4  }
0x60: {  	[hbm:s6], [sflag:s5] =	dma.local [spmem:s10], $0x3100  }
0x61: {  	_ =	swait.ge [sflag:s11], $0x3100  }
0x62: {  	[sflag:s11] =	ssyncset.done $0x0  }
0x63: {  	[sflag:s11] =	ssyncadd.s32 $0xFFFFCF00  }
0x64: {  	_ =	sfence.sel $0x180000  }
0x65: {  	[bflag:$0x0] =	sbarrier.arrive $0xFFFF  }
0x66: {  	p0 =	sne.s32 s0, $0x0;
	_ =	strace $0x9000004A  }
0x67: {  	s0 =	sadd.s32 @!p0 $0x100000, s1;
	[bflag:$0x2] =	sbarrier.arrive $0xFFFF  }
0x68: {  	[sflag:s0] =	ssyncadd.tile.s32 @!p0 $0x1;
	_ =	shalt  }
.Lfunc_end2:
_tile_overlayer_lowered:
.L_overlay_start_2:
0x69: {  	(tag) =	ssettag $0x2  }
0x6a: {  	s0 =	rddreg [dreg:$0x0];
	s2 =	stileid.u32  }
0x6b: {  	s1 =	rddreg [dreg:$0x1];
	p0 =	sne.s32 s2, $0x0  }
0x6c: {  	s3 =	rddreg [dreg:$0x2];
	[bflag:$0x3] =	sbarrier.arrive $0xFFFF;
	s2 =	simm.s32 @!p0 $0x1C02  }
0x6d: {  	[timem:s3], [sflag:s2] =	dma.local @!p0 [hbm:s0], s1  }
0x6e: {  	s0 =	simm.s32 @!p0 $0x2  }
0x6f: {  	_ =	swait.ge @!p0 [sflag:s0], s1  }
0x70: {  	s1 =	ssub.s32 @!p0 $0x0, s1;
	[sflag:s0] =	ssyncset.done @!p0 $0x0  }
0x71: {  	[sflag:s0] =	ssyncadd.s32 @!p0 s1  }
0x72: {  	[bflag:$0x3] =	sbarrier.arrive $0xFFFF  }
0x73: {  	_ =	shalt  }

</sc_bundles>
